<compile_context>
chip_gen: v7x
topology: tpu7x:2x2x1
jax: 0.10.2.dev20260603
libtpu: 0.0.44.dev20260713+nightly
codegen_flags: <defaults>
</compile_context>

<pallas_src>
import functools

import jax
import jax.numpy as jnp
from jax import lax
from jax.experimental import pallas as pl
from jax.experimental.pallas import tpu as pltpu
from jax.experimental.pallas import tpu_sc as plsc

B = 4
N = 4096
NB = 4
RB = N // NB



def _dist_tile(src_ref, tgt_ref):
    a = src_ref[0]
    tt = tgt_ref[0]
    m2ab = jnp.dot(a, tt, preferred_element_type=jnp.float32)
    a2 = a[:, 3:4]
    b2 = tt[4:5, :]
    return (a2 + b2) + m2ab


def _fine_kernel(fine_ref, tgt_ref, rm_ref, am_ref, cm_ref):
    i = pl.program_id(1)
    d = _dist_tile(fine_ref, tgt_ref)
    rm = jnp.maximum(jnp.min(d, axis=1), 0.0)
    rm_ref[0, 0, :] = rm
    iota = lax.broadcasted_iota(jnp.int32, (1, N), 1).astype(jnp.float32)
    amf = jnp.min(jnp.where(d <= rm[:, None], iota, float(N)), axis=1)
    am_ref[0, 0, :] = amf.astype(jnp.int32)
    cm = jnp.min(d, axis=0, keepdims=True)
    cm_ref[0] = jnp.where(i == 0, cm, jnp.minimum(cm_ref[0], cm))


def _stage_fine(fine_aug, tgt_aug):
    row_spec = pl.BlockSpec((1, 1, RB), lambda b, i: (b * NB + i, 0, 0))
    col_spec = pl.BlockSpec((1, 1, N), lambda b, i: (b, 0, 0))
    return pl.pallas_call(
        _fine_kernel,
        grid=(B, NB),
        in_specs=[
            pl.BlockSpec((1, RB, 8), lambda b, i: (b, i, 0)),
            pl.BlockSpec((1, 8, N), lambda b, i: (b, 0, 0)),
        ],
        out_specs=[row_spec, row_spec, col_spec],
        out_shape=[
            jax.ShapeDtypeStruct((B * NB, 1, RB), jnp.float32),
            jax.ShapeDtypeStruct((B * NB, 1, RB), jnp.int32),
            jax.ShapeDtypeStruct((B, 1, N), jnp.float32),
        ],
    )(fine_aug, tgt_aug)



def _coarse_kernel(coarse_ref, tgt_ref, rm_ref, cm_ref):
    i = pl.program_id(1)
    d = _dist_tile(coarse_ref, tgt_ref)
    rm_ref[0, 0, :] = jnp.min(d, axis=1)
    cm = jnp.min(d, axis=0, keepdims=True)
    cm_ref[0] = jnp.where(i == 0, cm, jnp.minimum(cm_ref[0], cm))


def _stage_coarse(coarse_aug, tgt_aug):
    row_spec = pl.BlockSpec((1, 1, RB), lambda b, i: (b * NB + i, 0, 0))
    col_spec = pl.BlockSpec((1, 1, N), lambda b, i: (b, 0, 0))
    return pl.pallas_call(
        _coarse_kernel,
        grid=(B, NB),
        in_specs=[
            pl.BlockSpec((1, RB, 8), lambda b, i: (b, i, 0)),
            pl.BlockSpec((1, 8, N), lambda b, i: (b, 0, 0)),
        ],
        out_specs=[row_spec, col_spec],
        out_shape=[
            jax.ShapeDtypeStruct((B * NB, 1, RB), jnp.float32),
            jax.ShapeDtypeStruct((B, 1, N), jnp.float32),
        ],
    )(coarse_aug, tgt_aug)



def _sc_gather(idx_flat, table_flat):
    info = plsc.get_sparse_core_info()
    nw = info.num_cores * info.num_subcores
    bpw = (B * N) // nw
    ch = 128
    mesh = plsc.VectorSubcoreMesh(core_axis_name="c", subcore_axis_name="s")

    @functools.partial(
        pl.kernel,
        out_type=jax.ShapeDtypeStruct((3 * B, N), jnp.float32),
        mesh=mesh,
        scratch_types=[
            pltpu.VMEM((bpw,), jnp.int32),
            pltpu.VMEM((3, bpw), jnp.int32),
            pltpu.VMEM((3, bpw), jnp.float32),
            pltpu.SemaphoreType.DMA,
        ],
        compiler_params=pltpu.CompilerParams(use_tc_tiling_on_sc=False),
    )
    def k(idx_hbm, table_hbm, out_hbm, idx_v, idx2_v, gat_v, sem):
        wid = lax.axis_index("s") * info.num_cores + lax.axis_index("c")
        base = wid * bpw
        b = base // N
        col0 = base - b * N
        pltpu.sync_copy(idx_hbm.at[pl.ds(base, bpw)], idx_v)
        for c in range(3):
            off = (b * 8 + c) * N
            for j in range(bpw // 16):
                sl = pl.ds(j * 16, 16)
                idx2_v[c, sl] = idx_v[sl] + off
        copies = [
            pltpu.async_copy(table_hbm.at[idx2_v.at[c, pl.ds(q * ch, ch)]],
                             gat_v.at[c, pl.ds(q * ch, ch)], sem)
            for c in range(3) for q in range(bpw // ch)
        ]
        for cp in copies:
            cp.wait()
        for c in range(3):
            pltpu.sync_copy(gat_v.at[c], out_hbm.at[b * 3 + c, pl.ds(col0, bpw)])

    return k(idx_flat, table_flat)



def _roll1(v, k):
    return jnp.concatenate([v[:, k:], v[:, :k]], axis=1)


def _wedge_volume(px, py, pz):
    x1, y1, z1 = _roll1(px, 1), _roll1(py, 1), _roll1(pz, 1)
    x2, y2, z2 = _roll1(px, 2), _roll1(py, 2), _roll1(pz, 2)
    cx = y1 * z2 - z1 * y2
    cy = z1 * x2 - x1 * z2
    cz = x1 * y2 - y1 * x2
    return jnp.sum(px * cx + py * cy + pz * cz) / 6.0


def _loss_kernel(f2_ref, n2_ref, frm_ref, fcm_ref, crm_ref, ccm_ref, out_ref):
    inv_bn = 1.0 / (B * N)

    def chamfer_halfsum(ref):
        return jnp.sum(jnp.sqrt(jnp.maximum(ref[...], 0.0)))

    la_f = 0.5 * (chamfer_halfsum(frm_ref) + chamfer_halfsum(fcm_ref)) * inv_bn
    la_c = 0.5 * (chamfer_halfsum(crm_ref) + chamfer_halfsum(ccm_ref)) * inv_bn
    f2 = f2_ref[...]
    n2 = n2_ref[...]
    loss_rot = 0.0
    loss_ref = 0.0
    loss_geo = 0.0
    for b in range(B):
        fx, fy, fz = (f2[3 * b:3 * b + 1], f2[3 * b + 1:3 * b + 2],
                      f2[3 * b + 2:3 * b + 3])
        nx, ny, nz = (n2[3 * b:3 * b + 1], n2[3 * b + 1:3 * b + 2],
                      n2[3 * b + 2:3 * b + 3])
        def prj(v):
            return v.astype(jnp.bfloat16).astype(jnp.float32)
        im = jnp.sqrt(jnp.sum(prj(fz) * prj(fz)))
        rm = jnp.sqrt(jnp.sum(prj(nz) * prj(nz)))
        loss_rot = loss_rot + (im - rm) ** 2
        loss_ref = loss_ref + jnp.sum((prj(fy) - prj(ny)) ** 2)
        vol_f = _wedge_volume(fx, fy, fz)
        vol_n = _wedge_volume(nx, ny, nz)
        loss_geo = loss_geo + (vol_f - vol_n) ** 2
    total = (loss_rot / B + loss_ref * inv_bn + la_f + la_c + loss_geo / B)
    out_ref[...] = jnp.reshape(total, (1, 1))


def _stage3(f2, n2, frm, fcm, crm, ccm):
    return pl.pallas_call(
        _loss_kernel,
        out_shape=jax.ShapeDtypeStruct((1, 1), jnp.float32),
    )(f2, n2, frm, fcm, crm, ccm)



def _augment_src(p):
    a2 = jnp.sum(p * p, axis=-1, keepdims=True)
    zero = jnp.zeros(p.shape[:-1] + (4,), jnp.float32)
    return jnp.concatenate([-2.0 * p, a2, zero], axis=-1)


def _augment_tgt(t):
    tt = jnp.swapaxes(t, 1, 2)
    b2 = jnp.sum(tt * tt, axis=1, keepdims=True)
    zero1 = jnp.zeros((B, 1, N), jnp.float32)
    zero3 = jnp.zeros((B, 3, N), jnp.float32)
    return jnp.concatenate([tt, zero1, b2, zero3], axis=1)


def kernel(source_points, target_points):
    fine = source_points[1]
    src_aug = _augment_src(source_points)
    coarse_aug = src_aug[0]
    fine_aug = src_aug[1]
    tgt_aug = _augment_tgt(target_points)

    frm, fam, fcm = _stage_fine(fine_aug, tgt_aug)
    n2 = _sc_gather(fam.reshape(B * N), tgt_aug.reshape(B * 8 * N))
    crm, ccm = _stage_coarse(coarse_aug, tgt_aug)

    f2 = jnp.swapaxes(fine, 1, 2).reshape(3 * B, N)
    out = _stage3(f2, n2, frm.reshape(B, N), fcm.reshape(B, N),
                  crm.reshape(B, N), ccm.reshape(B, N))
    return out[0, 0]

# --- scband reference (transcript-rebuilt; emitter-appended) ---
"""Pipeline reference for scband-symmetry-loss-33208687132876 (READ-ONLY COPY).

The authoritative reference and input builder live on the scoring server;
editing this copy changes nothing except your own understanding.
"""

import jax, jax.numpy as jnp
import numpy as np


def _pairwise_sq(a, b):
    # a: (B,N,3), b: (B,M,3) -> (B,N,M) squared euclidean distances
    a2 = jnp.sum(a * a, axis=-1)[:, :, None]
    b2 = jnp.sum(b * b, axis=-1)[:, None, :]
    ab = jnp.einsum('bnd,bmd->bnm', a, b)
    return jnp.maximum(a2 + b2 - 2.0 * ab, 0.0)


def _chamfer_l1(x, y):
    d = _pairwise_sq(x, y)
    d1 = jnp.sqrt(jnp.min(d, axis=2))
    d2 = jnp.sqrt(jnp.min(d, axis=1))
    return (jnp.mean(d1) + jnp.mean(d2)) / 2.0


def _volume_with_wedge(p):
    # scalar triple product (wedge) over consecutive point triplets, per batch
    p1 = jnp.roll(p, -1, axis=1)
    p2 = jnp.roll(p, -2, axis=1)
    triple = jnp.sum(p * jnp.cross(p1, p2), axis=-1)
    return jnp.sum(triple, axis=1) / 6.0


def setup_inputs(seed: int = 0) -> dict:
    key = jax.random.key(seed)
    k1, k2 = jax.random.split(key)
    source_points = jax.random.normal(k1, (2, 4, 4096, 3), dtype=jnp.float32)
    target_points = jax.random.normal(k2, (4, 4096, 3), dtype=jnp.float32)
    return {"source_points": source_points, "target_points": target_points}


def reference(source_points, target_points):
    lambda_rot = 1.0
    lambda_ref = 1.0
    lambda_align = 1.0
    lambda_geo = 1.0
    coarse = source_points[0]
    fine = source_points[1]
    B = fine.shape[0]
    axis = jnp.tile(jnp.array([[0.0, 0.0, 1.0]], dtype=jnp.float32), (B, 1))
    plane_normal = jnp.tile(jnp.array([[0.0, 1.0, 0.0]], dtype=jnp.float32), (B, 1))
    # knn_points K=1: nearest target index per fine source point
    d = _pairwise_sq(fine, target_points)
    idx = jnp.argmin(d, axis=2)  # (B, N)
    new_target_points = jnp.take_along_axis(target_points, idx[..., None], axis=1)  # (B,N,3)
    # alignment (Chamfer L1) on coarse and fine
    loss_align_coarse = _chamfer_l1(coarse, target_points)
    loss_align_fine = _chamfer_l1(fine, target_points)
    # rotational symmetry loss
    input_proj = jnp.einsum('bij,bj->bi', fine, axis)
    recon_proj = jnp.einsum('bij,bj->bi', new_target_points, axis)
    input_mag = jnp.linalg.norm(input_proj, axis=-1)
    recon_mag = jnp.linalg.norm(recon_proj, axis=-1)
    loss_rot = jnp.mean((input_mag - recon_mag) ** 2)
    # reflectional symmetry loss
    pn = plane_normal / jnp.linalg.norm(plane_normal, axis=-1, keepdims=True)
    input_dist = jnp.einsum('bij,bj->bi', fine, pn)
    recon_dist = jnp.einsum('bij,bj->bi', new_target_points, pn)
    loss_ref = jnp.mean((input_dist - recon_dist) ** 2)
    # geometric consistency loss
    input_volume = _volume_with_wedge(fine)
    recon_volume = _volume_with_wedge(new_target_points)
    loss_geo = jnp.mean((input_volume - recon_volume) ** 2)
    total_loss = (lambda_rot * loss_rot + lambda_ref * loss_ref
                  + lambda_align * loss_align_coarse + lambda_align * loss_align_fine
                  + lambda_geo * loss_geo)
    return total_loss

if __name__ == "__main__":
    import jax
    _d = setup_inputs()
    print(jax.jit(kernel)(*tuple(_d.values())))

</pallas_src>

<mosaic_0001>
#map = affine_map<(d0, d1) -> (0)>
#map1 = affine_map<(d0, d1) -> (0, 0)>
module attributes {stable_mosaic.version = 14 : i64} {
  func.func @k(%arg0: i32, %arg1: i32, %arg2: memref<16384xi32, #tpu.memory_space<hbm>>, %arg3: memref<131072xf32, #tpu.memory_space<hbm>>, %arg4: memref<12x4096xf32, #tpu.memory_space<hbm>>, %arg5: memref<512xi32, #tpu.memory_space<vmem>>, %arg6: memref<3x512xi32, #tpu.memory_space<vmem>>, %arg7: memref<3x512xf32, #tpu.memory_space<vmem>>, %arg8: memref<!tpu.dma_semaphore, #tpu.memory_space<semaphore_mem>>) attributes {dimension_semantics = [#tpu.dimension_semantics<core_parallel>, #tpu.dimension_semantics<subcore_parallel>], iteration_bounds = array<i64: 2, 16>, scalar_prefetch = 0 : i64, scratch_operands = 4 : i64, tpu.core_type = #tpu.core_type<sc_vector_subcore>, window_params = [{transform_indices = #map}, {transform_indices = #map}, {transform_indices = #map1}]} {
    %mul3A = arith.constant 2 : i32
    %mul3A_0 = arith.muli %arg1, %mul3A : i32
    %add3A = arith.addi %mul3A_0, %arg0 : i32
    %mul3A_1 = arith.constant 512 : i32
    %mul3A_2 = arith.muli %add3A, %mul3A_1 : i32
    %jit3A = arith.constant 4096 : i32
    %div3A = arith.divsi %mul3A_2, %jit3A : i32
    %sign3A = arith.constant 0 : i32
    %sign3A_3 = arith.cmpi sgt, %mul3A_2, %sign3A : i32
    %sign3A_4 = arith.extui %sign3A_3 : i1 to i32
    %sign3A_5 = arith.constant 0 : i32
    %sign3A_6 = arith.cmpi slt, %mul3A_2, %sign3A_5 : i32
    %sign3A_7 = arith.extui %sign3A_6 : i1 to i32
    %sign3A_8 = arith.subi %sign3A_4, %sign3A_7 : i32
    %sign3A_9 = arith.constant 0 : i32
    %sign3A_10 = arith.cmpi sgt, %jit3A, %sign3A_9 : i32
    %sign3A_11 = arith.extui %sign3A_10 : i1 to i32
    %sign3A_12 = arith.constant 0 : i32
    %sign3A_13 = arith.cmpi slt, %jit3A, %sign3A_12 : i32
    %sign3A_14 = arith.extui %sign3A_13 : i1 to i32
    %sign3A_15 = arith.subi %sign3A_11, %sign3A_14 : i32
    %ne3A = arith.cmpi ne, %sign3A_8, %sign3A_15 : i32
    %rem3A = arith.remsi %mul3A_2, %jit3A : i32
    %ne3A_16 = arith.constant 0 : i32
    %ne3A_17 = arith.cmpi ne, %rem3A, %ne3A_16 : i32
    %and3A = arith.andi %ne3A, %ne3A_17 : i1
    %sub3A = arith.constant 1 : i32
    %sub3A_18 = arith.subi %div3A, %sub3A : i32
    %select_n3A = arith.select %and3A, %sub3A_18, %div3A : i32
    %mul3A_19 = arith.constant 4096 : i32
    %mul3A_20 = arith.muli %select_n3A, %mul3A_19 : i32
    %sub3A_21 = arith.subi %mul3A_2, %mul3A_20 : i32
    "tpu.region"() ({
      %run_scoped3A_1346 = tpu.sem_alloc : memref<!tpu.dma_semaphore, #tpu.memory_space<semaphore_mem>>
      %dma_start3A_1347 = tpu.memref_slice %arg2[%mul3A_2] : memref<16384xi32, #tpu.memory_space<hbm>> -> memref<512xi32, #tpu.memory_space<hbm>>
      %dma_start3A_1348 = tpu.memref_slice %arg2[%mul3A_2] : memref<16384xi32, #tpu.memory_space<hbm>> -> memref<512xi32, #tpu.memory_space<hbm>>
      tpu.enqueue_dma source(%dma_start3A_1348 : memref<512xi32, #tpu.memory_space<hbm>>) target(%arg5 : memref<512xi32, #tpu.memory_space<vmem>>) target_semaphore(%run_scoped3A_1346 : memref<!tpu.dma_semaphore, #tpu.memory_space<semaphore_mem>>)
      %dma_wait3A_1349 = tpu.memref_slice %arg2[%mul3A_2] : memref<16384xi32, #tpu.memory_space<hbm>> -> memref<512xi32, #tpu.memory_space<hbm>>
      %dma_wait3A_1350 = tpu.memref_slice %arg2[%mul3A_2] : memref<16384xi32, #tpu.memory_space<hbm>> -> memref<512xi32, #tpu.memory_space<hbm>>
      tpu.wait_dma2 semaphore(%run_scoped3A_1346 : memref<!tpu.dma_semaphore, #tpu.memory_space<semaphore_mem>>) src(%dma_wait3A_1350 : memref<512xi32, #tpu.memory_space<hbm>>) dst(%arg5 : memref<512xi32, #tpu.memory_space<vmem>>)
      tpu.yield
    }) : () -> ()
    %mul3A_22 = arith.constant 8 : i32
    %mul3A_23 = arith.muli %select_n3A, %mul3A_22 : i32
    %add3A_24 = arith.constant 0 : i32
    %add3A_25 = arith.addi %mul3A_23, %add3A_24 : i32
    %mul3A_26 = arith.constant 4096 : i32
    %mul3A_27 = arith.muli %add3A_25, %mul3A_26 : i32
    %get3A = arith.constant 0 : index
    %get3A_28 = tpu.vector_load %arg5[%get3A] {strides = array<i32>} : memref<512xi32, #tpu.memory_space<vmem>>, vector<16xi32>,
    %get3A_29 = vector.shape_cast %get3A_28 : vector<16xi32> to vector<16xi32>
    %add3A_30 = vector.broadcast %mul3A_27 : i32 to vector<16xi32>
    %add3A_31 = arith.addi %get3A_29, %add3A_30 : vector<16xi32>
    %swap3A = arith.constant 0 : i32
    %swap3A_32 = arith.index_cast %swap3A : i32 to index
    %swap3A_33 = arith.constant 0 : index
    %swap3A_34 = tpu.vector_load %arg6[%swap3A_32, %swap3A_33] {strides = array<i32>} : memref<3x512xi32, #tpu.memory_space<vmem>>, vector<1x16xi32>,
    %swap3A_35 = vector.shape_cast %swap3A_34 : vector<1x16xi32> to vector<16xi32>
    %swap3A_36 = vector.shape_cast %add3A_31 : vector<16xi32> to vector<1x16xi32>
    tpu.vector_store %arg6[%swap3A_32, %swap3A_33], %swap3A_36 {strides = array<i32>} : memref<3x512xi32, #tpu.memory_space<vmem>>, vector<1x16xi32>,
    %get3A_37 = arith.constant 16 : index
    %get3A_38 = tpu.vector_load %arg5[%get3A_37] {strides = array<i32>} : memref<512xi32, #tpu.memory_space<vmem>>, vector<16xi32>,
    %get3A_39 = vector.shape_cast %get3A_38 : vector<16xi32> to vector<16xi32>
    %add3A_40 = vector.broadcast %mul3A_27 : i32 to vector<16xi32>
    %add3A_41 = arith.addi %get3A_39, %add3A_40 : vector<16xi32>
    %swap3A_42 = arith.constant 0 : i32
    %swap3A_43 = arith.index_cast %swap3A_42 : i32 to index
    %swap3A_44 = arith.constant 16 : index
    %swap3A_45 = tpu.vector_load %arg6[%swap3A_43, %swap3A_44] {strides = array<i32>} : memref<3x512xi32, #tpu.memory_space<vmem>>, vector<1x16xi32>,
    %swap3A_46 = vector.shape_cast %swap3A_45 : vector<1x16xi32> to vector<16xi32>
    %swap3A_47 = vector.shape_cast %add3A_41 : vector<16xi32> to vector<1x16xi32>
    tpu.vector_store %arg6[%swap3A_43, %swap3A_44], %swap3A_47 {strides = array<i32>} : memref<3x512xi32, #tpu.memory_space<vmem>>, vector<1x16xi32>,
    %get3A_48 = arith.constant 32 : index
    %get3A_49 = tpu.vector_load %arg5[%get3A_48] {strides = array<i32>} : memref<512xi32, #tpu.memory_space<vmem>>, vector<16xi32>,
    %get3A_50 = vector.shape_cast %get3A_49 : vector<16xi32> to vector<16xi32>
    %add3A_51 = vector.broadcast %mul3A_27 : i32 to vector<16xi32>
    %add3A_52 = arith.addi %get3A_50, %add3A_51 : vector<16xi32>
    %swap3A_53 = arith.constant 0 : i32
    %swap3A_54 = arith.index_cast %swap3A_53 : i32 to index
    %swap3A_55 = arith.constant 32 : index
    %swap3A_56 = tpu.vector_load %arg6[%swap3A_54, %swap3A_55] {strides = array<i32>} : memref<3x512xi32, #tpu.memory_space<vmem>>, vector<1x16xi32>,
    %swap3A_57 = vector.shape_cast %swap3A_56 : vector<1x16xi32> to vector<16xi32>
    %swap3A_58 = vector.shape_cast %add3A_52 : vector<16xi32> to vector<1x16xi32>
    tpu.vector_store %arg6[%swap3A_54, %swap3A_55], %swap3A_58 {strides = array<i32>} : memref<3x512xi32, #tpu.memory_space<vmem>>, vector<1x16xi32>,
    %get3A_59 = arith.constant 48 : index
    %get3A_60 = tpu.vector_load %arg5[%get3A_59] {strides = array<i32>} : memref<512xi32, #tpu.memory_space<vmem>>, vector<16xi32>,
    %get3A_61 = vector.shape_cast %get3A_60 : vector<16xi32> to vector<16xi32>
    %add3A_62 = vector.broadcast %mul3A_27 : i32 to vector<16xi32>
    %add3A_63 = arith.addi %get3A_61, %add3A_62 : vector<16xi32>
    %swap3A_64 = arith.constant 0 : i32
    %swap3A_65 = arith.index_cast %swap3A_64 : i32 to index
    %swap3A_66 = arith.constant 48 : index
    %swap3A_67 = tpu.vector_load %arg6[%swap3A_65, %swap3A_66] {strides = array<i32>} : memref<3x512xi32, #tpu.memory_space<vmem>>, vector<1x16xi32>,
    %swap3A_68 = vector.shape_cast %swap3A_67 : vector<1x16xi32> to vector<16xi32>
    %swap3A_69 = vector.shape_cast %add3A_63 : vector<16xi32> to vector<1x16xi32>
    tpu.vector_store %arg6[%swap3A_65, %swap3A_66], %swap3A_69 {strides = array<i32>} : memref<3x512xi32, #tpu.memory_space<vmem>>, vector<1x16xi32>,
    %get3A_70 = arith.constant 64 : index
    %get3A_71 = tpu.vector_load %arg5[%get3A_70] {strides = array<i32>} : memref<512xi32, #tpu.memory_space<vmem>>, vector<16xi32>,
    %get3A_72 = vector.shape_cast %get3A_71 : vector<16xi32> to vector<16xi32>
    %add3A_73 = vector.broadcast %mul3A_27 : i32 to vector<16xi32>
    %add3A_74 = arith.addi %get3A_72, %add3A_73 : vector<16xi32>
    %swap3A_75 = arith.constant 0 : i32
    %swap3A_76 = arith.index_cast %swap3A_75 : i32 to index
    %swap3A_77 = arith.constant 64 : index
    %swap3A_78 = tpu.vector_load %arg6[%swap3A_76, %swap3A_77] {strides = array<i32>} : memref<3x512xi32, #tpu.memory_space<vmem>>, vector<1x16xi32>,
    %swap3A_79 = vector.shape_cast %swap3A_78 : vector<1x16xi32> to vector<16xi32>
    %swap3A_80 = vector.shape_cast %add3A_74 : vector<16xi32> to vector<1x16xi32>
    tpu.vector_store %arg6[%swap3A_76, %swap3A_77], %swap3A_80 {strides = array<i32>} : memref<3x512xi32, #tpu.memory_space<vmem>>, vector<1x16xi32>,
    %get3A_81 = arith.constant 80 : index
    %get3A_82 = tpu.vector_load %arg5[%get3A_81] {strides = array<i32>} : memref<512xi32, #tpu.memory_space<vmem>>, vector<16xi32>,
    %get3A_83 = vector.shape_cast %get3A_82 : vector<16xi32> to vector<16xi32>
    %add3A_84 = vector.broadcast %mul3A_27 : i32 to vector<16xi32>
    %add3A_85 = arith.addi %get3A_83, %add3A_84 : vector<16xi32>
    %swap3A_86 = arith.constant 0 : i32
    %swap3A_87 = arith.index_cast %swap3A_86 : i32 to index
    %swap3A_88 = arith.constant 80 : index
    %swap3A_89 = tpu.vector_load %arg6[%swap3A_87, %swap3A_88] {strides = array<i32>} : memref<3x512xi32, #tpu.memory_space<vmem>>, vector<1x16xi32>,
    %swap3A_90 = vector.shape_cast %swap3A_89 : vector<1x16xi32> to vector<16xi32>
    %swap3A_91 = vector.shape_cast %add3A_85 : vector<16xi32> to vector<1x16xi32>
    tpu.vector_store %arg6[%swap3A_87, %swap3A_88], %swap3A_91 {strides = array<i32>} : memref<3x512xi32, #tpu.memory_space<vmem>>, vector<1x16xi32>,
    %get3A_92 = arith.constant 96 : index
    %get3A_93 = tpu.vector_load %arg5[%get3A_92] {strides = array<i32>} : memref<512xi32, #tpu.memory_space<vmem>>, vector<16xi32>,
    %get3A_94 = vector.shape_cast %get3A_93 : vector<16xi32> to vector<16xi32>
    %add3A_95 = vector.broadcast %mul3A_27 : i32 to vector<16xi32>
    %add3A_96 = arith.addi %get3A_94, %add3A_95 : vector<16xi32>
    %swap3A_97 = arith.constant 0 : i32
    %swap3A_98 = arith.index_cast %swap3A_97 : i32 to index
    %swap3A_99 = arith.constant 96 : index
    %swap3A_100 = tpu.vector_load %arg6[%swap3A_98, %swap3A_99] {strides = array<i32>} : memref<3x512xi32, #tpu.memory_space<vmem>>, vector<1x16xi32>,
    %swap3A_101 = vector.shape_cast %swap3A_100 : vector<1x16xi32> to vector<16xi32>
    %swap3A_102 = vector.shape_cast %add3A_96 : vector<16xi32> to vector<1x16xi32>
    tpu.vector_store %arg6[%swap3A_98, %swap3A_99], %swap3A_102 {strides = array<i32>} : memref<3x512xi32, #tpu.memory_space<vmem>>, vector<1x16xi32>,
    %get3A_103 = arith.constant 112 : index
    %get3A_104 = tpu.vector_load %arg5[%get3A_103] {strides = array<i32>} : memref<512xi32, #tpu.memory_space<vmem>>, vector<16xi32>,
    %get3A_105 = vector.shape_cast %get3A_104 : vector<16xi32> to vector<16xi32>
    %add3A_106 = vector.broadcast %mul3A_27 : i32 to vector<16xi32>
    %add3A_107 = arith.addi %get3A_105, %add3A_106 : vector<16xi32>
    %swap3A_108 = arith.constant 0 : i32
    %swap3A_109 = arith.index_cast %swap3A_108 : i32 to index
    %swap3A_110 = arith.constant 112 : index
    %swap3A_111 = tpu.vector_load %arg6[%swap3A_109, %swap3A_110] {strides = array<i32>} : memref<3x512xi32, #tpu.memory_space<vmem>>, vector<1x16xi32>,
    %swap3A_112 = vector.shape_cast %swap3A_111 : vector<1x16xi32> to vector<16xi32>
    %swap3A_113 = vector.shape_cast %add3A_107 : vector<16xi32> to vector<1x16xi32>
    tpu.vector_store %arg6[%swap3A_109, %swap3A_110], %swap3A_113 {strides = array<i32>} : memref<3x512xi32, #tpu.memory_space<vmem>>, vector<1x16xi32>,
    %get3A_114 = arith.constant 128 : index
    %get3A_115 = tpu.vector_load %arg5[%get3A_114] {strides = array<i32>} : memref<512xi32, #tpu.memory_space<vmem>>, vector<16xi32>,
    %get3A_116 = vector.shape_cast %get3A_115 : vector<16xi32> to vector<16xi32>
    %add3A_117 = vector.broadcast %mul3A_27 : i32 to vector<16xi32>
    %add3A_118 = arith.addi %get3A_116, %add3A_117 : vector<16xi32>
    %swap3A_119 = arith.constant 0 : i32
    %swap3A_120 = arith.index_cast %swap3A_119 : i32 to index
    %swap3A_121 = arith.constant 128 : index
    %swap3A_122 = tpu.vector_load %arg6[%swap3A_120, %swap3A_121] {strides = array<i32>} : memref<3x512xi32, #tpu.memory_space<vmem>>, vector<1x16xi32>,
    %swap3A_123 = vector.shape_cast %swap3A_122 : vector<1x16xi32> to vector<16xi32>
    %swap3A_124 = vector.shape_cast %add3A_118 : vector<16xi32> to vector<1x16xi32>
    tpu.vector_store %arg6[%swap3A_120, %swap3A_121], %swap3A_124 {strides = array<i32>} : memref<3x512xi32, #tpu.memory_space<vmem>>, vector<1x16xi32>,
    %get3A_125 = arith.constant 144 : index
    %get3A_126 = tpu.vector_load %arg5[%get3A_125] {strides = array<i32>} : memref<512xi32, #tpu.memory_space<vmem>>, vector<16xi32>,
    %get3A_127 = vector.shape_cast %get3A_126 : vector<16xi32> to vector<16xi32>
    %add3A_128 = vector.broadcast %mul3A_27 : i32 to vector<16xi32>
    %add3A_129 = arith.addi %get3A_127, %add3A_128 : vector<16xi32>
    %swap3A_130 = arith.constant 0 : i32
    %swap3A_131 = arith.index_cast %swap3A_130 : i32 to index
    %swap3A_132 = arith.constant 144 : index
    %swap3A_133 = tpu.vector_load %arg6[%swap3A_131, %swap3A_132] {strides = array<i32>} : memref<3x512xi32, #tpu.memory_space<vmem>>, vector<1x16xi32>,
    %swap3A_134 = vector.shape_cast %swap3A_133 : vector<1x16xi32> to vector<16xi32>
    %swap3A_135 = vector.shape_cast %add3A_129 : vector<16xi32> to vector<1x16xi32>
    tpu.vector_store %arg6[%swap3A_131, %swap3A_132], %swap3A_135 {strides = array<i32>} : memref<3x512xi32, #tpu.memory_space<vmem>>, vector<1x16xi32>,
    %get3A_136 = arith.constant 160 : index
    %get3A_137 = tpu.vector_load %arg5[%get3A_136] {strides = array<i32>} : memref<512xi32, #tpu.memory_space<vmem>>, vector<16xi32>,
    %get3A_138 = vector.shape_cast %get3A_137 : vector<16xi32> to vector<16xi32>
    %add3A_139 = vector.broadcast %mul3A_27 : i32 to vector<16xi32>
    %add3A_140 = arith.addi %get3A_138, %add3A_139 : vector<16xi32>
    %swap3A_141 = arith.constant 0 : i32
    %swap3A_142 = arith.index_cast %swap3A_141 : i32 to index
    %swap3A_143 = arith.constant 160 : index
    %swap3A_144 = tpu.vector_load %arg6[%swap3A_142, %swap3A_143] {strides = array<i32>} : memref<3x512xi32, #tpu.memory_space<vmem>>, vector<1x16xi32>,
    %swap3A_145 = vector.shape_cast %swap3A_144 : vector<1x16xi32> to vector<16xi32>
    %swap3A_146 = vector.shape_cast %add3A_140 : vector<16xi32> to vector<1x16xi32>
    tpu.vector_store %arg6[%swap3A_142, %swap3A_143], %swap3A_146 {strides = array<i32>} : memref<3x512xi32, #tpu.memory_space<vmem>>, vector<1x16xi32>,
    %get3A_147 = arith.constant 176 : index
    %get3A_148 = tpu.vector_load %arg5[%get3A_147] {strides = array<i32>} : memref<512xi32, #tpu.memory_space<vmem>>, vector<16xi32>,
    %get3A_149 = vector.shape_cast %get3A_148 : vector<16xi32> to vector<16xi32>
    %add3A_150 = vector.broadcast %mul3A_27 : i32 to vector<16xi32>
    %add3A_151 = arith.addi %get3A_149, %add3A_150 : vector<16xi32>
    %swap3A_152 = arith.constant 0 : i32
    %swap3A_153 = arith.index_cast %swap3A_152 : i32 to index
    %swap3A_154 = arith.constant 176 : index
    %swap3A_155 = tpu.vector_load %arg6[%swap3A_153, %swap3A_154] {strides = array<i32>} : memref<3x512xi32, #tpu.memory_space<vmem>>, vector<1x16xi32>,
    %swap3A_156 = vector.shape_cast %swap3A_155 : vector<1x16xi32> to vector<16xi32>
    %swap3A_157 = vector.shape_cast %add3A_151 : vector<16xi32> to vector<1x16xi32>
    tpu.vector_store %arg6[%swap3A_153, %swap3A_154], %swap3A_157 {strides = array<i32>} : memref<3x512xi32, #tpu.memory_space<vmem>>, vector<1x16xi32>,
    %get3A_158 = arith.constant 192 : index
    %get3A_159 = tpu.vector_load %arg5[%get3A_158] {strides = array<i32>} : memref<512xi32, #tpu.memory_space<vmem>>, vector<16xi32>,
    %get3A_160 = vector.shape_cast %get3A_159 : vector<16xi32> to vector<16xi32>
    %add3A_161 = vector.broadcast %mul3A_27 : i32 to vector<16xi32>
    %add3A_162 = arith.addi %get3A_160, %add3A_161 : vector<16xi32>
    %swap3A_163 = arith.constant 0 : i32
    %swap3A_164 = arith.index_cast %swap3A_163 : i32 to index
    %swap3A_165 = arith.constant 192 : index
    %swap3A_166 = tpu.vector_load %arg6[%swap3A_164, %swap3A_165] {strides = array<i32>} : memref<3x512xi32, #tpu.memory_space<vmem>>, vector<1x16xi32>,
    %swap3A_167 = vector.shape_cast %swap3A_166 : vector<1x16xi32> to vector<16xi32>
    %swap3A_168 = vector.shape_cast %add3A_162 : vector<16xi32> to vector<1x16xi32>
    tpu.vector_store %arg6[%swap3A_164, %swap3A_165], %swap3A_168 {strides = array<i32>} : memref<3x512xi32, #tpu.memory_space<vmem>>, vector<1x16xi32>,
    %get3A_169 = arith.constant 208 : index
    %get3A_170 = tpu.vector_load %arg5[%get3A_169] {strides = array<i32>} : memref<512xi32, #tpu.memory_space<vmem>>, vector<16xi32>,
    %get3A_171 = vector.shape_cast %get3A_170 : vector<16xi32> to vector<16xi32>
    %add3A_172 = vector.broadcast %mul3A_27 : i32 to vector<16xi32>
    %add3A_173 = arith.addi %get3A_171, %add3A_172 : vector<16xi32>
    %swap3A_174 = arith.constant 0 : i32
    %swap3A_175 = arith.index_cast %swap3A_174 : i32 to index
    %swap3A_176 = arith.constant 208 : index
    %swap3A_177 = tpu.vector_load %arg6[%swap3A_175, %swap3A_176] {strides = array<i32>} : memref<3x512xi32, #tpu.memory_space<vmem>>, vector<1x16xi32>,
    %swap3A_178 = vector.shape_cast %swap3A_177 : vector<1x16xi32> to vector<16xi32>
    %swap3A_179 = vector.shape_cast %add3A_173 : vector<16xi32> to vector<1x16xi32>
    tpu.vector_store %arg6[%swap3A_175, %swap3A_176], %swap3A_179 {strides = array<i32>} : memref<3x512xi32, #tpu.memory_space<vmem>>, vector<1x16xi32>,
    %get3A_180 = arith.constant 224 : index
    %get3A_181 = tpu.vector_load %arg5[%get3A_180] {strides = array<i32>} : memref<512xi32, #tpu.memory_space<vmem>>, vector<16xi32>,
    %get3A_182 = vector.shape_cast %get3A_181 : vector<16xi32> to vector<16xi32>
    %add3A_183 = vector.broadcast %mul3A_27 : i32 to vector<16xi32>
    %add3A_184 = arith.addi %get3A_182, %add3A_183 : vector<16xi32>
    %swap3A_185 = arith.constant 0 : i32
    %swap3A_186 = arith.index_cast %swap3A_185 : i32 to index
    %swap3A_187 = arith.constant 224 : index
    %swap3A_188 = tpu.vector_load %arg6[%swap3A_186, %swap3A_187] {strides = array<i32>} : memref<3x512xi32, #tpu.memory_space<vmem>>, vector<1x16xi32>,
    %swap3A_189 = vector.shape_cast %swap3A_188 : vector<1x16xi32> to vector<16xi32>
    %swap3A_190 = vector.shape_cast %add3A_184 : vector<16xi32> to vector<1x16xi32>
    tpu.vector_store %arg6[%swap3A_186, %swap3A_187], %swap3A_190 {strides = array<i32>} : memref<3x512xi32, #tpu.memory_space<vmem>>, vector<1x16xi32>,
    %get3A_191 = arith.constant 240 : index
    %get3A_192 = tpu.vector_load %arg5[%get3A_191] {strides = array<i32>} : memref<512xi32, #tpu.memory_space<vmem>>, vector<16xi32>,
    %get3A_193 = vector.shape_cast %get3A_192 : vector<16xi32> to vector<16xi32>
    %add3A_194 = vector.broadcast %mul3A_27 : i32 to vector<16xi32>
    %add3A_195 = arith.addi %get3A_193, %add3A_194 : vector<16xi32>
    %swap3A_196 = arith.constant 0 : i32
    %swap3A_197 = arith.index_cast %swap3A_196 : i32 to index
    %swap3A_198 = arith.constant 240 : index
    %swap3A_199 = tpu.vector_load %arg6[%swap3A_197, %swap3A_198] {strides = array<i32>} : memref<3x512xi32, #tpu.memory_space<vmem>>, vector<1x16xi32>,
    %swap3A_200 = vector.shape_cast %swap3A_199 : vector<1x16xi32> to vector<16xi32>
    %swap3A_201 = vector.shape_cast %add3A_195 : vector<16xi32> to vector<1x16xi32>
    tpu.vector_store %arg6[%swap3A_197, %swap3A_198], %swap3A_201 {strides = array<i32>} : memref<3x512xi32, #tpu.memory_space<vmem>>, vector<1x16xi32>,
    %get3A_202 = arith.constant 256 : index
    %get3A_203 = tpu.vector_load %arg5[%get3A_202] {strides = array<i32>} : memref<512xi32, #tpu.memory_space<vmem>>, vector<16xi32>,
    %get3A_204 = vector.shape_cast %get3A_203 : vector<16xi32> to vector<16xi32>
    %add3A_205 = vector.broadcast %mul3A_27 : i32 to vector<16xi32>
    %add3A_206 = arith.addi %get3A_204, %add3A_205 : vector<16xi32>
    %swap3A_207 = arith.constant 0 : i32
    %swap3A_208 = arith.index_cast %swap3A_207 : i32 to index
    %swap3A_209 = arith.constant 256 : index
    %swap3A_210 = tpu.vector_load %arg6[%swap3A_208, %swap3A_209] {strides = array<i32>} : memref<3x512xi32, #tpu.memory_space<vmem>>, vector<1x16xi32>,
    %swap3A_211 = vector.shape_cast %swap3A_210 : vector<1x16xi32> to vector<16xi32>
    %swap3A_212 = vector.shape_cast %add3A_206 : vector<16xi32> to vector<1x16xi32>
    tpu.vector_store %arg6[%swap3A_208, %swap3A_209], %swap3A_212 {strides = array<i32>} : memref<3x512xi32, #tpu.memory_space<vmem>>, vector<1x16xi32>,
    %get3A_213 = arith.constant 272 : index
    %get3A_214 = tpu.vector_load %arg5[%get3A_213] {strides = array<i32>} : memref<512xi32, #tpu.memory_space<vmem>>, vector<16xi32>,
    %get3A_215 = vector.shape_cast %get3A_214 : vector<16xi32> to vector<16xi32>
    %add3A_216 = vector.broadcast %mul3A_27 : i32 to vector<16xi32>
    %add3A_217 = arith.addi %get3A_215, %add3A_216 : vector<16xi32>
    %swap3A_218 = arith.constant 0 : i32
    %swap3A_219 = arith.index_cast %swap3A_218 : i32 to index
    %swap3A_220 = arith.constant 272 : index
    %swap3A_221 = tpu.vector_load %arg6[%swap3A_219, %swap3A_220] {strides = array<i32>} : memref<3x512xi32, #tpu.memory_space<vmem>>, vector<1x16xi32>,
    %swap3A_222 = vector.shape_cast %swap3A_221 : vector<1x16xi32> to vector<16xi32>
    %swap3A_223 = vector.shape_cast %add3A_217 : vector<16xi32> to vector<1x16xi32>
    tpu.vector_store %arg6[%swap3A_219, %swap3A_220], %swap3A_223 {strides = array<i32>} : memref<3x512xi32, #tpu.memory_space<vmem>>, vector<1x16xi32>,
    %get3A_224 = arith.constant 288 : index
    %get3A_225 = tpu.vector_load %arg5[%get3A_224] {strides = array<i32>} : memref<512xi32, #tpu.memory_space<vmem>>, vector<16xi32>,
    %get3A_226 = vector.shape_cast %get3A_225 : vector<16xi32> to vector<16xi32>
    %add3A_227 = vector.broadcast %mul3A_27 : i32 to vector<16xi32>
    %add3A_228 = arith.addi %get3A_226, %add3A_227 : vector<16xi32>
    %swap3A_229 = arith.constant 0 : i32
    %swap3A_230 = arith.index_cast %swap3A_229 : i32 to index
    %swap3A_231 = arith.constant 288 : index
    %swap3A_232 = tpu.vector_load %arg6[%swap3A_230, %swap3A_231] {strides = array<i32>} : memref<3x512xi32, #tpu.memory_space<vmem>>, vector<1x16xi32>,
    %swap3A_233 = vector.shape_cast %swap3A_232 : vector<1x16xi32> to vector<16xi32>
    %swap3A_234 = vector.shape_cast %add3A_228 : vector<16xi32> to vector<1x16xi32>
    tpu.vector_store %arg6[%swap3A_230, %swap3A_231], %swap3A_234 {strides = array<i32>} : memref<3x512xi32, #tpu.memory_space<vmem>>, vector<1x16xi32>,
    %get3A_235 = arith.constant 304 : index
    %get3A_236 = tpu.vector_load %arg5[%get3A_235] {strides = array<i32>} : memref<512xi32, #tpu.memory_space<vmem>>, vector<16xi32>,
    %get3A_237 = vector.shape_cast %get3A_236 : vector<16xi32> to vector<16xi32>
    %add3A_238 = vector.broadcast %mul3A_27 : i32 to vector<16xi32>
    %add3A_239 = arith.addi %get3A_237, %add3A_238 : vector<16xi32>
    %swap3A_240 = arith.constant 0 : i32
    %swap3A_241 = arith.index_cast %swap3A_240 : i32 to index
    %swap3A_242 = arith.constant 304 : index
    %swap3A_243 = tpu.vector_load %arg6[%swap3A_241, %swap3A_242] {strides = array<i32>} : memref<3x512xi32, #tpu.memory_space<vmem>>, vector<1x16xi32>,
    %swap3A_244 = vector.shape_cast %swap3A_243 : vector<1x16xi32> to vector<16xi32>
    %swap3A_245 = vector.shape_cast %add3A_239 : vector<16xi32> to vector<1x16xi32>
    tpu.vector_store %arg6[%swap3A_241, %swap3A_242], %swap3A_245 {strides = array<i32>} : memref<3x512xi32, #tpu.memory_space<vmem>>, vector<1x16xi32>,
    %get3A_246 = arith.constant 320 : index
    %get3A_247 = tpu.vector_load %arg5[%get3A_246] {strides = array<i32>} : memref<512xi32, #tpu.memory_space<vmem>>, vector<16xi32>,
    %get3A_248 = vector.shape_cast %get3A_247 : vector<16xi32> to vector<16xi32>
    %add3A_249 = vector.broadcast %mul3A_27 : i32 to vector<16xi32>
    %add3A_250 = arith.addi %get3A_248, %add3A_249 : vector<16xi32>
    %swap3A_251 = arith.constant 0 : i32
    %swap3A_252 = arith.index_cast %swap3A_251 : i32 to index
    %swap3A_253 = arith.constant 320 : index
    %swap3A_254 = tpu.vector_load %arg6[%swap3A_252, %swap3A_253] {strides = array<i32>} : memref<3x512xi32, #tpu.memory_space<vmem>>, vector<1x16xi32>,
    %swap3A_255 = vector.shape_cast %swap3A_254 : vector<1x16xi32> to vector<16xi32>
    %swap3A_256 = vector.shape_cast %add3A_250 : vector<16xi32> to vector<1x16xi32>
    tpu.vector_store %arg6[%swap3A_252, %swap3A_253], %swap3A_256 {strides = array<i32>} : memref<3x512xi32, #tpu.memory_space<vmem>>, vector<1x16xi32>,
    %get3A_257 = arith.constant 336 : index
    %get3A_258 = tpu.vector_load %arg5[%get3A_257] {strides = array<i32>} : memref<512xi32, #tpu.memory_space<vmem>>, vector<16xi32>,
    %get3A_259 = vector.shape_cast %get3A_258 : vector<16xi32> to vector<16xi32>
    %add3A_260 = vector.broadcast %mul3A_27 : i32 to vector<16xi32>
    %add3A_261 = arith.addi %get3A_259, %add3A_260 : vector<16xi32>
    %swap3A_262 = arith.constant 0 : i32
    %swap3A_263 = arith.index_cast %swap3A_262 : i32 to index
    %swap3A_264 = arith.constant 336 : index
    %swap3A_265 = tpu.vector_load %arg6[%swap3A_263, %swap3A_264] {strides = array<i32>} : memref<3x512xi32, #tpu.memory_space<vmem>>, vector<1x16xi32>,
    %swap3A_266 = vector.shape_cast %swap3A_265 : vector<1x16xi32> to vector<16xi32>
    %swap3A_267 = vector.shape_cast %add3A_261 : vector<16xi32> to vector<1x16xi32>
    tpu.vector_store %arg6[%swap3A_263, %swap3A_264], %swap3A_267 {strides = array<i32>} : memref<3x512xi32, #tpu.memory_space<vmem>>, vector<1x16xi32>,
    %get3A_268 = arith.constant 352 : index
    %get3A_269 = tpu.vector_load %arg5[%get3A_268] {strides = array<i32>} : memref<512xi32, #tpu.memory_space<vmem>>, vector<16xi32>,
    %get3A_270 = vector.shape_cast %get3A_269 : vector<16xi32> to vector<16xi32>
    %add3A_271 = vector.broadcast %mul3A_27 : i32 to vector<16xi32>
    %add3A_272 = arith.addi %get3A_270, %add3A_271 : vector<16xi32>
    %swap3A_273 = arith.constant 0 : i32
    %swap3A_274 = arith.index_cast %swap3A_273 : i32 to index
    %swap3A_275 = arith.constant 352 : index
    %swap3A_276 = tpu.vector_load %arg6[%swap3A_274, %swap3A_275] {strides = array<i32>} : memref<3x512xi32, #tpu.memory_space<vmem>>, vector<1x16xi32>,
    %swap3A_277 = vector.shape_cast %swap3A_276 : vector<1x16xi32> to vector<16xi32>
    %swap3A_278 = vector.shape_cast %add3A_272 : vector<16xi32> to vector<1x16xi32>
    tpu.vector_store %arg6[%swap3A_274, %swap3A_275], %swap3A_278 {strides = array<i32>} : memref<3x512xi32, #tpu.memory_space<vmem>>, vector<1x16xi32>,
    %get3A_279 = arith.constant 368 : index
    %get3A_280 = tpu.vector_load %arg5[%get3A_279] {strides = array<i32>} : memref<512xi32, #tpu.memory_space<vmem>>, vector<16xi32>,
    %get3A_281 = vector.shape_cast %get3A_280 : vector<16xi32> to vector<16xi32>
    %add3A_282 = vector.broadcast %mul3A_27 : i32 to vector<16xi32>
    %add3A_283 = arith.addi %get3A_281, %add3A_282 : vector<16xi32>
    %swap3A_284 = arith.constant 0 : i32
    %swap3A_285 = arith.index_cast %swap3A_284 : i32 to index
    %swap3A_286 = arith.constant 368 : index
    %swap3A_287 = tpu.vector_load %arg6[%swap3A_285, %swap3A_286] {strides = array<i32>} : memref<3x512xi32, #tpu.memory_space<vmem>>, vector<1x16xi32>,
    %swap3A_288 = vector.shape_cast %swap3A_287 : vector<1x16xi32> to vector<16xi32>
    %swap3A_289 = vector.shape_cast %add3A_283 : vector<16xi32> to vector<1x16xi32>
    tpu.vector_store %arg6[%swap3A_285, %swap3A_286], %swap3A_289 {strides = array<i32>} : memref<3x512xi32, #tpu.memory_space<vmem>>, vector<1x16xi32>,
    %get3A_290 = arith.constant 384 : index
    %get3A_291 = tpu.vector_load %arg5[%get3A_290] {strides = array<i32>} : memref<512xi32, #tpu.memory_space<vmem>>, vector<16xi32>,
    %get3A_292 = vector.shape_cast %get3A_291 : vector<16xi32> to vector<16xi32>
    %add3A_293 = vector.broadcast %mul3A_27 : i32 to vector<16xi32>
    %add3A_294 = arith.addi %get3A_292, %add3A_293 : vector<16xi32>
    %swap3A_295 = arith.constant 0 : i32
    %swap3A_296 = arith.index_cast %swap3A_295 : i32 to index
    %swap3A_297 = arith.constant 384 : index
    %swap3A_298 = tpu.vector_load %arg6[%swap3A_296, %swap3A_297] {strides = array<i32>} : memref<3x512xi32, #tpu.memory_space<vmem>>, vector<1x16xi32>,
    %swap3A_299 = vector.shape_cast %swap3A_298 : vector<1x16xi32> to vector<16xi32>
    %swap3A_300 = vector.shape_cast %add3A_294 : vector<16xi32> to vector<1x16xi32>
    tpu.vector_store %arg6[%swap3A_296, %swap3A_297], %swap3A_300 {strides = array<i32>} : memref<3x512xi32, #tpu.memory_space<vmem>>, vector<1x16xi32>,
    %get3A_301 = arith.constant 400 : index
    %get3A_302 = tpu.vector_load %arg5[%get3A_301] {strides = array<i32>} : memref<512xi32, #tpu.memory_space<vmem>>, vector<16xi32>,
    %get3A_303 = vector.shape_cast %get3A_302 : vector<16xi32> to vector<16xi32>
    %add3A_304 = vector.broadcast %mul3A_27 : i32 to vector<16xi32>
    %add3A_305 = arith.addi %get3A_303, %add3A_304 : vector<16xi32>
    %swap3A_306 = arith.constant 0 : i32
    %swap3A_307 = arith.index_cast %swap3A_306 : i32 to index
    %swap3A_308 = arith.constant 400 : index
    %swap3A_309 = tpu.vector_load %arg6[%swap3A_307, %swap3A_308] {strides = array<i32>} : memref<3x512xi32, #tpu.memory_space<vmem>>, vector<1x16xi32>,
    %swap3A_310 = vector.shape_cast %swap3A_309 : vector<1x16xi32> to vector<16xi32>
    %swap3A_311 = vector.shape_cast %add3A_305 : vector<16xi32> to vector<1x16xi32>
    tpu.vector_store %arg6[%swap3A_307, %swap3A_308], %swap3A_311 {strides = array<i32>} : memref<3x512xi32, #tpu.memory_space<vmem>>, vector<1x16xi32>,
    %get3A_312 = arith.constant 416 : index
    %get3A_313 = tpu.vector_load %arg5[%get3A_312] {strides = array<i32>} : memref<512xi32, #tpu.memory_space<vmem>>, vector<16xi32>,
    %get3A_314 = vector.shape_cast %get3A_313 : vector<16xi32> to vector<16xi32>
    %add3A_315 = vector.broadcast %mul3A_27 : i32 to vector<16xi32>
    %add3A_316 = arith.addi %get3A_314, %add3A_315 : vector<16xi32>
    %swap3A_317 = arith.constant 0 : i32
    %swap3A_318 = arith.index_cast %swap3A_317 : i32 to index
    %swap3A_319 = arith.constant 416 : index
    %swap3A_320 = tpu.vector_load %arg6[%swap3A_318, %swap3A_319] {strides = array<i32>} : memref<3x512xi32, #tpu.memory_space<vmem>>, vector<1x16xi32>,
    %swap3A_321 = vector.shape_cast %swap3A_320 : vector<1x16xi32> to vector<16xi32>
    %swap3A_322 = vector.shape_cast %add3A_316 : vector<16xi32> to vector<1x16xi32>
    tpu.vector_store %arg6[%swap3A_318, %swap3A_319], %swap3A_322 {strides = array<i32>} : memref<3x512xi32, #tpu.memory_space<vmem>>, vector<1x16xi32>,
    %get3A_323 = arith.constant 432 : index
    %get3A_324 = tpu.vector_load %arg5[%get3A_323] {strides = array<i32>} : memref<512xi32, #tpu.memory_space<vmem>>, vector<16xi32>,
    %get3A_325 = vector.shape_cast %get3A_324 : vector<16xi32> to vector<16xi32>
    %add3A_326 = vector.broadcast %mul3A_27 : i32 to vector<16xi32>
    %add3A_327 = arith.addi %get3A_325, %add3A_326 : vector<16xi32>
    %swap3A_328 = arith.constant 0 : i32
    %swap3A_329 = arith.index_cast %swap3A_328 : i32 to index
    %swap3A_330 = arith.constant 432 : index
    %swap3A_331 = tpu.vector_load %arg6[%swap3A_329, %swap3A_330] {strides = array<i32>} : memref<3x512xi32, #tpu.memory_space<vmem>>, vector<1x16xi32>,
    %swap3A_332 = vector.shape_cast %swap3A_331 : vector<1x16xi32> to vector<16xi32>
    %swap3A_333 = vector.shape_cast %add3A_327 : vector<16xi32> to vector<1x16xi32>
    tpu.vector_store %arg6[%swap3A_329, %swap3A_330], %swap3A_333 {strides = array<i32>} : memref<3x512xi32, #tpu.memory_space<vmem>>, vector<1x16xi32>,
    %get3A_334 = arith.constant 448 : index
    %get3A_335 = tpu.vector_load %arg5[%get3A_334] {strides = array<i32>} : memref<512xi32, #tpu.memory_space<vmem>>, vector<16xi32>,
    %get3A_336 = vector.shape_cast %get3A_335 : vector<16xi32> to vector<16xi32>
    %add3A_337 = vector.broadcast %mul3A_27 : i32 to vector<16xi32>
    %add3A_338 = arith.addi %get3A_336, %add3A_337 : vector<16xi32>
    %swap3A_339 = arith.constant 0 : i32
    %swap3A_340 = arith.index_cast %swap3A_339 : i32 to index
    %swap3A_341 = arith.constant 448 : index
    %swap3A_342 = tpu.vector_load %arg6[%swap3A_340, %swap3A_341] {strides = array<i32>} : memref<3x512xi32, #tpu.memory_space<vmem>>, vector<1x16xi32>,
    %swap3A_343 = vector.shape_cast %swap3A_342 : vector<1x16xi32> to vector<16xi32>
    %swap3A_344 = vector.shape_cast %add3A_338 : vector<16xi32> to vector<1x16xi32>
    tpu.vector_store %arg6[%swap3A_340, %swap3A_341], %swap3A_344 {strides = array<i32>} : memref<3x512xi32, #tpu.memory_space<vmem>>, vector<1x16xi32>,
    %get3A_345 = arith.constant 464 : index
    %get3A_346 = tpu.vector_load %arg5[%get3A_345] {strides = array<i32>} : memref<512xi32, #tpu.memory_space<vmem>>, vector<16xi32>,
    %get3A_347 = vector.shape_cast %get3A_346 : vector<16xi32> to vector<16xi32>
    %add3A_348 = vector.broadcast %mul3A_27 : i32 to vector<16xi32>
    %add3A_349 = arith.addi %get3A_347, %add3A_348 : vector<16xi32>
    %swap3A_350 = arith.constant 0 : i32
    %swap3A_351 = arith.index_cast %swap3A_350 : i32 to index
    %swap3A_352 = arith.constant 464 : index
    %swap3A_353 = tpu.vector_load %arg6[%swap3A_351, %swap3A_352] {strides = array<i32>} : memref<3x512xi32, #tpu.memory_space<vmem>>, vector<1x16xi32>,
    %swap3A_354 = vector.shape_cast %swap3A_353 : vector<1x16xi32> to vector<16xi32>
    %swap3A_355 = vector.shape_cast %add3A_349 : vector<16xi32> to vector<1x16xi32>
    tpu.vector_store %arg6[%swap3A_351, %swap3A_352], %swap3A_355 {strides = array<i32>} : memref<3x512xi32, #tpu.memory_space<vmem>>, vector<1x16xi32>,
    %get3A_356 = arith.constant 480 : index
    %get3A_357 = tpu.vector_load %arg5[%get3A_356] {strides = array<i32>} : memref<512xi32, #tpu.memory_space<vmem>>, vector<16xi32>,
    %get3A_358 = vector.shape_cast %get3A_357 : vector<16xi32> to vector<16xi32>
    %add3A_359 = vector.broadcast %mul3A_27 : i32 to vector<16xi32>
    %add3A_360 = arith.addi %get3A_358, %add3A_359 : vector<16xi32>
    %swap3A_361 = arith.constant 0 : i32
    %swap3A_362 = arith.index_cast %swap3A_361 : i32 to index
    %swap3A_363 = arith.constant 480 : index
    %swap3A_364 = tpu.vector_load %arg6[%swap3A_362, %swap3A_363] {strides = array<i32>} : memref<3x512xi32, #tpu.memory_space<vmem>>, vector<1x16xi32>,
    %swap3A_365 = vector.shape_cast %swap3A_364 : vector<1x16xi32> to vector<16xi32>
    %swap3A_366 = vector.shape_cast %add3A_360 : vector<16xi32> to vector<1x16xi32>
    tpu.vector_store %arg6[%swap3A_362, %swap3A_363], %swap3A_366 {strides = array<i32>} : memref<3x512xi32, #tpu.memory_space<vmem>>, vector<1x16xi32>,
    %get3A_367 = arith.constant 496 : index
    %get3A_368 = tpu.vector_load %arg5[%get3A_367] {strides = array<i32>} : memref<512xi32, #tpu.memory_space<vmem>>, vector<16xi32>,
    %get3A_369 = vector.shape_cast %get3A_368 : vector<16xi32> to vector<16xi32>
    %add3A_370 = vector.broadcast %mul3A_27 : i32 to vector<16xi32>
    %add3A_371 = arith.addi %get3A_369, %add3A_370 : vector<16xi32>
    %swap3A_372 = arith.constant 0 : i32
    %swap3A_373 = arith.index_cast %swap3A_372 : i32 to index
    %swap3A_374 = arith.constant 496 : index
    %swap3A_375 = tpu.vector_load %arg6[%swap3A_373, %swap3A_374] {strides = array<i32>} : memref<3x512xi32, #tpu.memory_space<vmem>>, vector<1x16xi32>,
    %swap3A_376 = vector.shape_cast %swap3A_375 : vector<1x16xi32> to vector<16xi32>
    %swap3A_377 = vector.shape_cast %add3A_371 : vector<16xi32> to vector<1x16xi32>
    tpu.vector_store %arg6[%swap3A_373, %swap3A_374], %swap3A_377 {strides = array<i32>} : memref<3x512xi32, #tpu.memory_space<vmem>>, vector<1x16xi32>,
    %mul3A_378 = arith.constant 8 : i32
    %mul3A_379 = arith.muli %select_n3A, %mul3A_378 : i32
    %add3A_380 = arith.constant 1 : i32
    %add3A_381 = arith.addi %mul3A_379, %add3A_380 : i32
    %mul3A_382 = arith.constant 4096 : i32
    %mul3A_383 = arith.muli %add3A_381, %mul3A_382 : i32
    %get3A_384 = arith.constant 0 : index
    %get3A_385 = tpu.vector_load %arg5[%get3A_384] {strides = array<i32>} : memref<512xi32, #tpu.memory_space<vmem>>, vector<16xi32>,
    %get3A_386 = vector.shape_cast %get3A_385 : vector<16xi32> to vector<16xi32>
    %add3A_387 = vector.broadcast %mul3A_383 : i32 to vector<16xi32>
    %add3A_388 = arith.addi %get3A_386, %add3A_387 : vector<16xi32>
    %swap3A_389 = arith.constant 1 : i32
    %swap3A_390 = arith.index_cast %swap3A_389 : i32 to index
    %swap3A_391 = arith.constant 0 : index
    %swap3A_392 = tpu.vector_load %arg6[%swap3A_390, %swap3A_391] {strides = array<i32>} : memref<3x512xi32, #tpu.memory_space<vmem>>, vector<1x16xi32>,
    %swap3A_393 = vector.shape_cast %swap3A_392 : vector<1x16xi32> to vector<16xi32>
    %swap3A_394 = vector.shape_cast %add3A_388 : vector<16xi32> to vector<1x16xi32>
    tpu.vector_store %arg6[%swap3A_390, %swap3A_391], %swap3A_394 {strides = array<i32>} : memref<3x512xi32, #tpu.memory_space<vmem>>, vector<1x16xi32>,
    %get3A_395 = arith.constant 16 : index
    %get3A_396 = tpu.vector_load %arg5[%get3A_395] {strides = array<i32>} : memref<512xi32, #tpu.memory_space<vmem>>, vector<16xi32>,
    %get3A_397 = vector.shape_cast %get3A_396 : vector<16xi32> to vector<16xi32>
    %add3A_398 = vector.broadcast %mul3A_383 : i32 to vector<16xi32>
    %add3A_399 = arith.addi %get3A_397, %add3A_398 : vector<16xi32>
    %swap3A_400 = arith.constant 1 : i32
    %swap3A_401 = arith.index_cast %swap3A_400 : i32 to index
    %swap3A_402 = arith.constant 16 : index
    %swap3A_403 = tpu.vector_load %arg6[%swap3A_401, %swap3A_402] {strides = array<i32>} : memref<3x512xi32, #tpu.memory_space<vmem>>, vector<1x16xi32>,
    %swap3A_404 = vector.shape_cast %swap3A_403 : vector<1x16xi32> to vector<16xi32>
    %swap3A_405 = vector.shape_cast %add3A_399 : vector<16xi32> to vector<1x16xi32>
    tpu.vector_store %arg6[%swap3A_401, %swap3A_402], %swap3A_405 {strides = array<i32>} : memref<3x512xi32, #tpu.memory_space<vmem>>, vector<1x16xi32>,
    %get3A_406 = arith.constant 32 : index
    %get3A_407 = tpu.vector_load %arg5[%get3A_406] {strides = array<i32>} : memref<512xi32, #tpu.memory_space<vmem>>, vector<16xi32>,
    %get3A_408 = vector.shape_cast %get3A_407 : vector<16xi32> to vector<16xi32>
    %add3A_409 = vector.broadcast %mul3A_383 : i32 to vector<16xi32>
    %add3A_410 = arith.addi %get3A_408, %add3A_409 : vector<16xi32>
    %swap3A_411 = arith.constant 1 : i32
    %swap3A_412 = arith.index_cast %swap3A_411 : i32 to index
    %swap3A_413 = arith.constant 32 : index
    %swap3A_414 = tpu.vector_load %arg6[%swap3A_412, %swap3A_413] {strides = array<i32>} : memref<3x512xi32, #tpu.memory_space<vmem>>, vector<1x16xi32>,
    %swap3A_415 = vector.shape_cast %swap3A_414 : vector<1x16xi32> to vector<16xi32>
    %swap3A_416 = vector.shape_cast %add3A_410 : vector<16xi32> to vector<1x16xi32>
    tpu.vector_store %arg6[%swap3A_412, %swap3A_413], %swap3A_416 {strides = array<i32>} : memref<3x512xi32, #tpu.memory_space<vmem>>, vector<1x16xi32>,
    %get3A_417 = arith.constant 48 : index
    %get3A_418 = tpu.vector_load %arg5[%get3A_417] {strides = array<i32>} : memref<512xi32, #tpu.memory_space<vmem>>, vector<16xi32>,
    %get3A_419 = vector.shape_cast %get3A_418 : vector<16xi32> to vector<16xi32>
    %add3A_420 = vector.broadcast %mul3A_383 : i32 to vector<16xi32>
    %add3A_421 = arith.addi %get3A_419, %add3A_420 : vector<16xi32>
    %swap3A_422 = arith.constant 1 : i32
    %swap3A_423 = arith.index_cast %swap3A_422 : i32 to index
    %swap3A_424 = arith.constant 48 : index
    %swap3A_425 = tpu.vector_load %arg6[%swap3A_423, %swap3A_424] {strides = array<i32>} : memref<3x512xi32, #tpu.memory_space<vmem>>, vector<1x16xi32>,
    %swap3A_426 = vector.shape_cast %swap3A_425 : vector<1x16xi32> to vector<16xi32>
    %swap3A_427 = vector.shape_cast %add3A_421 : vector<16xi32> to vector<1x16xi32>
    tpu.vector_store %arg6[%swap3A_423, %swap3A_424], %swap3A_427 {strides = array<i32>} : memref<3x512xi32, #tpu.memory_space<vmem>>, vector<1x16xi32>,
    %get3A_428 = arith.constant 64 : index
    %get3A_429 = tpu.vector_load %arg5[%get3A_428] {strides = array<i32>} : memref<512xi32, #tpu.memory_space<vmem>>, vector<16xi32>,
    %get3A_430 = vector.shape_cast %get3A_429 : vector<16xi32> to vector<16xi32>
    %add3A_431 = vector.broadcast %mul3A_383 : i32 to vector<16xi32>
    %add3A_432 = arith.addi %get3A_430, %add3A_431 : vector<16xi32>
    %swap3A_433 = arith.constant 1 : i32
    %swap3A_434 = arith.index_cast %swap3A_433 : i32 to index
    %swap3A_435 = arith.constant 64 : index
    %swap3A_436 = tpu.vector_load %arg6[%swap3A_434, %swap3A_435] {strides = array<i32>} : memref<3x512xi32, #tpu.memory_space<vmem>>, vector<1x16xi32>,
    %swap3A_437 = vector.shape_cast %swap3A_436 : vector<1x16xi32> to vector<16xi32>
    %swap3A_438 = vector.shape_cast %add3A_432 : vector<16xi32> to vector<1x16xi32>
    tpu.vector_store %arg6[%swap3A_434, %swap3A_435], %swap3A_438 {strides = array<i32>} : memref<3x512xi32, #tpu.memory_space<vmem>>, vector<1x16xi32>,
    %get3A_439 = arith.constant 80 : index
    %get3A_440 = tpu.vector_load %arg5[%get3A_439] {strides = array<i32>} : memref<512xi32, #tpu.memory_space<vmem>>, vector<16xi32>,
    %get3A_441 = vector.shape_cast %get3A_440 : vector<16xi32> to vector<16xi32>
    %add3A_442 = vector.broadcast %mul3A_383 : i32 to vector<16xi32>
    %add3A_443 = arith.addi %get3A_441, %add3A_442 : vector<16xi32>
    %swap3A_444 = arith.constant 1 : i32
    %swap3A_445 = arith.index_cast %swap3A_444 : i32 to index
    %swap3A_446 = arith.constant 80 : index
    %swap3A_447 = tpu.vector_load %arg6[%swap3A_445, %swap3A_446] {strides = array<i32>} : memref<3x512xi32, #tpu.memory_space<vmem>>, vector<1x16xi32>,
    %swap3A_448 = vector.shape_cast %swap3A_447 : vector<1x16xi32> to vector<16xi32>
    %swap3A_449 = vector.shape_cast %add3A_443 : vector<16xi32> to vector<1x16xi32>
    tpu.vector_store %arg6[%swap3A_445, %swap3A_446], %swap3A_449 {strides = array<i32>} : memref<3x512xi32, #tpu.memory_space<vmem>>, vector<1x16xi32>,
    %get3A_450 = arith.constant 96 : index
    %get3A_451 = tpu.vector_load %arg5[%get3A_450] {strides = array<i32>} : memref<512xi32, #tpu.memory_space<vmem>>, vector<16xi32>,
    %get3A_452 = vector.shape_cast %get3A_451 : vector<16xi32> to vector<16xi32>
    %add3A_453 = vector.broadcast %mul3A_383 : i32 to vector<16xi32>
    %add3A_454 = arith.addi %get3A_452, %add3A_453 : vector<16xi32>
    %swap3A_455 = arith.constant 1 : i32
    %swap3A_456 = arith.index_cast %swap3A_455 : i32 to index
    %swap3A_457 = arith.constant 96 : index
    %swap3A_458 = tpu.vector_load %arg6[%swap3A_456, %swap3A_457] {strides = array<i32>} : memref<3x512xi32, #tpu.memory_space<vmem>>, vector<1x16xi32>,
    %swap3A_459 = vector.shape_cast %swap3A_458 : vector<1x16xi32> to vector<16xi32>
    %swap3A_460 = vector.shape_cast %add3A_454 : vector<16xi32> to vector<1x16xi32>
    tpu.vector_store %arg6[%swap3A_456, %swap3A_457], %swap3A_460 {strides = array<i32>} : memref<3x512xi32, #tpu.memory_space<vmem>>, vector<1x16xi32>,
    %get3A_461 = arith.constant 112 : index
    %get3A_462 = tpu.vector_load %arg5[%get3A_461] {strides = array<i32>} : memref<512xi32, #tpu.memory_space<vmem>>, vector<16xi32>,
    %get3A_463 = vector.shape_cast %get3A_462 : vector<16xi32> to vector<16xi32>
    %add3A_464 = vector.broadcast %mul3A_383 : i32 to vector<16xi32>
    %add3A_465 = arith.addi %get3A_463, %add3A_464 : vector<16xi32>
    %swap3A_466 = arith.constant 1 : i32
    %swap3A_467 = arith.index_cast %swap3A_466 : i32 to index
    %swap3A_468 = arith.constant 112 : index
    %swap3A_469 = tpu.vector_load %arg6[%swap3A_467, %swap3A_468] {strides = array<i32>} : memref<3x512xi32, #tpu.memory_space<vmem>>, vector<1x16xi32>,
    %swap3A_470 = vector.shape_cast %swap3A_469 : vector<1x16xi32> to vector<16xi32>
    %swap3A_471 = vector.shape_cast %add3A_465 : vector<16xi32> to vector<1x16xi32>
    tpu.vector_store %arg6[%swap3A_467, %swap3A_468], %swap3A_471 {strides = array<i32>} : memref<3x512xi32, #tpu.memory_space<vmem>>, vector<1x16xi32>,
    %get3A_472 = arith.constant 128 : index
    %get3A_473 = tpu.vector_load %arg5[%get3A_472] {strides = array<i32>} : memref<512xi32, #tpu.memory_space<vmem>>, vector<16xi32>,
    %get3A_474 = vector.shape_cast %get3A_473 : vector<16xi32> to vector<16xi32>
    %add3A_475 = vector.broadcast %mul3A_383 : i32 to vector<16xi32>
    %add3A_476 = arith.addi %get3A_474, %add3A_475 : vector<16xi32>
    %swap3A_477 = arith.constant 1 : i32
    %swap3A_478 = arith.index_cast %swap3A_477 : i32 to index
    %swap3A_479 = arith.constant 128 : index
    %swap3A_480 = tpu.vector_load %arg6[%swap3A_478, %swap3A_479] {strides = array<i32>} : memref<3x512xi32, #tpu.memory_space<vmem>>, vector<1x16xi32>,
    %swap3A_481 = vector.shape_cast %swap3A_480 : vector<1x16xi32> to vector<16xi32>
    %swap3A_482 = vector.shape_cast %add3A_476 : vector<16xi32> to vector<1x16xi32>
    tpu.vector_store %arg6[%swap3A_478, %swap3A_479], %swap3A_482 {strides = array<i32>} : memref<3x512xi32, #tpu.memory_space<vmem>>, vector<1x16xi32>,
    %get3A_483 = arith.constant 144 : index
    %get3A_484 = tpu.vector_load %arg5[%get3A_483] {strides = array<i32>} : memref<512xi32, #tpu.memory_space<vmem>>, vector<16xi32>,
    %get3A_485 = vector.shape_cast %get3A_484 : vector<16xi32> to vector<16xi32>
    %add3A_486 = vector.broadcast %mul3A_383 : i32 to vector<16xi32>
    %add3A_487 = arith.addi %get3A_485, %add3A_486 : vector<16xi32>
    %swap3A_488 = arith.constant 1 : i32
    %swap3A_489 = arith.index_cast %swap3A_488 : i32 to index
    %swap3A_490 = arith.constant 144 : index
    %swap3A_491 = tpu.vector_load %arg6[%swap3A_489, %swap3A_490] {strides = array<i32>} : memref<3x512xi32, #tpu.memory_space<vmem>>, vector<1x16xi32>,
    %swap3A_492 = vector.shape_cast %swap3A_491 : vector<1x16xi32> to vector<16xi32>
    %swap3A_493 = vector.shape_cast %add3A_487 : vector<16xi32> to vector<1x16xi32>
    tpu.vector_store %arg6[%swap3A_489, %swap3A_490], %swap3A_493 {strides = array<i32>} : memref<3x512xi32, #tpu.memory_space<vmem>>, vector<1x16xi32>,
    %get3A_494 = arith.constant 160 : index
    %get3A_495 = tpu.vector_load %arg5[%get3A_494] {strides = array<i32>} : memref<512xi32, #tpu.memory_space<vmem>>, vector<16xi32>,
    %get3A_496 = vector.shape_cast %get3A_495 : vector<16xi32> to vector<16xi32>
    %add3A_497 = vector.broadcast %mul3A_383 : i32 to vector<16xi32>
    %add3A_498 = arith.addi %get3A_496, %add3A_497 : vector<16xi32>
    %swap3A_499 = arith.constant 1 : i32
    %swap3A_500 = arith.index_cast %swap3A_499 : i32 to index
    %swap3A_501 = arith.constant 160 : index
    %swap3A_502 = tpu.vector_load %arg6[%swap3A_500, %swap3A_501] {strides = array<i32>} : memref<3x512xi32, #tpu.memory_space<vmem>>, vector<1x16xi32>,
    %swap3A_503 = vector.shape_cast %swap3A_502 : vector<1x16xi32> to vector<16xi32>
    %swap3A_504 = vector.shape_cast %add3A_498 : vector<16xi32> to vector<1x16xi32>
    tpu.vector_store %arg6[%swap3A_500, %swap3A_501], %swap3A_504 {strides = array<i32>} : memref<3x512xi32, #tpu.memory_space<vmem>>, vector<1x16xi32>,
    %get3A_505 = arith.constant 176 : index
    %get3A_506 = tpu.vector_load %arg5[%get3A_505] {strides = array<i32>} : memref<512xi32, #tpu.memory_space<vmem>>, vector<16xi32>,
    %get3A_507 = vector.shape_cast %get3A_506 : vector<16xi32> to vector<16xi32>
    %add3A_508 = vector.broadcast %mul3A_383 : i32 to vector<16xi32>
    %add3A_509 = arith.addi %get3A_507, %add3A_508 : vector<16xi32>
    %swap3A_510 = arith.constant 1 : i32
    %swap3A_511 = arith.index_cast %swap3A_510 : i32 to index
    %swap3A_512 = arith.constant 176 : index
    %swap3A_513 = tpu.vector_load %arg6[%swap3A_511, %swap3A_512] {strides = array<i32>} : memref<3x512xi32, #tpu.memory_space<vmem>>, vector<1x16xi32>,
    %swap3A_514 = vector.shape_cast %swap3A_513 : vector<1x16xi32> to vector<16xi32>
    %swap3A_515 = vector.shape_cast %add3A_509 : vector<16xi32> to vector<1x16xi32>
    tpu.vector_store %arg6[%swap3A_511, %swap3A_512], %swap3A_515 {strides = array<i32>} : memref<3x512xi32, #tpu.memory_space<vmem>>, vector<1x16xi32>,
    %get3A_516 = arith.constant 192 : index
    %get3A_517 = tpu.vector_load %arg5[%get3A_516] {strides = array<i32>} : memref<512xi32, #tpu.memory_space<vmem>>, vector<16xi32>,
    %get3A_518 = vector.shape_cast %get3A_517 : vector<16xi32> to vector<16xi32>
    %add3A_519 = vector.broadcast %mul3A_383 : i32 to vector<16xi32>
    %add3A_520 = arith.addi %get3A_518, %add3A_519 : vector<16xi32>
    %swap3A_521 = arith.constant 1 : i32
    %swap3A_522 = arith.index_cast %swap3A_521 : i32 to index
    %swap3A_523 = arith.constant 192 : index
    %swap3A_524 = tpu.vector_load %arg6[%swap3A_522, %swap3A_523] {strides = array<i32>} : memref<3x512xi32, #tpu.memory_space<vmem>>, vector<1x16xi32>,
    %swap3A_525 = vector.shape_cast %swap3A_524 : vector<1x16xi32> to vector<16xi32>
    %swap3A_526 = vector.shape_cast %add3A_520 : vector<16xi32> to vector<1x16xi32>
    tpu.vector_store %arg6[%swap3A_522, %swap3A_523], %swap3A_526 {strides = array<i32>} : memref<3x512xi32, #tpu.memory_space<vmem>>, vector<1x16xi32>,
    %get3A_527 = arith.constant 208 : index
    %get3A_528 = tpu.vector_load %arg5[%get3A_527] {strides = array<i32>} : memref<512xi32, #tpu.memory_space<vmem>>, vector<16xi32>,
    %get3A_529 = vector.shape_cast %get3A_528 : vector<16xi32> to vector<16xi32>
    %add3A_530 = vector.broadcast %mul3A_383 : i32 to vector<16xi32>
    %add3A_531 = arith.addi %get3A_529, %add3A_530 : vector<16xi32>
    %swap3A_532 = arith.constant 1 : i32
    %swap3A_533 = arith.index_cast %swap3A_532 : i32 to index
    %swap3A_534 = arith.constant 208 : index
    %swap3A_535 = tpu.vector_load %arg6[%swap3A_533, %swap3A_534] {strides = array<i32>} : memref<3x512xi32, #tpu.memory_space<vmem>>, vector<1x16xi32>,
    %swap3A_536 = vector.shape_cast %swap3A_535 : vector<1x16xi32> to vector<16xi32>
    %swap3A_537 = vector.shape_cast %add3A_531 : vector<16xi32> to vector<1x16xi32>
    tpu.vector_store %arg6[%swap3A_533, %swap3A_534], %swap3A_537 {strides = array<i32>} : memref<3x512xi32, #tpu.memory_space<vmem>>, vector<1x16xi32>,
    %get3A_538 = arith.constant 224 : index
    %get3A_539 = tpu.vector_load %arg5[%get3A_538] {strides = array<i32>} : memref<512xi32, #tpu.memory_space<vmem>>, vector<16xi32>,
    %get3A_540 = vector.shape_cast %get3A_539 : vector<16xi32> to vector<16xi32>
    %add3A_541 = vector.broadcast %mul3A_383 : i32 to vector<16xi32>
    %add3A_542 = arith.addi %get3A_540, %add3A_541 : vector<16xi32>
    %swap3A_543 = arith.constant 1 : i32
    %swap3A_544 = arith.index_cast %swap3A_543 : i32 to index
    %swap3A_545 = arith.constant 224 : index
    %swap3A_546 = tpu.vector_load %arg6[%swap3A_544, %swap3A_545] {strides = array<i32>} : memref<3x512xi32, #tpu.memory_space<vmem>>, vector<1x16xi32>,
    %swap3A_547 = vector.shape_cast %swap3A_546 : vector<1x16xi32> to vector<16xi32>
    %swap3A_548 = vector.shape_cast %add3A_542 : vector<16xi32> to vector<1x16xi32>
    tpu.vector_store %arg6[%swap3A_544, %swap3A_545], %swap3A_548 {strides = array<i32>} : memref<3x512xi32, #tpu.memory_space<vmem>>, vector<1x16xi32>,
    %get3A_549 = arith.constant 240 : index
    %get3A_550 = tpu.vector_load %arg5[%get3A_549] {strides = array<i32>} : memref<512xi32, #tpu.memory_space<vmem>>, vector<16xi32>,
    %get3A_551 = vector.shape_cast %get3A_550 : vector<16xi32> to vector<16xi32>
    %add3A_552 = vector.broadcast %mul3A_383 : i32 to vector<16xi32>
    %add3A_553 = arith.addi %get3A_551, %add3A_552 : vector<16xi32>
    %swap3A_554 = arith.constant 1 : i32
    %swap3A_555 = arith.index_cast %swap3A_554 : i32 to index
    %swap3A_556 = arith.constant 240 : index
    %swap3A_557 = tpu.vector_load %arg6[%swap3A_555, %swap3A_556] {strides = array<i32>} : memref<3x512xi32, #tpu.memory_space<vmem>>, vector<1x16xi32>,
    %swap3A_558 = vector.shape_cast %swap3A_557 : vector<1x16xi32> to vector<16xi32>
    %swap3A_559 = vector.shape_cast %add3A_553 : vector<16xi32> to vector<1x16xi32>
    tpu.vector_store %arg6[%swap3A_555, %swap3A_556], %swap3A_559 {strides = array<i32>} : memref<3x512xi32, #tpu.memory_space<vmem>>, vector<1x16xi32>,
    %get3A_560 = arith.constant 256 : index
    %get3A_561 = tpu.vector_load %arg5[%get3A_560] {strides = array<i32>} : memref<512xi32, #tpu.memory_space<vmem>>, vector<16xi32>,
    %get3A_562 = vector.shape_cast %get3A_561 : vector<16xi32> to vector<16xi32>
    %add3A_563 = vector.broadcast %mul3A_383 : i32 to vector<16xi32>
    %add3A_564 = arith.addi %get3A_562, %add3A_563 : vector<16xi32>
    %swap3A_565 = arith.constant 1 : i32
    %swap3A_566 = arith.index_cast %swap3A_565 : i32 to index
    %swap3A_567 = arith.constant 256 : index
    %swap3A_568 = tpu.vector_load %arg6[%swap3A_566, %swap3A_567] {strides = array<i32>} : memref<3x512xi32, #tpu.memory_space<vmem>>, vector<1x16xi32>,
    %swap3A_569 = vector.shape_cast %swap3A_568 : vector<1x16xi32> to vector<16xi32>
    %swap3A_570 = vector.shape_cast %add3A_564 : vector<16xi32> to vector<1x16xi32>
    tpu.vector_store %arg6[%swap3A_566, %swap3A_567], %swap3A_570 {strides = array<i32>} : memref<3x512xi32, #tpu.memory_space<vmem>>, vector<1x16xi32>,
    %get3A_571 = arith.constant 272 : index
    %get3A_572 = tpu.vector_load %arg5[%get3A_571] {strides = array<i32>} : memref<512xi32, #tpu.memory_space<vmem>>, vector<16xi32>,
    %get3A_573 = vector.shape_cast %get3A_572 : vector<16xi32> to vector<16xi32>
    %add3A_574 = vector.broadcast %mul3A_383 : i32 to vector<16xi32>
    %add3A_575 = arith.addi %get3A_573, %add3A_574 : vector<16xi32>
    %swap3A_576 = arith.constant 1 : i32
    %swap3A_577 = arith.index_cast %swap3A_576 : i32 to index
    %swap3A_578 = arith.constant 272 : index
    %swap3A_579 = tpu.vector_load %arg6[%swap3A_577, %swap3A_578] {strides = array<i32>} : memref<3x512xi32, #tpu.memory_space<vmem>>, vector<1x16xi32>,
    %swap3A_580 = vector.shape_cast %swap3A_579 : vector<1x16xi32> to vector<16xi32>
    %swap3A_581 = vector.shape_cast %add3A_575 : vector<16xi32> to vector<1x16xi32>
    tpu.vector_store %arg6[%swap3A_577, %swap3A_578], %swap3A_581 {strides = array<i32>} : memref<3x512xi32, #tpu.memory_space<vmem>>, vector<1x16xi32>,
    %get3A_582 = arith.constant 288 : index
    %get3A_583 = tpu.vector_load %arg5[%get3A_582] {strides = array<i32>} : memref<512xi32, #tpu.memory_space<vmem>>, vector<16xi32>,
    %get3A_584 = vector.shape_cast %get3A_583 : vector<16xi32> to vector<16xi32>
    %add3A_585 = vector.broadcast %mul3A_383 : i32 to vector<16xi32>
    %add3A_586 = arith.addi %get3A_584, %add3A_585 : vector<16xi32>
    %swap3A_587 = arith.constant 1 : i32
    %swap3A_588 = arith.index_cast %swap3A_587 : i32 to index
    %swap3A_589 = arith.constant 288 : index
    %swap3A_590 = tpu.vector_load %arg6[%swap3A_588, %swap3A_589] {strides = array<i32>} : memref<3x512xi32, #tpu.memory_space<vmem>>, vector<1x16xi32>,
    %swap3A_591 = vector.shape_cast %swap3A_590 : vector<1x16xi32> to vector<16xi32>
    %swap3A_592 = vector.shape_cast %add3A_586 : vector<16xi32> to vector<1x16xi32>
    tpu.vector_store %arg6[%swap3A_588, %swap3A_589], %swap3A_592 {strides = array<i32>} : memref<3x512xi32, #tpu.memory_space<vmem>>, vector<1x16xi32>,
    %get3A_593 = arith.constant 304 : index
    %get3A_594 = tpu.vector_load %arg5[%get3A_593] {strides = array<i32>} : memref<512xi32, #tpu.memory_space<vmem>>, vector<16xi32>,
    %get3A_595 = vector.shape_cast %get3A_594 : vector<16xi32> to vector<16xi32>
    %add3A_596 = vector.broadcast %mul3A_383 : i32 to vector<16xi32>
    %add3A_597 = arith.addi %get3A_595, %add3A_596 : vector<16xi32>
    %swap3A_598 = arith.constant 1 : i32
    %swap3A_599 = arith.index_cast %swap3A_598 : i32 to index
    %swap3A_600 = arith.constant 304 : index
    %swap3A_601 = tpu.vector_load %arg6[%swap3A_599, %swap3A_600] {strides = array<i32>} : memref<3x512xi32, #tpu.memory_space<vmem>>, vector<1x16xi32>,
    %swap3A_602 = vector.shape_cast %swap3A_601 : vector<1x16xi32> to vector<16xi32>
    %swap3A_603 = vector.shape_cast %add3A_597 : vector<16xi32> to vector<1x16xi32>
    tpu.vector_store %arg6[%swap3A_599, %swap3A_600], %swap3A_603 {strides = array<i32>} : memref<3x512xi32, #tpu.memory_space<vmem>>, vector<1x16xi32>,
    %get3A_604 = arith.constant 320 : index
    %get3A_605 = tpu.vector_load %arg5[%get3A_604] {strides = array<i32>} : memref<512xi32, #tpu.memory_space<vmem>>, vector<16xi32>,
    %get3A_606 = vector.shape_cast %get3A_605 : vector<16xi32> to vector<16xi32>
    %add3A_607 = vector.broadcast %mul3A_383 : i32 to vector<16xi32>
    %add3A_608 = arith.addi %get3A_606, %add3A_607 : vector<16xi32>
    %swap3A_609 = arith.constant 1 : i32
    %swap3A_610 = arith.index_cast %swap3A_609 : i32 to index
    %swap3A_611 = arith.constant 320 : index
    %swap3A_612 = tpu.vector_load %arg6[%swap3A_610, %swap3A_611] {strides = array<i32>} : memref<3x512xi32, #tpu.memory_space<vmem>>, vector<1x16xi32>,
    %swap3A_613 = vector.shape_cast %swap3A_612 : vector<1x16xi32> to vector<16xi32>
    %swap3A_614 = vector.shape_cast %add3A_608 : vector<16xi32> to vector<1x16xi32>
    tpu.vector_store %arg6[%swap3A_610, %swap3A_611], %swap3A_614 {strides = array<i32>} : memref<3x512xi32, #tpu.memory_space<vmem>>, vector<1x16xi32>,
    %get3A_615 = arith.constant 336 : index
    %get3A_616 = tpu.vector_load %arg5[%get3A_615] {strides = array<i32>} : memref<512xi32, #tpu.memory_space<vmem>>, vector<16xi32>,
    %get3A_617 = vector.shape_cast %get3A_616 : vector<16xi32> to vector<16xi32>
    %add3A_618 = vector.broadcast %mul3A_383 : i32 to vector<16xi32>
    %add3A_619 = arith.addi %get3A_617, %add3A_618 : vector<16xi32>
    %swap3A_620 = arith.constant 1 : i32
    %swap3A_621 = arith.index_cast %swap3A_620 : i32 to index
    %swap3A_622 = arith.constant 336 : index
    %swap3A_623 = tpu.vector_load %arg6[%swap3A_621, %swap3A_622] {strides = array<i32>} : memref<3x512xi32, #tpu.memory_space<vmem>>, vector<1x16xi32>,
    %swap3A_624 = vector.shape_cast %swap3A_623 : vector<1x16xi32> to vector<16xi32>
    %swap3A_625 = vector.shape_cast %add3A_619 : vector<16xi32> to vector<1x16xi32>
    tpu.vector_store %arg6[%swap3A_621, %swap3A_622], %swap3A_625 {strides = array<i32>} : memref<3x512xi32, #tpu.memory_space<vmem>>, vector<1x16xi32>,
    %get3A_626 = arith.constant 352 : index
    %get3A_627 = tpu.vector_load %arg5[%get3A_626] {strides = array<i32>} : memref<512xi32, #tpu.memory_space<vmem>>, vector<16xi32>,
    %get3A_628 = vector.shape_cast %get3A_627 : vector<16xi32> to vector<16xi32>
    %add3A_629 = vector.broadcast %mul3A_383 : i32 to vector<16xi32>
    %add3A_630 = arith.addi %get3A_628, %add3A_629 : vector<16xi32>
    %swap3A_631 = arith.constant 1 : i32
    %swap3A_632 = arith.index_cast %swap3A_631 : i32 to index
    %swap3A_633 = arith.constant 352 : index
    %swap3A_634 = tpu.vector_load %arg6[%swap3A_632, %swap3A_633] {strides = array<i32>} : memref<3x512xi32, #tpu.memory_space<vmem>>, vector<1x16xi32>,
    %swap3A_635 = vector.shape_cast %swap3A_634 : vector<1x16xi32> to vector<16xi32>
    %swap3A_636 = vector.shape_cast %add3A_630 : vector<16xi32> to vector<1x16xi32>
    tpu.vector_store %arg6[%swap3A_632, %swap3A_633], %swap3A_636 {strides = array<i32>} : memref<3x512xi32, #tpu.memory_space<vmem>>, vector<1x16xi32>,
    %get3A_637 = arith.constant 368 : index
    %get3A_638 = tpu.vector_load %arg5[%get3A_637] {strides = array<i32>} : memref<512xi32, #tpu.memory_space<vmem>>, vector<16xi32>,
    %get3A_639 = vector.shape_cast %get3A_638 : vector<16xi32> to vector<16xi32>
    %add3A_640 = vector.broadcast %mul3A_383 : i32 to vector<16xi32>
    %add3A_641 = arith.addi %get3A_639, %add3A_640 : vector<16xi32>
    %swap3A_642 = arith.constant 1 : i32
    %swap3A_643 = arith.index_cast %swap3A_642 : i32 to index
    %swap3A_644 = arith.constant 368 : index
    %swap3A_645 = tpu.vector_load %arg6[%swap3A_643, %swap3A_644] {strides = array<i32>} : memref<3x512xi32, #tpu.memory_space<vmem>>, vector<1x16xi32>,
    %swap3A_646 = vector.shape_cast %swap3A_645 : vector<1x16xi32> to vector<16xi32>
    %swap3A_647 = vector.shape_cast %add3A_641 : vector<16xi32> to vector<1x16xi32>
    tpu.vector_store %arg6[%swap3A_643, %swap3A_644], %swap3A_647 {strides = array<i32>} : memref<3x512xi32, #tpu.memory_space<vmem>>, vector<1x16xi32>,
    %get3A_648 = arith.constant 384 : index
    %get3A_649 = tpu.vector_load %arg5[%get3A_648] {strides = array<i32>} : memref<512xi32, #tpu.memory_space<vmem>>, vector<16xi32>,
    %get3A_650 = vector.shape_cast %get3A_649 : vector<16xi32> to vector<16xi32>
    %add3A_651 = vector.broadcast %mul3A_383 : i32 to vector<16xi32>
    %add3A_652 = arith.addi %get3A_650, %add3A_651 : vector<16xi32>
    %swap3A_653 = arith.constant 1 : i32
    %swap3A_654 = arith.index_cast %swap3A_653 : i32 to index
    %swap3A_655 = arith.constant 384 : index
    %swap3A_656 = tpu.vector_load %arg6[%swap3A_654, %swap3A_655] {strides = array<i32>} : memref<3x512xi32, #tpu.memory_space<vmem>>, vector<1x16xi32>,
    %swap3A_657 = vector.shape_cast %swap3A_656 : vector<1x16xi32> to vector<16xi32>
    %swap3A_658 = vector.shape_cast %add3A_652 : vector<16xi32> to vector<1x16xi32>
    tpu.vector_store %arg6[%swap3A_654, %swap3A_655], %swap3A_658 {strides = array<i32>} : memref<3x512xi32, #tpu.memory_space<vmem>>, vector<1x16xi32>,
    %get3A_659 = arith.constant 400 : index
    %get3A_660 = tpu.vector_load %arg5[%get3A_659] {strides = array<i32>} : memref<512xi32, #tpu.memory_space<vmem>>, vector<16xi32>,
    %get3A_661 = vector.shape_cast %get3A_660 : vector<16xi32> to vector<16xi32>
    %add3A_662 = vector.broadcast %mul3A_383 : i32 to vector<16xi32>
    %add3A_663 = arith.addi %get3A_661, %add3A_662 : vector<16xi32>
    %swap3A_664 = arith.constant 1 : i32
    %swap3A_665 = arith.index_cast %swap3A_664 : i32 to index
    %swap3A_666 = arith.constant 400 : index
    %swap3A_667 = tpu.vector_load %arg6[%swap3A_665, %swap3A_666] {strides = array<i32>} : memref<3x512xi32, #tpu.memory_space<vmem>>, vector<1x16xi32>,
    %swap3A_668 = vector.shape_cast %swap3A_667 : vector<1x16xi32> to vector<16xi32>
    %swap3A_669 = vector.shape_cast %add3A_663 : vector<16xi32> to vector<1x16xi32>
    tpu.vector_store %arg6[%swap3A_665, %swap3A_666], %swap3A_669 {strides = array<i32>} : memref<3x512xi32, #tpu.memory_space<vmem>>, vector<1x16xi32>,
    %get3A_670 = arith.constant 416 : index
    %get3A_671 = tpu.vector_load %arg5[%get3A_670] {strides = array<i32>} : memref<512xi32, #tpu.memory_space<vmem>>, vector<16xi32>,
    %get3A_672 = vector.shape_cast %get3A_671 : vector<16xi32> to vector<16xi32>
    %add3A_673 = vector.broadcast %mul3A_383 : i32 to vector<16xi32>
    %add3A_674 = arith.addi %get3A_672, %add3A_673 : vector<16xi32>
    %swap3A_675 = arith.constant 1 : i32
    %swap3A_676 = arith.index_cast %swap3A_675 : i32 to index
    %swap3A_677 = arith.constant 416 : index
    %swap3A_678 = tpu.vector_load %arg6[%swap3A_676, %swap3A_677] {strides = array<i32>} : memref<3x512xi32, #tpu.memory_space<vmem>>, vector<1x16xi32>,
    %swap3A_679 = vector.shape_cast %swap3A_678 : vector<1x16xi32> to vector<16xi32>
    %swap3A_680 = vector.shape_cast %add3A_674 : vector<16xi32> to vector<1x16xi32>
    tpu.vector_store %arg6[%swap3A_676, %swap3A_677], %swap3A_680 {strides = array<i32>} : memref<3x512xi32, #tpu.memory_space<vmem>>, vector<1x16xi32>,
    %get3A_681 = arith.constant 432 : index
    %get3A_682 = tpu.vector_load %arg5[%get3A_681] {strides = array<i32>} : memref<512xi32, #tpu.memory_space<vmem>>, vector<16xi32>,
    %get3A_683 = vector.shape_cast %get3A_682 : vector<16xi32> to vector<16xi32>
    %add3A_684 = vector.broadcast %mul3A_383 : i32 to vector<16xi32>
    %add3A_685 = arith.addi %get3A_683, %add3A_684 : vector<16xi32>
    %swap3A_686 = arith.constant 1 : i32
    %swap3A_687 = arith.index_cast %swap3A_686 : i32 to index
    %swap3A_688 = arith.constant 432 : index
    %swap3A_689 = tpu.vector_load %arg6[%swap3A_687, %swap3A_688] {strides = array<i32>} : memref<3x512xi32, #tpu.memory_space<vmem>>, vector<1x16xi32>,
    %swap3A_690 = vector.shape_cast %swap3A_689 : vector<1x16xi32> to vector<16xi32>
    %swap3A_691 = vector.shape_cast %add3A_685 : vector<16xi32> to vector<1x16xi32>
    tpu.vector_store %arg6[%swap3A_687, %swap3A_688], %swap3A_691 {strides = array<i32>} : memref<3x512xi32, #tpu.memory_space<vmem>>, vector<1x16xi32>,
    %get3A_692 = arith.constant 448 : index
    %get3A_693 = tpu.vector_load %arg5[%get3A_692] {strides = array<i32>} : memref<512xi32, #tpu.memory_space<vmem>>, vector<16xi32>,
    %get3A_694 = vector.shape_cast %get3A_693 : vector<16xi32> to vector<16xi32>
    %add3A_695 = vector.broadcast %mul3A_383 : i32 to vector<16xi32>
    %add3A_696 = arith.addi %get3A_694, %add3A_695 : vector<16xi32>
    %swap3A_697 = arith.constant 1 : i32
    %swap3A_698 = arith.index_cast %swap3A_697 : i32 to index
    %swap3A_699 = arith.constant 448 : index
    %swap3A_700 = tpu.vector_load %arg6[%swap3A_698, %swap3A_699] {strides = array<i32>} : memref<3x512xi32, #tpu.memory_space<vmem>>, vector<1x16xi32>,
    %swap3A_701 = vector.shape_cast %swap3A_700 : vector<1x16xi32> to vector<16xi32>
    %swap3A_702 = vector.shape_cast %add3A_696 : vector<16xi32> to vector<1x16xi32>
    tpu.vector_store %arg6[%swap3A_698, %swap3A_699], %swap3A_702 {strides = array<i32>} : memref<3x512xi32, #tpu.memory_space<vmem>>, vector<1x16xi32>,
    %get3A_703 = arith.constant 464 : index
    %get3A_704 = tpu.vector_load %arg5[%get3A_703] {strides = array<i32>} : memref<512xi32, #tpu.memory_space<vmem>>, vector<16xi32>,
    %get3A_705 = vector.shape_cast %get3A_704 : vector<16xi32> to vector<16xi32>
    %add3A_706 = vector.broadcast %mul3A_383 : i32 to vector<16xi32>
    %add3A_707 = arith.addi %get3A_705, %add3A_706 : vector<16xi32>
    %swap3A_708 = arith.constant 1 : i32
    %swap3A_709 = arith.index_cast %swap3A_708 : i32 to index
    %swap3A_710 = arith.constant 464 : index
    %swap3A_711 = tpu.vector_load %arg6[%swap3A_709, %swap3A_710] {strides = array<i32>} : memref<3x512xi32, #tpu.memory_space<vmem>>, vector<1x16xi32>,
    %swap3A_712 = vector.shape_cast %swap3A_711 : vector<1x16xi32> to vector<16xi32>
    %swap3A_713 = vector.shape_cast %add3A_707 : vector<16xi32> to vector<1x16xi32>
    tpu.vector_store %arg6[%swap3A_709, %swap3A_710], %swap3A_713 {strides = array<i32>} : memref<3x512xi32, #tpu.memory_space<vmem>>, vector<1x16xi32>,
    %get3A_714 = arith.constant 480 : index
    %get3A_715 = tpu.vector_load %arg5[%get3A_714] {strides = array<i32>} : memref<512xi32, #tpu.memory_space<vmem>>, vector<16xi32>,
    %get3A_716 = vector.shape_cast %get3A_715 : vector<16xi32> to vector<16xi32>
    %add3A_717 = vector.broadcast %mul3A_383 : i32 to vector<16xi32>
    %add3A_718 = arith.addi %get3A_716, %add3A_717 : vector<16xi32>
    %swap3A_719 = arith.constant 1 : i32
    %swap3A_720 = arith.index_cast %swap3A_719 : i32 to index
    %swap3A_721 = arith.constant 480 : index
    %swap3A_722 = tpu.vector_load %arg6[%swap3A_720, %swap3A_721] {strides = array<i32>} : memref<3x512xi32, #tpu.memory_space<vmem>>, vector<1x16xi32>,
    %swap3A_723 = vector.shape_cast %swap3A_722 : vector<1x16xi32> to vector<16xi32>
    %swap3A_724 = vector.shape_cast %add3A_718 : vector<16xi32> to vector<1x16xi32>
    tpu.vector_store %arg6[%swap3A_720, %swap3A_721], %swap3A_724 {strides = array<i32>} : memref<3x512xi32, #tpu.memory_space<vmem>>, vector<1x16xi32>,
    %get3A_725 = arith.constant 496 : index
    %get3A_726 = tpu.vector_load %arg5[%get3A_725] {strides = array<i32>} : memref<512xi32, #tpu.memory_space<vmem>>, vector<16xi32>,
    %get3A_727 = vector.shape_cast %get3A_726 : vector<16xi32> to vector<16xi32>
    %add3A_728 = vector.broadcast %mul3A_383 : i32 to vector<16xi32>
    %add3A_729 = arith.addi %get3A_727, %add3A_728 : vector<16xi32>
    %swap3A_730 = arith.constant 1 : i32
    %swap3A_731 = arith.index_cast %swap3A_730 : i32 to index
    %swap3A_732 = arith.constant 496 : index
    %swap3A_733 = tpu.vector_load %arg6[%swap3A_731, %swap3A_732] {strides = array<i32>} : memref<3x512xi32, #tpu.memory_space<vmem>>, vector<1x16xi32>,
    %swap3A_734 = vector.shape_cast %swap3A_733 : vector<1x16xi32> to vector<16xi32>
    %swap3A_735 = vector.shape_cast %add3A_729 : vector<16xi32> to vector<1x16xi32>
    tpu.vector_store %arg6[%swap3A_731, %swap3A_732], %swap3A_735 {strides = array<i32>} : memref<3x512xi32, #tpu.memory_space<vmem>>, vector<1x16xi32>,
    %mul3A_736 = arith.constant 8 : i32
    %mul3A_737 = arith.muli %select_n3A, %mul3A_736 : i32
    %add3A_738 = arith.constant 2 : i32
    %add3A_739 = arith.addi %mul3A_737, %add3A_738 : i32
    %mul3A_740 = arith.constant 4096 : i32
    %mul3A_741 = arith.muli %add3A_739, %mul3A_740 : i32
    %get3A_742 = arith.constant 0 : index
    %get3A_743 = tpu.vector_load %arg5[%get3A_742] {strides = array<i32>} : memref<512xi32, #tpu.memory_space<vmem>>, vector<16xi32>,
    %get3A_744 = vector.shape_cast %get3A_743 : vector<16xi32> to vector<16xi32>
    %add3A_745 = vector.broadcast %mul3A_741 : i32 to vector<16xi32>
    %add3A_746 = arith.addi %get3A_744, %add3A_745 : vector<16xi32>
    %swap3A_747 = arith.constant 2 : i32
    %swap3A_748 = arith.index_cast %swap3A_747 : i32 to index
    %swap3A_749 = arith.constant 0 : index
    %swap3A_750 = tpu.vector_load %arg6[%swap3A_748, %swap3A_749] {strides = array<i32>} : memref<3x512xi32, #tpu.memory_space<vmem>>, vector<1x16xi32>,
    %swap3A_751 = vector.shape_cast %swap3A_750 : vector<1x16xi32> to vector<16xi32>
    %swap3A_752 = vector.shape_cast %add3A_746 : vector<16xi32> to vector<1x16xi32>
    tpu.vector_store %arg6[%swap3A_748, %swap3A_749], %swap3A_752 {strides = array<i32>} : memref<3x512xi32, #tpu.memory_space<vmem>>, vector<1x16xi32>,
    %get3A_753 = arith.constant 16 : index
    %get3A_754 = tpu.vector_load %arg5[%get3A_753] {strides = array<i32>} : memref<512xi32, #tpu.memory_space<vmem>>, vector<16xi32>,
    %get3A_755 = vector.shape_cast %get3A_754 : vector<16xi32> to vector<16xi32>
    %add3A_756 = vector.broadcast %mul3A_741 : i32 to vector<16xi32>
    %add3A_757 = arith.addi %get3A_755, %add3A_756 : vector<16xi32>
    %swap3A_758 = arith.constant 2 : i32
    %swap3A_759 = arith.index_cast %swap3A_758 : i32 to index
    %swap3A_760 = arith.constant 16 : index
    %swap3A_761 = tpu.vector_load %arg6[%swap3A_759, %swap3A_760] {strides = array<i32>} : memref<3x512xi32, #tpu.memory_space<vmem>>, vector<1x16xi32>,
    %swap3A_762 = vector.shape_cast %swap3A_761 : vector<1x16xi32> to vector<16xi32>
    %swap3A_763 = vector.shape_cast %add3A_757 : vector<16xi32> to vector<1x16xi32>
    tpu.vector_store %arg6[%swap3A_759, %swap3A_760], %swap3A_763 {strides = array<i32>} : memref<3x512xi32, #tpu.memory_space<vmem>>, vector<1x16xi32>,
    %get3A_764 = arith.constant 32 : index
    %get3A_765 = tpu.vector_load %arg5[%get3A_764] {strides = array<i32>} : memref<512xi32, #tpu.memory_space<vmem>>, vector<16xi32>,
    %get3A_766 = vector.shape_cast %get3A_765 : vector<16xi32> to vector<16xi32>
    %add3A_767 = vector.broadcast %mul3A_741 : i32 to vector<16xi32>
    %add3A_768 = arith.addi %get3A_766, %add3A_767 : vector<16xi32>
    %swap3A_769 = arith.constant 2 : i32
    %swap3A_770 = arith.index_cast %swap3A_769 : i32 to index
    %swap3A_771 = arith.constant 32 : index
    %swap3A_772 = tpu.vector_load %arg6[%swap3A_770, %swap3A_771] {strides = array<i32>} : memref<3x512xi32, #tpu.memory_space<vmem>>, vector<1x16xi32>,
    %swap3A_773 = vector.shape_cast %swap3A_772 : vector<1x16xi32> to vector<16xi32>
    %swap3A_774 = vector.shape_cast %add3A_768 : vector<16xi32> to vector<1x16xi32>
    tpu.vector_store %arg6[%swap3A_770, %swap3A_771], %swap3A_774 {strides = array<i32>} : memref<3x512xi32, #tpu.memory_space<vmem>>, vector<1x16xi32>,
    %get3A_775 = arith.constant 48 : index
    %get3A_776 = tpu.vector_load %arg5[%get3A_775] {strides = array<i32>} : memref<512xi32, #tpu.memory_space<vmem>>, vector<16xi32>,
    %get3A_777 = vector.shape_cast %get3A_776 : vector<16xi32> to vector<16xi32>
    %add3A_778 = vector.broadcast %mul3A_741 : i32 to vector<16xi32>
    %add3A_779 = arith.addi %get3A_777, %add3A_778 : vector<16xi32>
    %swap3A_780 = arith.constant 2 : i32
    %swap3A_781 = arith.index_cast %swap3A_780 : i32 to index
    %swap3A_782 = arith.constant 48 : index
    %swap3A_783 = tpu.vector_load %arg6[%swap3A_781, %swap3A_782] {strides = array<i32>} : memref<3x512xi32, #tpu.memory_space<vmem>>, vector<1x16xi32>,
    %swap3A_784 = vector.shape_cast %swap3A_783 : vector<1x16xi32> to vector<16xi32>
    %swap3A_785 = vector.shape_cast %add3A_779 : vector<16xi32> to vector<1x16xi32>
    tpu.vector_store %arg6[%swap3A_781, %swap3A_782], %swap3A_785 {strides = array<i32>} : memref<3x512xi32, #tpu.memory_space<vmem>>, vector<1x16xi32>,
    %get3A_786 = arith.constant 64 : index
    %get3A_787 = tpu.vector_load %arg5[%get3A_786] {strides = array<i32>} : memref<512xi32, #tpu.memory_space<vmem>>, vector<16xi32>,
    %get3A_788 = vector.shape_cast %get3A_787 : vector<16xi32> to vector<16xi32>
    %add3A_789 = vector.broadcast %mul3A_741 : i32 to vector<16xi32>
    %add3A_790 = arith.addi %get3A_788, %add3A_789 : vector<16xi32>
    %swap3A_791 = arith.constant 2 : i32
    %swap3A_792 = arith.index_cast %swap3A_791 : i32 to index
    %swap3A_793 = arith.constant 64 : index
    %swap3A_794 = tpu.vector_load %arg6[%swap3A_792, %swap3A_793] {strides = array<i32>} : memref<3x512xi32, #tpu.memory_space<vmem>>, vector<1x16xi32>,
    %swap3A_795 = vector.shape_cast %swap3A_794 : vector<1x16xi32> to vector<16xi32>
    %swap3A_796 = vector.shape_cast %add3A_790 : vector<16xi32> to vector<1x16xi32>
    tpu.vector_store %arg6[%swap3A_792, %swap3A_793], %swap3A_796 {strides = array<i32>} : memref<3x512xi32, #tpu.memory_space<vmem>>, vector<1x16xi32>,
    %get3A_797 = arith.constant 80 : index
    %get3A_798 = tpu.vector_load %arg5[%get3A_797] {strides = array<i32>} : memref<512xi32, #tpu.memory_space<vmem>>, vector<16xi32>,
    %get3A_799 = vector.shape_cast %get3A_798 : vector<16xi32> to vector<16xi32>
    %add3A_800 = vector.broadcast %mul3A_741 : i32 to vector<16xi32>
    %add3A_801 = arith.addi %get3A_799, %add3A_800 : vector<16xi32>
    %swap3A_802 = arith.constant 2 : i32
    %swap3A_803 = arith.index_cast %swap3A_802 : i32 to index
    %swap3A_804 = arith.constant 80 : index
    %swap3A_805 = tpu.vector_load %arg6[%swap3A_803, %swap3A_804] {strides = array<i32>} : memref<3x512xi32, #tpu.memory_space<vmem>>, vector<1x16xi32>,
    %swap3A_806 = vector.shape_cast %swap3A_805 : vector<1x16xi32> to vector<16xi32>
    %swap3A_807 = vector.shape_cast %add3A_801 : vector<16xi32> to vector<1x16xi32>
    tpu.vector_store %arg6[%swap3A_803, %swap3A_804], %swap3A_807 {strides = array<i32>} : memref<3x512xi32, #tpu.memory_space<vmem>>, vector<1x16xi32>,
    %get3A_808 = arith.constant 96 : index
    %get3A_809 = tpu.vector_load %arg5[%get3A_808] {strides = array<i32>} : memref<512xi32, #tpu.memory_space<vmem>>, vector<16xi32>,
    %get3A_810 = vector.shape_cast %get3A_809 : vector<16xi32> to vector<16xi32>
    %add3A_811 = vector.broadcast %mul3A_741 : i32 to vector<16xi32>
    %add3A_812 = arith.addi %get3A_810, %add3A_811 : vector<16xi32>
    %swap3A_813 = arith.constant 2 : i32
    %swap3A_814 = arith.index_cast %swap3A_813 : i32 to index
    %swap3A_815 = arith.constant 96 : index
    %swap3A_816 = tpu.vector_load %arg6[%swap3A_814, %swap3A_815] {strides = array<i32>} : memref<3x512xi32, #tpu.memory_space<vmem>>, vector<1x16xi32>,
    %swap3A_817 = vector.shape_cast %swap3A_816 : vector<1x16xi32> to vector<16xi32>
    %swap3A_818 = vector.shape_cast %add3A_812 : vector<16xi32> to vector<1x16xi32>
    tpu.vector_store %arg6[%swap3A_814, %swap3A_815], %swap3A_818 {strides = array<i32>} : memref<3x512xi32, #tpu.memory_space<vmem>>, vector<1x16xi32>,
    %get3A_819 = arith.constant 112 : index
    %get3A_820 = tpu.vector_load %arg5[%get3A_819] {strides = array<i32>} : memref<512xi32, #tpu.memory_space<vmem>>, vector<16xi32>,
    %get3A_821 = vector.shape_cast %get3A_820 : vector<16xi32> to vector<16xi32>
    %add3A_822 = vector.broadcast %mul3A_741 : i32 to vector<16xi32>
    %add3A_823 = arith.addi %get3A_821, %add3A_822 : vector<16xi32>
    %swap3A_824 = arith.constant 2 : i32
    %swap3A_825 = arith.index_cast %swap3A_824 : i32 to index
    %swap3A_826 = arith.constant 112 : index
    %swap3A_827 = tpu.vector_load %arg6[%swap3A_825, %swap3A_826] {strides = array<i32>} : memref<3x512xi32, #tpu.memory_space<vmem>>, vector<1x16xi32>,
    %swap3A_828 = vector.shape_cast %swap3A_827 : vector<1x16xi32> to vector<16xi32>
    %swap3A_829 = vector.shape_cast %add3A_823 : vector<16xi32> to vector<1x16xi32>
    tpu.vector_store %arg6[%swap3A_825, %swap3A_826], %swap3A_829 {strides = array<i32>} : memref<3x512xi32, #tpu.memory_space<vmem>>, vector<1x16xi32>,
    %get3A_830 = arith.constant 128 : index
    %get3A_831 = tpu.vector_load %arg5[%get3A_830] {strides = array<i32>} : memref<512xi32, #tpu.memory_space<vmem>>, vector<16xi32>,
    %get3A_832 = vector.shape_cast %get3A_831 : vector<16xi32> to vector<16xi32>
    %add3A_833 = vector.broadcast %mul3A_741 : i32 to vector<16xi32>
    %add3A_834 = arith.addi %get3A_832, %add3A_833 : vector<16xi32>
    %swap3A_835 = arith.constant 2 : i32
    %swap3A_836 = arith.index_cast %swap3A_835 : i32 to index
    %swap3A_837 = arith.constant 128 : index
    %swap3A_838 = tpu.vector_load %arg6[%swap3A_836, %swap3A_837] {strides = array<i32>} : memref<3x512xi32, #tpu.memory_space<vmem>>, vector<1x16xi32>,
    %swap3A_839 = vector.shape_cast %swap3A_838 : vector<1x16xi32> to vector<16xi32>
    %swap3A_840 = vector.shape_cast %add3A_834 : vector<16xi32> to vector<1x16xi32>
    tpu.vector_store %arg6[%swap3A_836, %swap3A_837], %swap3A_840 {strides = array<i32>} : memref<3x512xi32, #tpu.memory_space<vmem>>, vector<1x16xi32>,
    %get3A_841 = arith.constant 144 : index
    %get3A_842 = tpu.vector_load %arg5[%get3A_841] {strides = array<i32>} : memref<512xi32, #tpu.memory_space<vmem>>, vector<16xi32>,
    %get3A_843 = vector.shape_cast %get3A_842 : vector<16xi32> to vector<16xi32>
    %add3A_844 = vector.broadcast %mul3A_741 : i32 to vector<16xi32>
    %add3A_845 = arith.addi %get3A_843, %add3A_844 : vector<16xi32>
    %swap3A_846 = arith.constant 2 : i32
    %swap3A_847 = arith.index_cast %swap3A_846 : i32 to index
    %swap3A_848 = arith.constant 144 : index
    %swap3A_849 = tpu.vector_load %arg6[%swap3A_847, %swap3A_848] {strides = array<i32>} : memref<3x512xi32, #tpu.memory_space<vmem>>, vector<1x16xi32>,
    %swap3A_850 = vector.shape_cast %swap3A_849 : vector<1x16xi32> to vector<16xi32>
    %swap3A_851 = vector.shape_cast %add3A_845 : vector<16xi32> to vector<1x16xi32>
    tpu.vector_store %arg6[%swap3A_847, %swap3A_848], %swap3A_851 {strides = array<i32>} : memref<3x512xi32, #tpu.memory_space<vmem>>, vector<1x16xi32>,
    %get3A_852 = arith.constant 160 : index
    %get3A_853 = tpu.vector_load %arg5[%get3A_852] {strides = array<i32>} : memref<512xi32, #tpu.memory_space<vmem>>, vector<16xi32>,
    %get3A_854 = vector.shape_cast %get3A_853 : vector<16xi32> to vector<16xi32>
    %add3A_855 = vector.broadcast %mul3A_741 : i32 to vector<16xi32>
    %add3A_856 = arith.addi %get3A_854, %add3A_855 : vector<16xi32>
    %swap3A_857 = arith.constant 2 : i32
    %swap3A_858 = arith.index_cast %swap3A_857 : i32 to index
    %swap3A_859 = arith.constant 160 : index
    %swap3A_860 = tpu.vector_load %arg6[%swap3A_858, %swap3A_859] {strides = array<i32>} : memref<3x512xi32, #tpu.memory_space<vmem>>, vector<1x16xi32>,
    %swap3A_861 = vector.shape_cast %swap3A_860 : vector<1x16xi32> to vector<16xi32>
    %swap3A_862 = vector.shape_cast %add3A_856 : vector<16xi32> to vector<1x16xi32>
    tpu.vector_store %arg6[%swap3A_858, %swap3A_859], %swap3A_862 {strides = array<i32>} : memref<3x512xi32, #tpu.memory_space<vmem>>, vector<1x16xi32>,
    %get3A_863 = arith.constant 176 : index
    %get3A_864 = tpu.vector_load %arg5[%get3A_863] {strides = array<i32>} : memref<512xi32, #tpu.memory_space<vmem>>, vector<16xi32>,
    %get3A_865 = vector.shape_cast %get3A_864 : vector<16xi32> to vector<16xi32>
    %add3A_866 = vector.broadcast %mul3A_741 : i32 to vector<16xi32>
    %add3A_867 = arith.addi %get3A_865, %add3A_866 : vector<16xi32>
    %swap3A_868 = arith.constant 2 : i32
    %swap3A_869 = arith.index_cast %swap3A_868 : i32 to index
    %swap3A_870 = arith.constant 176 : index
    %swap3A_871 = tpu.vector_load %arg6[%swap3A_869, %swap3A_870] {strides = array<i32>} : memref<3x512xi32, #tpu.memory_space<vmem>>, vector<1x16xi32>,
    %swap3A_872 = vector.shape_cast %swap3A_871 : vector<1x16xi32> to vector<16xi32>
    %swap3A_873 = vector.shape_cast %add3A_867 : vector<16xi32> to vector<1x16xi32>
    tpu.vector_store %arg6[%swap3A_869, %swap3A_870], %swap3A_873 {strides = array<i32>} : memref<3x512xi32, #tpu.memory_space<vmem>>, vector<1x16xi32>,
    %get3A_874 = arith.constant 192 : index
    %get3A_875 = tpu.vector_load %arg5[%get3A_874] {strides = array<i32>} : memref<512xi32, #tpu.memory_space<vmem>>, vector<16xi32>,
    %get3A_876 = vector.shape_cast %get3A_875 : vector<16xi32> to vector<16xi32>
    %add3A_877 = vector.broadcast %mul3A_741 : i32 to vector<16xi32>
    %add3A_878 = arith.addi %get3A_876, %add3A_877 : vector<16xi32>
    %swap3A_879 = arith.constant 2 : i32
    %swap3A_880 = arith.index_cast %swap3A_879 : i32 to index
    %swap3A_881 = arith.constant 192 : index
    %swap3A_882 = tpu.vector_load %arg6[%swap3A_880, %swap3A_881] {strides = array<i32>} : memref<3x512xi32, #tpu.memory_space<vmem>>, vector<1x16xi32>,
    %swap3A_883 = vector.shape_cast %swap3A_882 : vector<1x16xi32> to vector<16xi32>
    %swap3A_884 = vector.shape_cast %add3A_878 : vector<16xi32> to vector<1x16xi32>
    tpu.vector_store %arg6[%swap3A_880, %swap3A_881], %swap3A_884 {strides = array<i32>} : memref<3x512xi32, #tpu.memory_space<vmem>>, vector<1x16xi32>,
    %get3A_885 = arith.constant 208 : index
    %get3A_886 = tpu.vector_load %arg5[%get3A_885] {strides = array<i32>} : memref<512xi32, #tpu.memory_space<vmem>>, vector<16xi32>,
    %get3A_887 = vector.shape_cast %get3A_886 : vector<16xi32> to vector<16xi32>
    %add3A_888 = vector.broadcast %mul3A_741 : i32 to vector<16xi32>
    %add3A_889 = arith.addi %get3A_887, %add3A_888 : vector<16xi32>
    %swap3A_890 = arith.constant 2 : i32
    %swap3A_891 = arith.index_cast %swap3A_890 : i32 to index
    %swap3A_892 = arith.constant 208 : index
    %swap3A_893 = tpu.vector_load %arg6[%swap3A_891, %swap3A_892] {strides = array<i32>} : memref<3x512xi32, #tpu.memory_space<vmem>>, vector<1x16xi32>,
    %swap3A_894 = vector.shape_cast %swap3A_893 : vector<1x16xi32> to vector<16xi32>
    %swap3A_895 = vector.shape_cast %add3A_889 : vector<16xi32> to vector<1x16xi32>
    tpu.vector_store %arg6[%swap3A_891, %swap3A_892], %swap3A_895 {strides = array<i32>} : memref<3x512xi32, #tpu.memory_space<vmem>>, vector<1x16xi32>,
    %get3A_896 = arith.constant 224 : index
    %get3A_897 = tpu.vector_load %arg5[%get3A_896] {strides = array<i32>} : memref<512xi32, #tpu.memory_space<vmem>>, vector<16xi32>,
    %get3A_898 = vector.shape_cast %get3A_897 : vector<16xi32> to vector<16xi32>
    %add3A_899 = vector.broadcast %mul3A_741 : i32 to vector<16xi32>
    %add3A_900 = arith.addi %get3A_898, %add3A_899 : vector<16xi32>
    %swap3A_901 = arith.constant 2 : i32
    %swap3A_902 = arith.index_cast %swap3A_901 : i32 to index
    %swap3A_903 = arith.constant 224 : index
    %swap3A_904 = tpu.vector_load %arg6[%swap3A_902, %swap3A_903] {strides = array<i32>} : memref<3x512xi32, #tpu.memory_space<vmem>>, vector<1x16xi32>,
    %swap3A_905 = vector.shape_cast %swap3A_904 : vector<1x16xi32> to vector<16xi32>
    %swap3A_906 = vector.shape_cast %add3A_900 : vector<16xi32> to vector<1x16xi32>
    tpu.vector_store %arg6[%swap3A_902, %swap3A_903], %swap3A_906 {strides = array<i32>} : memref<3x512xi32, #tpu.memory_space<vmem>>, vector<1x16xi32>,
    %get3A_907 = arith.constant 240 : index
    %get3A_908 = tpu.vector_load %arg5[%get3A_907] {strides = array<i32>} : memref<512xi32, #tpu.memory_space<vmem>>, vector<16xi32>,
    %get3A_909 = vector.shape_cast %get3A_908 : vector<16xi32> to vector<16xi32>
    %add3A_910 = vector.broadcast %mul3A_741 : i32 to vector<16xi32>
    %add3A_911 = arith.addi %get3A_909, %add3A_910 : vector<16xi32>
    %swap3A_912 = arith.constant 2 : i32
    %swap3A_913 = arith.index_cast %swap3A_912 : i32 to index
    %swap3A_914 = arith.constant 240 : index
    %swap3A_915 = tpu.vector_load %arg6[%swap3A_913, %swap3A_914] {strides = array<i32>} : memref<3x512xi32, #tpu.memory_space<vmem>>, vector<1x16xi32>,
    %swap3A_916 = vector.shape_cast %swap3A_915 : vector<1x16xi32> to vector<16xi32>
    %swap3A_917 = vector.shape_cast %add3A_911 : vector<16xi32> to vector<1x16xi32>
    tpu.vector_store %arg6[%swap3A_913, %swap3A_914], %swap3A_917 {strides = array<i32>} : memref<3x512xi32, #tpu.memory_space<vmem>>, vector<1x16xi32>,
    %get3A_918 = arith.constant 256 : index
    %get3A_919 = tpu.vector_load %arg5[%get3A_918] {strides = array<i32>} : memref<512xi32, #tpu.memory_space<vmem>>, vector<16xi32>,
    %get3A_920 = vector.shape_cast %get3A_919 : vector<16xi32> to vector<16xi32>
    %add3A_921 = vector.broadcast %mul3A_741 : i32 to vector<16xi32>
    %add3A_922 = arith.addi %get3A_920, %add3A_921 : vector<16xi32>
    %swap3A_923 = arith.constant 2 : i32
    %swap3A_924 = arith.index_cast %swap3A_923 : i32 to index
    %swap3A_925 = arith.constant 256 : index
    %swap3A_926 = tpu.vector_load %arg6[%swap3A_924, %swap3A_925] {strides = array<i32>} : memref<3x512xi32, #tpu.memory_space<vmem>>, vector<1x16xi32>,
    %swap3A_927 = vector.shape_cast %swap3A_926 : vector<1x16xi32> to vector<16xi32>
    %swap3A_928 = vector.shape_cast %add3A_922 : vector<16xi32> to vector<1x16xi32>
    tpu.vector_store %arg6[%swap3A_924, %swap3A_925], %swap3A_928 {strides = array<i32>} : memref<3x512xi32, #tpu.memory_space<vmem>>, vector<1x16xi32>,
    %get3A_929 = arith.constant 272 : index
    %get3A_930 = tpu.vector_load %arg5[%get3A_929] {strides = array<i32>} : memref<512xi32, #tpu.memory_space<vmem>>, vector<16xi32>,
    %get3A_931 = vector.shape_cast %get3A_930 : vector<16xi32> to vector<16xi32>
    %add3A_932 = vector.broadcast %mul3A_741 : i32 to vector<16xi32>
    %add3A_933 = arith.addi %get3A_931, %add3A_932 : vector<16xi32>
    %swap3A_934 = arith.constant 2 : i32
    %swap3A_935 = arith.index_cast %swap3A_934 : i32 to index
    %swap3A_936 = arith.constant 272 : index
    %swap3A_937 = tpu.vector_load %arg6[%swap3A_935, %swap3A_936] {strides = array<i32>} : memref<3x512xi32, #tpu.memory_space<vmem>>, vector<1x16xi32>,
    %swap3A_938 = vector.shape_cast %swap3A_937 : vector<1x16xi32> to vector<16xi32>
    %swap3A_939 = vector.shape_cast %add3A_933 : vector<16xi32> to vector<1x16xi32>
    tpu.vector_store %arg6[%swap3A_935, %swap3A_936], %swap3A_939 {strides = array<i32>} : memref<3x512xi32, #tpu.memory_space<vmem>>, vector<1x16xi32>,
    %get3A_940 = arith.constant 288 : index
    %get3A_941 = tpu.vector_load %arg5[%get3A_940] {strides = array<i32>} : memref<512xi32, #tpu.memory_space<vmem>>, vector<16xi32>,
    %get3A_942 = vector.shape_cast %get3A_941 : vector<16xi32> to vector<16xi32>
    %add3A_943 = vector.broadcast %mul3A_741 : i32 to vector<16xi32>
    %add3A_944 = arith.addi %get3A_942, %add3A_943 : vector<16xi32>
    %swap3A_945 = arith.constant 2 : i32
    %swap3A_946 = arith.index_cast %swap3A_945 : i32 to index
    %swap3A_947 = arith.constant 288 : index
    %swap3A_948 = tpu.vector_load %arg6[%swap3A_946, %swap3A_947] {strides = array<i32>} : memref<3x512xi32, #tpu.memory_space<vmem>>, vector<1x16xi32>,
    %swap3A_949 = vector.shape_cast %swap3A_948 : vector<1x16xi32> to vector<16xi32>
    %swap3A_950 = vector.shape_cast %add3A_944 : vector<16xi32> to vector<1x16xi32>
    tpu.vector_store %arg6[%swap3A_946, %swap3A_947], %swap3A_950 {strides = array<i32>} : memref<3x512xi32, #tpu.memory_space<vmem>>, vector<1x16xi32>,
    %get3A_951 = arith.constant 304 : index
    %get3A_952 = tpu.vector_load %arg5[%get3A_951] {strides = array<i32>} : memref<512xi32, #tpu.memory_space<vmem>>, vector<16xi32>,
    %get3A_953 = vector.shape_cast %get3A_952 : vector<16xi32> to vector<16xi32>
    %add3A_954 = vector.broadcast %mul3A_741 : i32 to vector<16xi32>
    %add3A_955 = arith.addi %get3A_953, %add3A_954 : vector<16xi32>
    %swap3A_956 = arith.constant 2 : i32
    %swap3A_957 = arith.index_cast %swap3A_956 : i32 to index
    %swap3A_958 = arith.constant 304 : index
    %swap3A_959 = tpu.vector_load %arg6[%swap3A_957, %swap3A_958] {strides = array<i32>} : memref<3x512xi32, #tpu.memory_space<vmem>>, vector<1x16xi32>,
    %swap3A_960 = vector.shape_cast %swap3A_959 : vector<1x16xi32> to vector<16xi32>
    %swap3A_961 = vector.shape_cast %add3A_955 : vector<16xi32> to vector<1x16xi32>
    tpu.vector_store %arg6[%swap3A_957, %swap3A_958], %swap3A_961 {strides = array<i32>} : memref<3x512xi32, #tpu.memory_space<vmem>>, vector<1x16xi32>,
    %get3A_962 = arith.constant 320 : index
    %get3A_963 = tpu.vector_load %arg5[%get3A_962] {strides = array<i32>} : memref<512xi32, #tpu.memory_space<vmem>>, vector<16xi32>,
    %get3A_964 = vector.shape_cast %get3A_963 : vector<16xi32> to vector<16xi32>
    %add3A_965 = vector.broadcast %mul3A_741 : i32 to vector<16xi32>
    %add3A_966 = arith.addi %get3A_964, %add3A_965 : vector<16xi32>
    %swap3A_967 = arith.constant 2 : i32
    %swap3A_968 = arith.index_cast %swap3A_967 : i32 to index
    %swap3A_969 = arith.constant 320 : index
    %swap3A_970 = tpu.vector_load %arg6[%swap3A_968, %swap3A_969] {strides = array<i32>} : memref<3x512xi32, #tpu.memory_space<vmem>>, vector<1x16xi32>,
    %swap3A_971 = vector.shape_cast %swap3A_970 : vector<1x16xi32> to vector<16xi32>
    %swap3A_972 = vector.shape_cast %add3A_966 : vector<16xi32> to vector<1x16xi32>
    tpu.vector_store %arg6[%swap3A_968, %swap3A_969], %swap3A_972 {strides = array<i32>} : memref<3x512xi32, #tpu.memory_space<vmem>>, vector<1x16xi32>,
    %get3A_973 = arith.constant 336 : index
    %get3A_974 = tpu.vector_load %arg5[%get3A_973] {strides = array<i32>} : memref<512xi32, #tpu.memory_space<vmem>>, vector<16xi32>,
    %get3A_975 = vector.shape_cast %get3A_974 : vector<16xi32> to vector<16xi32>
    %add3A_976 = vector.broadcast %mul3A_741 : i32 to vector<16xi32>
    %add3A_977 = arith.addi %get3A_975, %add3A_976 : vector<16xi32>
    %swap3A_978 = arith.constant 2 : i32
    %swap3A_979 = arith.index_cast %swap3A_978 : i32 to index
    %swap3A_980 = arith.constant 336 : index
    %swap3A_981 = tpu.vector_load %arg6[%swap3A_979, %swap3A_980] {strides = array<i32>} : memref<3x512xi32, #tpu.memory_space<vmem>>, vector<1x16xi32>,
    %swap3A_982 = vector.shape_cast %swap3A_981 : vector<1x16xi32> to vector<16xi32>
    %swap3A_983 = vector.shape_cast %add3A_977 : vector<16xi32> to vector<1x16xi32>
    tpu.vector_store %arg6[%swap3A_979, %swap3A_980], %swap3A_983 {strides = array<i32>} : memref<3x512xi32, #tpu.memory_space<vmem>>, vector<1x16xi32>,
    %get3A_984 = arith.constant 352 : index
    %get3A_985 = tpu.vector_load %arg5[%get3A_984] {strides = array<i32>} : memref<512xi32, #tpu.memory_space<vmem>>, vector<16xi32>,
    %get3A_986 = vector.shape_cast %get3A_985 : vector<16xi32> to vector<16xi32>
    %add3A_987 = vector.broadcast %mul3A_741 : i32 to vector<16xi32>
    %add3A_988 = arith.addi %get3A_986, %add3A_987 : vector<16xi32>
    %swap3A_989 = arith.constant 2 : i32
    %swap3A_990 = arith.index_cast %swap3A_989 : i32 to index
    %swap3A_991 = arith.constant 352 : index
    %swap3A_992 = tpu.vector_load %arg6[%swap3A_990, %swap3A_991] {strides = array<i32>} : memref<3x512xi32, #tpu.memory_space<vmem>>, vector<1x16xi32>,
    %swap3A_993 = vector.shape_cast %swap3A_992 : vector<1x16xi32> to vector<16xi32>
    %swap3A_994 = vector.shape_cast %add3A_988 : vector<16xi32> to vector<1x16xi32>
    tpu.vector_store %arg6[%swap3A_990, %swap3A_991], %swap3A_994 {strides = array<i32>} : memref<3x512xi32, #tpu.memory_space<vmem>>, vector<1x16xi32>,
    %get3A_995 = arith.constant 368 : index
    %get3A_996 = tpu.vector_load %arg5[%get3A_995] {strides = array<i32>} : memref<512xi32, #tpu.memory_space<vmem>>, vector<16xi32>,
    %get3A_997 = vector.shape_cast %get3A_996 : vector<16xi32> to vector<16xi32>
    %add3A_998 = vector.broadcast %mul3A_741 : i32 to vector<16xi32>
    %add3A_999 = arith.addi %get3A_997, %add3A_998 : vector<16xi32>
    %swap3A_1000 = arith.constant 2 : i32
    %swap3A_1001 = arith.index_cast %swap3A_1000 : i32 to index
    %swap3A_1002 = arith.constant 368 : index
    %swap3A_1003 = tpu.vector_load %arg6[%swap3A_1001, %swap3A_1002] {strides = array<i32>} : memref<3x512xi32, #tpu.memory_space<vmem>>, vector<1x16xi32>,
    %swap3A_1004 = vector.shape_cast %swap3A_1003 : vector<1x16xi32> to vector<16xi32>
    %swap3A_1005 = vector.shape_cast %add3A_999 : vector<16xi32> to vector<1x16xi32>
    tpu.vector_store %arg6[%swap3A_1001, %swap3A_1002], %swap3A_1005 {strides = array<i32>} : memref<3x512xi32, #tpu.memory_space<vmem>>, vector<1x16xi32>,
    %get3A_1006 = arith.constant 384 : index
    %get3A_1007 = tpu.vector_load %arg5[%get3A_1006] {strides = array<i32>} : memref<512xi32, #tpu.memory_space<vmem>>, vector<16xi32>,
    %get3A_1008 = vector.shape_cast %get3A_1007 : vector<16xi32> to vector<16xi32>
    %add3A_1009 = vector.broadcast %mul3A_741 : i32 to vector<16xi32>
    %add3A_1010 = arith.addi %get3A_1008, %add3A_1009 : vector<16xi32>
    %swap3A_1011 = arith.constant 2 : i32
    %swap3A_1012 = arith.index_cast %swap3A_1011 : i32 to index
    %swap3A_1013 = arith.constant 384 : index
    %swap3A_1014 = tpu.vector_load %arg6[%swap3A_1012, %swap3A_1013] {strides = array<i32>} : memref<3x512xi32, #tpu.memory_space<vmem>>, vector<1x16xi32>,
    %swap3A_1015 = vector.shape_cast %swap3A_1014 : vector<1x16xi32> to vector<16xi32>
    %swap3A_1016 = vector.shape_cast %add3A_1010 : vector<16xi32> to vector<1x16xi32>
    tpu.vector_store %arg6[%swap3A_1012, %swap3A_1013], %swap3A_1016 {strides = array<i32>} : memref<3x512xi32, #tpu.memory_space<vmem>>, vector<1x16xi32>,
    %get3A_1017 = arith.constant 400 : index
    %get3A_1018 = tpu.vector_load %arg5[%get3A_1017] {strides = array<i32>} : memref<512xi32, #tpu.memory_space<vmem>>, vector<16xi32>,
    %get3A_1019 = vector.shape_cast %get3A_1018 : vector<16xi32> to vector<16xi32>
    %add3A_1020 = vector.broadcast %mul3A_741 : i32 to vector<16xi32>
    %add3A_1021 = arith.addi %get3A_1019, %add3A_1020 : vector<16xi32>
    %swap3A_1022 = arith.constant 2 : i32
    %swap3A_1023 = arith.index_cast %swap3A_1022 : i32 to index
    %swap3A_1024 = arith.constant 400 : index
    %swap3A_1025 = tpu.vector_load %arg6[%swap3A_1023, %swap3A_1024] {strides = array<i32>} : memref<3x512xi32, #tpu.memory_space<vmem>>, vector<1x16xi32>,
    %swap3A_1026 = vector.shape_cast %swap3A_1025 : vector<1x16xi32> to vector<16xi32>
    %swap3A_1027 = vector.shape_cast %add3A_1021 : vector<16xi32> to vector<1x16xi32>
    tpu.vector_store %arg6[%swap3A_1023, %swap3A_1024], %swap3A_1027 {strides = array<i32>} : memref<3x512xi32, #tpu.memory_space<vmem>>, vector<1x16xi32>,
    %get3A_1028 = arith.constant 416 : index
    %get3A_1029 = tpu.vector_load %arg5[%get3A_1028] {strides = array<i32>} : memref<512xi32, #tpu.memory_space<vmem>>, vector<16xi32>,
    %get3A_1030 = vector.shape_cast %get3A_1029 : vector<16xi32> to vector<16xi32>
    %add3A_1031 = vector.broadcast %mul3A_741 : i32 to vector<16xi32>
    %add3A_1032 = arith.addi %get3A_1030, %add3A_1031 : vector<16xi32>
    %swap3A_1033 = arith.constant 2 : i32
    %swap3A_1034 = arith.index_cast %swap3A_1033 : i32 to index
    %swap3A_1035 = arith.constant 416 : index
    %swap3A_1036 = tpu.vector_load %arg6[%swap3A_1034, %swap3A_1035] {strides = array<i32>} : memref<3x512xi32, #tpu.memory_space<vmem>>, vector<1x16xi32>,
    %swap3A_1037 = vector.shape_cast %swap3A_1036 : vector<1x16xi32> to vector<16xi32>
    %swap3A_1038 = vector.shape_cast %add3A_1032 : vector<16xi32> to vector<1x16xi32>
    tpu.vector_store %arg6[%swap3A_1034, %swap3A_1035], %swap3A_1038 {strides = array<i32>} : memref<3x512xi32, #tpu.memory_space<vmem>>, vector<1x16xi32>,
    %get3A_1039 = arith.constant 432 : index
    %get3A_1040 = tpu.vector_load %arg5[%get3A_1039] {strides = array<i32>} : memref<512xi32, #tpu.memory_space<vmem>>, vector<16xi32>,
    %get3A_1041 = vector.shape_cast %get3A_1040 : vector<16xi32> to vector<16xi32>
    %add3A_1042 = vector.broadcast %mul3A_741 : i32 to vector<16xi32>
    %add3A_1043 = arith.addi %get3A_1041, %add3A_1042 : vector<16xi32>
    %swap3A_1044 = arith.constant 2 : i32
    %swap3A_1045 = arith.index_cast %swap3A_1044 : i32 to index
    %swap3A_1046 = arith.constant 432 : index
    %swap3A_1047 = tpu.vector_load %arg6[%swap3A_1045, %swap3A_1046] {strides = array<i32>} : memref<3x512xi32, #tpu.memory_space<vmem>>, vector<1x16xi32>,
    %swap3A_1048 = vector.shape_cast %swap3A_1047 : vector<1x16xi32> to vector<16xi32>
    %swap3A_1049 = vector.shape_cast %add3A_1043 : vector<16xi32> to vector<1x16xi32>
    tpu.vector_store %arg6[%swap3A_1045, %swap3A_1046], %swap3A_1049 {strides = array<i32>} : memref<3x512xi32, #tpu.memory_space<vmem>>, vector<1x16xi32>,
    %get3A_1050 = arith.constant 448 : index
    %get3A_1051 = tpu.vector_load %arg5[%get3A_1050] {strides = array<i32>} : memref<512xi32, #tpu.memory_space<vmem>>, vector<16xi32>,
    %get3A_1052 = vector.shape_cast %get3A_1051 : vector<16xi32> to vector<16xi32>
    %add3A_1053 = vector.broadcast %mul3A_741 : i32 to vector<16xi32>
    %add3A_1054 = arith.addi %get3A_1052, %add3A_1053 : vector<16xi32>
    %swap3A_1055 = arith.constant 2 : i32
    %swap3A_1056 = arith.index_cast %swap3A_1055 : i32 to index
    %swap3A_1057 = arith.constant 448 : index
    %swap3A_1058 = tpu.vector_load %arg6[%swap3A_1056, %swap3A_1057] {strides = array<i32>} : memref<3x512xi32, #tpu.memory_space<vmem>>, vector<1x16xi32>,
    %swap3A_1059 = vector.shape_cast %swap3A_1058 : vector<1x16xi32> to vector<16xi32>
    %swap3A_1060 = vector.shape_cast %add3A_1054 : vector<16xi32> to vector<1x16xi32>
    tpu.vector_store %arg6[%swap3A_1056, %swap3A_1057], %swap3A_1060 {strides = array<i32>} : memref<3x512xi32, #tpu.memory_space<vmem>>, vector<1x16xi32>,
    %get3A_1061 = arith.constant 464 : index
    %get3A_1062 = tpu.vector_load %arg5[%get3A_1061] {strides = array<i32>} : memref<512xi32, #tpu.memory_space<vmem>>, vector<16xi32>,
    %get3A_1063 = vector.shape_cast %get3A_1062 : vector<16xi32> to vector<16xi32>
    %add3A_1064 = vector.broadcast %mul3A_741 : i32 to vector<16xi32>
    %add3A_1065 = arith.addi %get3A_1063, %add3A_1064 : vector<16xi32>
    %swap3A_1066 = arith.constant 2 : i32
    %swap3A_1067 = arith.index_cast %swap3A_1066 : i32 to index
    %swap3A_1068 = arith.constant 464 : index
    %swap3A_1069 = tpu.vector_load %arg6[%swap3A_1067, %swap3A_1068] {strides = array<i32>} : memref<3x512xi32, #tpu.memory_space<vmem>>, vector<1x16xi32>,
    %swap3A_1070 = vector.shape_cast %swap3A_1069 : vector<1x16xi32> to vector<16xi32>
    %swap3A_1071 = vector.shape_cast %add3A_1065 : vector<16xi32> to vector<1x16xi32>
    tpu.vector_store %arg6[%swap3A_1067, %swap3A_1068], %swap3A_1071 {strides = array<i32>} : memref<3x512xi32, #tpu.memory_space<vmem>>, vector<1x16xi32>,
    %get3A_1072 = arith.constant 480 : index
    %get3A_1073 = tpu.vector_load %arg5[%get3A_1072] {strides = array<i32>} : memref<512xi32, #tpu.memory_space<vmem>>, vector<16xi32>,
    %get3A_1074 = vector.shape_cast %get3A_1073 : vector<16xi32> to vector<16xi32>
    %add3A_1075 = vector.broadcast %mul3A_741 : i32 to vector<16xi32>
    %add3A_1076 = arith.addi %get3A_1074, %add3A_1075 : vector<16xi32>
    %swap3A_1077 = arith.constant 2 : i32
    %swap3A_1078 = arith.index_cast %swap3A_1077 : i32 to index
    %swap3A_1079 = arith.constant 480 : index
    %swap3A_1080 = tpu.vector_load %arg6[%swap3A_1078, %swap3A_1079] {strides = array<i32>} : memref<3x512xi32, #tpu.memory_space<vmem>>, vector<1x16xi32>,
    %swap3A_1081 = vector.shape_cast %swap3A_1080 : vector<1x16xi32> to vector<16xi32>
    %swap3A_1082 = vector.shape_cast %add3A_1076 : vector<16xi32> to vector<1x16xi32>
    tpu.vector_store %arg6[%swap3A_1078, %swap3A_1079], %swap3A_1082 {strides = array<i32>} : memref<3x512xi32, #tpu.memory_space<vmem>>, vector<1x16xi32>,
    %get3A_1083 = arith.constant 496 : index
    %get3A_1084 = tpu.vector_load %arg5[%get3A_1083] {strides = array<i32>} : memref<512xi32, #tpu.memory_space<vmem>>, vector<16xi32>,
    %get3A_1085 = vector.shape_cast %get3A_1084 : vector<16xi32> to vector<16xi32>
    %add3A_1086 = vector.broadcast %mul3A_741 : i32 to vector<16xi32>
    %add3A_1087 = arith.addi %get3A_1085, %add3A_1086 : vector<16xi32>
    %swap3A_1088 = arith.constant 2 : i32
    %swap3A_1089 = arith.index_cast %swap3A_1088 : i32 to index
    %swap3A_1090 = arith.constant 496 : index
    %swap3A_1091 = tpu.vector_load %arg6[%swap3A_1089, %swap3A_1090] {strides = array<i32>} : memref<3x512xi32, #tpu.memory_space<vmem>>, vector<1x16xi32>,
    %swap3A_1092 = vector.shape_cast %swap3A_1091 : vector<1x16xi32> to vector<16xi32>
    %swap3A_1093 = vector.shape_cast %add3A_1087 : vector<16xi32> to vector<1x16xi32>
    tpu.vector_store %arg6[%swap3A_1089, %swap3A_1090], %swap3A_1093 {strides = array<i32>} : memref<3x512xi32, #tpu.memory_space<vmem>>, vector<1x16xi32>,
    %dma_start3A = arith.constant 0 : i32
    %dma_start3A_1094 = arith.constant 0 : i32
    %dma_start3A_1095 = arith.constant 0 : i32
    %dma_start3A_1096 = tpu.memref_slice %arg7[%dma_start3A_1094, %dma_start3A_1095] : memref<3x512xf32, #tpu.memory_space<vmem>> -> memref<1x128xf32, #tpu.memory_space<vmem>>
    %dma_start3A_1097 = tpu.memref_squeeze %dma_start3A_1096 : memref<1x128xf32, #tpu.memory_space<vmem>> -> memref<128xf32, #tpu.memory_space<vmem>>
    %dma_start3A_1098 = arith.constant 0 : i32
    %dma_start3A_1099 = tpu.memref_slice %arg6[%dma_start3A, %dma_start3A_1098] : memref<3x512xi32, #tpu.memory_space<vmem>> -> memref<1x128xi32, #tpu.memory_space<vmem>>
    %dma_start3A_1100 = tpu.memref_squeeze %dma_start3A_1099 : memref<1x128xi32, #tpu.memory_space<vmem>> -> memref<128xi32, #tpu.memory_space<vmem>>
    %dma_start3A_1101 = arith.constant 0 : i32
    %dma_start3A_1102 = tpu.memref_slice %arg3[%dma_start3A_1101] : memref<131072xf32, #tpu.memory_space<hbm>> -> memref<131072xf32, #tpu.memory_space<hbm>>
    tpu.enqueue_indirect_dma source(%dma_start3A_1102 : memref<131072xf32, #tpu.memory_space<hbm>>) target(%dma_start3A_1097 : memref<128xf32, #tpu.memory_space<vmem>>) offsets(%dma_start3A_1100 : memref<128xi32, #tpu.memory_space<vmem>>) semaphore(%arg8 : memref<!tpu.dma_semaphore, #tpu.memory_space<semaphore_mem>>)
    %dma_start3A_1103 = arith.constant 0 : i32
    %dma_start3A_1104 = arith.constant 0 : i32
    %dma_start3A_1105 = arith.constant 128 : i32
    %dma_start3A_1106 = tpu.memref_slice %arg7[%dma_start3A_1104, %dma_start3A_1105] : memref<3x512xf32, #tpu.memory_space<vmem>> -> memref<1x128xf32, #tpu.memory_space<vmem>>
    %dma_start3A_1107 = tpu.memref_squeeze %dma_start3A_1106 : memref<1x128xf32, #tpu.memory_space<vmem>> -> memref<128xf32, #tpu.memory_space<vmem>>
    %dma_start3A_1108 = arith.constant 128 : i32
    %dma_start3A_1109 = tpu.memref_slice %arg6[%dma_start3A_1103, %dma_start3A_1108] : memref<3x512xi32, #tpu.memory_space<vmem>> -> memref<1x128xi32, #tpu.memory_space<vmem>>
    %dma_start3A_1110 = tpu.memref_squeeze %dma_start3A_1109 : memref<1x128xi32, #tpu.memory_space<vmem>> -> memref<128xi32, #tpu.memory_space<vmem>>
    %dma_start3A_1111 = arith.constant 0 : i32
    %dma_start3A_1112 = tpu.memref_slice %arg3[%dma_start3A_1111] : memref<131072xf32, #tpu.memory_space<hbm>> -> memref<131072xf32, #tpu.memory_space<hbm>>
    tpu.enqueue_indirect_dma source(%dma_start3A_1112 : memref<131072xf32, #tpu.memory_space<hbm>>) target(%dma_start3A_1107 : memref<128xf32, #tpu.memory_space<vmem>>) offsets(%dma_start3A_1110 : memref<128xi32, #tpu.memory_space<vmem>>) semaphore(%arg8 : memref<!tpu.dma_semaphore, #tpu.memory_space<semaphore_mem>>)
    %dma_start3A_1113 = arith.constant 0 : i32
    %dma_start3A_1114 = arith.constant 0 : i32
    %dma_start3A_1115 = arith.constant 256 : i32
    %dma_start3A_1116 = tpu.memref_slice %arg7[%dma_start3A_1114, %dma_start3A_1115] : memref<3x512xf32, #tpu.memory_space<vmem>> -> memref<1x128xf32, #tpu.memory_space<vmem>>
    %dma_start3A_1117 = tpu.memref_squeeze %dma_start3A_1116 : memref<1x128xf32, #tpu.memory_space<vmem>> -> memref<128xf32, #tpu.memory_space<vmem>>
    %dma_start3A_1118 = arith.constant 256 : i32
    %dma_start3A_1119 = tpu.memref_slice %arg6[%dma_start3A_1113, %dma_start3A_1118] : memref<3x512xi32, #tpu.memory_space<vmem>> -> memref<1x128xi32, #tpu.memory_space<vmem>>
    %dma_start3A_1120 = tpu.memref_squeeze %dma_start3A_1119 : memref<1x128xi32, #tpu.memory_space<vmem>> -> memref<128xi32, #tpu.memory_space<vmem>>
    %dma_start3A_1121 = arith.constant 0 : i32
    %dma_start3A_1122 = tpu.memref_slice %arg3[%dma_start3A_1121] : memref<131072xf32, #tpu.memory_space<hbm>> -> memref<131072xf32, #tpu.memory_space<hbm>>
    tpu.enqueue_indirect_dma source(%dma_start3A_1122 : memref<131072xf32, #tpu.memory_space<hbm>>) target(%dma_start3A_1117 : memref<128xf32, #tpu.memory_space<vmem>>) offsets(%dma_start3A_1120 : memref<128xi32, #tpu.memory_space<vmem>>) semaphore(%arg8 : memref<!tpu.dma_semaphore, #tpu.memory_space<semaphore_mem>>)
    %dma_start3A_1123 = arith.constant 0 : i32
    %dma_start3A_1124 = arith.constant 0 : i32
    %dma_start3A_1125 = arith.constant 384 : i32
    %dma_start3A_1126 = tpu.memref_slice %arg7[%dma_start3A_1124, %dma_start3A_1125] : memref<3x512xf32, #tpu.memory_space<vmem>> -> memref<1x128xf32, #tpu.memory_space<vmem>>
    %dma_start3A_1127 = tpu.memref_squeeze %dma_start3A_1126 : memref<1x128xf32, #tpu.memory_space<vmem>> -> memref<128xf32, #tpu.memory_space<vmem>>
    %dma_start3A_1128 = arith.constant 384 : i32
    %dma_start3A_1129 = tpu.memref_slice %arg6[%dma_start3A_1123, %dma_start3A_1128] : memref<3x512xi32, #tpu.memory_space<vmem>> -> memref<1x128xi32, #tpu.memory_space<vmem>>
    %dma_start3A_1130 = tpu.memref_squeeze %dma_start3A_1129 : memref<1x128xi32, #tpu.memory_space<vmem>> -> memref<128xi32, #tpu.memory_space<vmem>>
    %dma_start3A_1131 = arith.constant 0 : i32
    %dma_start3A_1132 = tpu.memref_slice %arg3[%dma_start3A_1131] : memref<131072xf32, #tpu.memory_space<hbm>> -> memref<131072xf32, #tpu.memory_space<hbm>>
    tpu.enqueue_indirect_dma source(%dma_start3A_1132 : memref<131072xf32, #tpu.memory_space<hbm>>) target(%dma_start3A_1127 : memref<128xf32, #tpu.memory_space<vmem>>) offsets(%dma_start3A_1130 : memref<128xi32, #tpu.memory_space<vmem>>) semaphore(%arg8 : memref<!tpu.dma_semaphore, #tpu.memory_space<semaphore_mem>>)
    %dma_start3A_1133 = arith.constant 1 : i32
    %dma_start3A_1134 = arith.constant 1 : i32
    %dma_start3A_1135 = arith.constant 0 : i32
    %dma_start3A_1136 = tpu.memref_slice %arg7[%dma_start3A_1134, %dma_start3A_1135] : memref<3x512xf32, #tpu.memory_space<vmem>> -> memref<1x128xf32, #tpu.memory_space<vmem>>
    %dma_start3A_1137 = tpu.memref_squeeze %dma_start3A_1136 : memref<1x128xf32, #tpu.memory_space<vmem>> -> memref<128xf32, #tpu.memory_space<vmem>>
    %dma_start3A_1138 = arith.constant 0 : i32
    %dma_start3A_1139 = tpu.memref_slice %arg6[%dma_start3A_1133, %dma_start3A_1138] : memref<3x512xi32, #tpu.memory_space<vmem>> -> memref<1x128xi32, #tpu.memory_space<vmem>>
    %dma_start3A_1140 = tpu.memref_squeeze %dma_start3A_1139 : memref<1x128xi32, #tpu.memory_space<vmem>> -> memref<128xi32, #tpu.memory_space<vmem>>
    %dma_start3A_1141 = arith.constant 0 : i32
    %dma_start3A_1142 = tpu.memref_slice %arg3[%dma_start3A_1141] : memref<131072xf32, #tpu.memory_space<hbm>> -> memref<131072xf32, #tpu.memory_space<hbm>>
    tpu.enqueue_indirect_dma source(%dma_start3A_1142 : memref<131072xf32, #tpu.memory_space<hbm>>) target(%dma_start3A_1137 : memref<128xf32, #tpu.memory_space<vmem>>) offsets(%dma_start3A_1140 : memref<128xi32, #tpu.memory_space<vmem>>) semaphore(%arg8 : memref<!tpu.dma_semaphore, #tpu.memory_space<semaphore_mem>>)
    %dma_start3A_1143 = arith.constant 1 : i32
    %dma_start3A_1144 = arith.constant 1 : i32
    %dma_start3A_1145 = arith.constant 128 : i32
    %dma_start3A_1146 = tpu.memref_slice %arg7[%dma_start3A_1144, %dma_start3A_1145] : memref<3x512xf32, #tpu.memory_space<vmem>> -> memref<1x128xf32, #tpu.memory_space<vmem>>
    %dma_start3A_1147 = tpu.memref_squeeze %dma_start3A_1146 : memref<1x128xf32, #tpu.memory_space<vmem>> -> memref<128xf32, #tpu.memory_space<vmem>>
    %dma_start3A_1148 = arith.constant 128 : i32
    %dma_start3A_1149 = tpu.memref_slice %arg6[%dma_start3A_1143, %dma_start3A_1148] : memref<3x512xi32, #tpu.memory_space<vmem>> -> memref<1x128xi32, #tpu.memory_space<vmem>>
    %dma_start3A_1150 = tpu.memref_squeeze %dma_start3A_1149 : memref<1x128xi32, #tpu.memory_space<vmem>> -> memref<128xi32, #tpu.memory_space<vmem>>
    %dma_start3A_1151 = arith.constant 0 : i32
    %dma_start3A_1152 = tpu.memref_slice %arg3[%dma_start3A_1151] : memref<131072xf32, #tpu.memory_space<hbm>> -> memref<131072xf32, #tpu.memory_space<hbm>>
    tpu.enqueue_indirect_dma source(%dma_start3A_1152 : memref<131072xf32, #tpu.memory_space<hbm>>) target(%dma_start3A_1147 : memref<128xf32, #tpu.memory_space<vmem>>) offsets(%dma_start3A_1150 : memref<128xi32, #tpu.memory_space<vmem>>) semaphore(%arg8 : memref<!tpu.dma_semaphore, #tpu.memory_space<semaphore_mem>>)
    %dma_start3A_1153 = arith.constant 1 : i32
    %dma_start3A_1154 = arith.constant 1 : i32
    %dma_start3A_1155 = arith.constant 256 : i32
    %dma_start3A_1156 = tpu.memref_slice %arg7[%dma_start3A_1154, %dma_start3A_1155] : memref<3x512xf32, #tpu.memory_space<vmem>> -> memref<1x128xf32, #tpu.memory_space<vmem>>
    %dma_start3A_1157 = tpu.memref_squeeze %dma_start3A_1156 : memref<1x128xf32, #tpu.memory_space<vmem>> -> memref<128xf32, #tpu.memory_space<vmem>>
    %dma_start3A_1158 = arith.constant 256 : i32
    %dma_start3A_1159 = tpu.memref_slice %arg6[%dma_start3A_1153, %dma_start3A_1158] : memref<3x512xi32, #tpu.memory_space<vmem>> -> memref<1x128xi32, #tpu.memory_space<vmem>>
    %dma_start3A_1160 = tpu.memref_squeeze %dma_start3A_1159 : memref<1x128xi32, #tpu.memory_space<vmem>> -> memref<128xi32, #tpu.memory_space<vmem>>
    %dma_start3A_1161 = arith.constant 0 : i32
    %dma_start3A_1162 = tpu.memref_slice %arg3[%dma_start3A_1161] : memref<131072xf32, #tpu.memory_space<hbm>> -> memref<131072xf32, #tpu.memory_space<hbm>>
    tpu.enqueue_indirect_dma source(%dma_start3A_1162 : memref<131072xf32, #tpu.memory_space<hbm>>) target(%dma_start3A_1157 : memref<128xf32, #tpu.memory_space<vmem>>) offsets(%dma_start3A_1160 : memref<128xi32, #tpu.memory_space<vmem>>) semaphore(%arg8 : memref<!tpu.dma_semaphore, #tpu.memory_space<semaphore_mem>>)
    %dma_start3A_1163 = arith.constant 1 : i32
    %dma_start3A_1164 = arith.constant 1 : i32
    %dma_start3A_1165 = arith.constant 384 : i32
    %dma_start3A_1166 = tpu.memref_slice %arg7[%dma_start3A_1164, %dma_start3A_1165] : memref<3x512xf32, #tpu.memory_space<vmem>> -> memref<1x128xf32, #tpu.memory_space<vmem>>
    %dma_start3A_1167 = tpu.memref_squeeze %dma_start3A_1166 : memref<1x128xf32, #tpu.memory_space<vmem>> -> memref<128xf32, #tpu.memory_space<vmem>>
    %dma_start3A_1168 = arith.constant 384 : i32
    %dma_start3A_1169 = tpu.memref_slice %arg6[%dma_start3A_1163, %dma_start3A_1168] : memref<3x512xi32, #tpu.memory_space<vmem>> -> memref<1x128xi32, #tpu.memory_space<vmem>>
    %dma_start3A_1170 = tpu.memref_squeeze %dma_start3A_1169 : memref<1x128xi32, #tpu.memory_space<vmem>> -> memref<128xi32, #tpu.memory_space<vmem>>
    %dma_start3A_1171 = arith.constant 0 : i32
    %dma_start3A_1172 = tpu.memref_slice %arg3[%dma_start3A_1171] : memref<131072xf32, #tpu.memory_space<hbm>> -> memref<131072xf32, #tpu.memory_space<hbm>>
    tpu.enqueue_indirect_dma source(%dma_start3A_1172 : memref<131072xf32, #tpu.memory_space<hbm>>) target(%dma_start3A_1167 : memref<128xf32, #tpu.memory_space<vmem>>) offsets(%dma_start3A_1170 : memref<128xi32, #tpu.memory_space<vmem>>) semaphore(%arg8 : memref<!tpu.dma_semaphore, #tpu.memory_space<semaphore_mem>>)
    %dma_start3A_1173 = arith.constant 2 : i32
    %dma_start3A_1174 = arith.constant 2 : i32
    %dma_start3A_1175 = arith.constant 0 : i32
    %dma_start3A_1176 = tpu.memref_slice %arg7[%dma_start3A_1174, %dma_start3A_1175] : memref<3x512xf32, #tpu.memory_space<vmem>> -> memref<1x128xf32, #tpu.memory_space<vmem>>
    %dma_start3A_1177 = tpu.memref_squeeze %dma_start3A_1176 : memref<1x128xf32, #tpu.memory_space<vmem>> -> memref<128xf32, #tpu.memory_space<vmem>>
    %dma_start3A_1178 = arith.constant 0 : i32
    %dma_start3A_1179 = tpu.memref_slice %arg6[%dma_start3A_1173, %dma_start3A_1178] : memref<3x512xi32, #tpu.memory_space<vmem>> -> memref<1x128xi32, #tpu.memory_space<vmem>>
    %dma_start3A_1180 = tpu.memref_squeeze %dma_start3A_1179 : memref<1x128xi32, #tpu.memory_space<vmem>> -> memref<128xi32, #tpu.memory_space<vmem>>
    %dma_start3A_1181 = arith.constant 0 : i32
    %dma_start3A_1182 = tpu.memref_slice %arg3[%dma_start3A_1181] : memref<131072xf32, #tpu.memory_space<hbm>> -> memref<131072xf32, #tpu.memory_space<hbm>>
    tpu.enqueue_indirect_dma source(%dma_start3A_1182 : memref<131072xf32, #tpu.memory_space<hbm>>) target(%dma_start3A_1177 : memref<128xf32, #tpu.memory_space<vmem>>) offsets(%dma_start3A_1180 : memref<128xi32, #tpu.memory_space<vmem>>) semaphore(%arg8 : memref<!tpu.dma_semaphore, #tpu.memory_space<semaphore_mem>>)
    %dma_start3A_1183 = arith.constant 2 : i32
    %dma_start3A_1184 = arith.constant 2 : i32
    %dma_start3A_1185 = arith.constant 128 : i32
    %dma_start3A_1186 = tpu.memref_slice %arg7[%dma_start3A_1184, %dma_start3A_1185] : memref<3x512xf32, #tpu.memory_space<vmem>> -> memref<1x128xf32, #tpu.memory_space<vmem>>
    %dma_start3A_1187 = tpu.memref_squeeze %dma_start3A_1186 : memref<1x128xf32, #tpu.memory_space<vmem>> -> memref<128xf32, #tpu.memory_space<vmem>>
    %dma_start3A_1188 = arith.constant 128 : i32
    %dma_start3A_1189 = tpu.memref_slice %arg6[%dma_start3A_1183, %dma_start3A_1188] : memref<3x512xi32, #tpu.memory_space<vmem>> -> memref<1x128xi32, #tpu.memory_space<vmem>>
    %dma_start3A_1190 = tpu.memref_squeeze %dma_start3A_1189 : memref<1x128xi32, #tpu.memory_space<vmem>> -> memref<128xi32, #tpu.memory_space<vmem>>
    %dma_start3A_1191 = arith.constant 0 : i32
    %dma_start3A_1192 = tpu.memref_slice %arg3[%dma_start3A_1191] : memref<131072xf32, #tpu.memory_space<hbm>> -> memref<131072xf32, #tpu.memory_space<hbm>>
    tpu.enqueue_indirect_dma source(%dma_start3A_1192 : memref<131072xf32, #tpu.memory_space<hbm>>) target(%dma_start3A_1187 : memref<128xf32, #tpu.memory_space<vmem>>) offsets(%dma_start3A_1190 : memref<128xi32, #tpu.memory_space<vmem>>) semaphore(%arg8 : memref<!tpu.dma_semaphore, #tpu.memory_space<semaphore_mem>>)
    %dma_start3A_1193 = arith.constant 2 : i32
    %dma_start3A_1194 = arith.constant 2 : i32
    %dma_start3A_1195 = arith.constant 256 : i32
    %dma_start3A_1196 = tpu.memref_slice %arg7[%dma_start3A_1194, %dma_start3A_1195] : memref<3x512xf32, #tpu.memory_space<vmem>> -> memref<1x128xf32, #tpu.memory_space<vmem>>
    %dma_start3A_1197 = tpu.memref_squeeze %dma_start3A_1196 : memref<1x128xf32, #tpu.memory_space<vmem>> -> memref<128xf32, #tpu.memory_space<vmem>>
    %dma_start3A_1198 = arith.constant 256 : i32
    %dma_start3A_1199 = tpu.memref_slice %arg6[%dma_start3A_1193, %dma_start3A_1198] : memref<3x512xi32, #tpu.memory_space<vmem>> -> memref<1x128xi32, #tpu.memory_space<vmem>>
    %dma_start3A_1200 = tpu.memref_squeeze %dma_start3A_1199 : memref<1x128xi32, #tpu.memory_space<vmem>> -> memref<128xi32, #tpu.memory_space<vmem>>
    %dma_start3A_1201 = arith.constant 0 : i32
    %dma_start3A_1202 = tpu.memref_slice %arg3[%dma_start3A_1201] : memref<131072xf32, #tpu.memory_space<hbm>> -> memref<131072xf32, #tpu.memory_space<hbm>>
    tpu.enqueue_indirect_dma source(%dma_start3A_1202 : memref<131072xf32, #tpu.memory_space<hbm>>) target(%dma_start3A_1197 : memref<128xf32, #tpu.memory_space<vmem>>) offsets(%dma_start3A_1200 : memref<128xi32, #tpu.memory_space<vmem>>) semaphore(%arg8 : memref<!tpu.dma_semaphore, #tpu.memory_space<semaphore_mem>>)
    %dma_start3A_1203 = arith.constant 2 : i32
    %dma_start3A_1204 = arith.constant 2 : i32
    %dma_start3A_1205 = arith.constant 384 : i32
    %dma_start3A_1206 = tpu.memref_slice %arg7[%dma_start3A_1204, %dma_start3A_1205] : memref<3x512xf32, #tpu.memory_space<vmem>> -> memref<1x128xf32, #tpu.memory_space<vmem>>
    %dma_start3A_1207 = tpu.memref_squeeze %dma_start3A_1206 : memref<1x128xf32, #tpu.memory_space<vmem>> -> memref<128xf32, #tpu.memory_space<vmem>>
    %dma_start3A_1208 = arith.constant 384 : i32
    %dma_start3A_1209 = tpu.memref_slice %arg6[%dma_start3A_1203, %dma_start3A_1208] : memref<3x512xi32, #tpu.memory_space<vmem>> -> memref<1x128xi32, #tpu.memory_space<vmem>>
    %dma_start3A_1210 = tpu.memref_squeeze %dma_start3A_1209 : memref<1x128xi32, #tpu.memory_space<vmem>> -> memref<128xi32, #tpu.memory_space<vmem>>
    %dma_start3A_1211 = arith.constant 0 : i32
    %dma_start3A_1212 = tpu.memref_slice %arg3[%dma_start3A_1211] : memref<131072xf32, #tpu.memory_space<hbm>> -> memref<131072xf32, #tpu.memory_space<hbm>>
    tpu.enqueue_indirect_dma source(%dma_start3A_1212 : memref<131072xf32, #tpu.memory_space<hbm>>) target(%dma_start3A_1207 : memref<128xf32, #tpu.memory_space<vmem>>) offsets(%dma_start3A_1210 : memref<128xi32, #tpu.memory_space<vmem>>) semaphore(%arg8 : memref<!tpu.dma_semaphore, #tpu.memory_space<semaphore_mem>>)
    %dma_wait3A = arith.constant 0 : i32
    %dma_wait3A_1213 = arith.constant 0 : i32
    %dma_wait3A_1214 = arith.constant 0 : i32
    %dma_wait3A_1215 = tpu.memref_slice %arg7[%dma_wait3A_1213, %dma_wait3A_1214] : memref<3x512xf32, #tpu.memory_space<vmem>> -> memref<1x128xf32, #tpu.memory_space<vmem>>
    %dma_wait3A_1216 = tpu.memref_squeeze %dma_wait3A_1215 : memref<1x128xf32, #tpu.memory_space<vmem>> -> memref<128xf32, #tpu.memory_space<vmem>>
    %dma_wait3A_1217 = arith.constant 0 : i32
    %dma_wait3A_1218 = tpu.memref_slice %arg6[%dma_wait3A, %dma_wait3A_1217] : memref<3x512xi32, #tpu.memory_space<vmem>> -> memref<1x128xi32, #tpu.memory_space<vmem>>
    %dma_wait3A_1219 = tpu.memref_squeeze %dma_wait3A_1218 : memref<1x128xi32, #tpu.memory_space<vmem>> -> memref<128xi32, #tpu.memory_space<vmem>>
    %dma_wait3A_1220 = arith.constant 0 : i32
    %dma_wait3A_1221 = tpu.memref_slice %arg3[%dma_wait3A_1220] : memref<131072xf32, #tpu.memory_space<hbm>> -> memref<131072xf32, #tpu.memory_space<hbm>>
    tpu.wait_indirect_dma semaphore(%arg8 : memref<!tpu.dma_semaphore, #tpu.memory_space<semaphore_mem>>) src(%dma_wait3A_1221 : memref<131072xf32, #tpu.memory_space<hbm>>) dst(%dma_wait3A_1216 : memref<128xf32, #tpu.memory_space<vmem>>)
    %dma_wait3A_1222 = arith.constant 0 : i32
    %dma_wait3A_1223 = arith.constant 0 : i32
    %dma_wait3A_1224 = arith.constant 128 : i32
    %dma_wait3A_1225 = tpu.memref_slice %arg7[%dma_wait3A_1223, %dma_wait3A_1224] : memref<3x512xf32, #tpu.memory_space<vmem>> -> memref<1x128xf32, #tpu.memory_space<vmem>>
    %dma_wait3A_1226 = tpu.memref_squeeze %dma_wait3A_1225 : memref<1x128xf32, #tpu.memory_space<vmem>> -> memref<128xf32, #tpu.memory_space<vmem>>
    %dma_wait3A_1227 = arith.constant 128 : i32
    %dma_wait3A_1228 = tpu.memref_slice %arg6[%dma_wait3A_1222, %dma_wait3A_1227] : memref<3x512xi32, #tpu.memory_space<vmem>> -> memref<1x128xi32, #tpu.memory_space<vmem>>
    %dma_wait3A_1229 = tpu.memref_squeeze %dma_wait3A_1228 : memref<1x128xi32, #tpu.memory_space<vmem>> -> memref<128xi32, #tpu.memory_space<vmem>>
    %dma_wait3A_1230 = arith.constant 0 : i32
    %dma_wait3A_1231 = tpu.memref_slice %arg3[%dma_wait3A_1230] : memref<131072xf32, #tpu.memory_space<hbm>> -> memref<131072xf32, #tpu.memory_space<hbm>>
    tpu.wait_indirect_dma semaphore(%arg8 : memref<!tpu.dma_semaphore, #tpu.memory_space<semaphore_mem>>) src(%dma_wait3A_1231 : memref<131072xf32, #tpu.memory_space<hbm>>) dst(%dma_wait3A_1226 : memref<128xf32, #tpu.memory_space<vmem>>)
    %dma_wait3A_1232 = arith.constant 0 : i32
    %dma_wait3A_1233 = arith.constant 0 : i32
    %dma_wait3A_1234 = arith.constant 256 : i32
    %dma_wait3A_1235 = tpu.memref_slice %arg7[%dma_wait3A_1233, %dma_wait3A_1234] : memref<3x512xf32, #tpu.memory_space<vmem>> -> memref<1x128xf32, #tpu.memory_space<vmem>>
    %dma_wait3A_1236 = tpu.memref_squeeze %dma_wait3A_1235 : memref<1x128xf32, #tpu.memory_space<vmem>> -> memref<128xf32, #tpu.memory_space<vmem>>
    %dma_wait3A_1237 = arith.constant 256 : i32
    %dma_wait3A_1238 = tpu.memref_slice %arg6[%dma_wait3A_1232, %dma_wait3A_1237] : memref<3x512xi32, #tpu.memory_space<vmem>> -> memref<1x128xi32, #tpu.memory_space<vmem>>
    %dma_wait3A_1239 = tpu.memref_squeeze %dma_wait3A_1238 : memref<1x128xi32, #tpu.memory_space<vmem>> -> memref<128xi32, #tpu.memory_space<vmem>>
    %dma_wait3A_1240 = arith.constant 0 : i32
    %dma_wait3A_1241 = tpu.memref_slice %arg3[%dma_wait3A_1240] : memref<131072xf32, #tpu.memory_space<hbm>> -> memref<131072xf32, #tpu.memory_space<hbm>>
    tpu.wait_indirect_dma semaphore(%arg8 : memref<!tpu.dma_semaphore, #tpu.memory_space<semaphore_mem>>) src(%dma_wait3A_1241 : memref<131072xf32, #tpu.memory_space<hbm>>) dst(%dma_wait3A_1236 : memref<128xf32, #tpu.memory_space<vmem>>)
    %dma_wait3A_1242 = arith.constant 0 : i32
    %dma_wait3A_1243 = arith.constant 0 : i32
    %dma_wait3A_1244 = arith.constant 384 : i32
    %dma_wait3A_1245 = tpu.memref_slice %arg7[%dma_wait3A_1243, %dma_wait3A_1244] : memref<3x512xf32, #tpu.memory_space<vmem>> -> memref<1x128xf32, #tpu.memory_space<vmem>>
    %dma_wait3A_1246 = tpu.memref_squeeze %dma_wait3A_1245 : memref<1x128xf32, #tpu.memory_space<vmem>> -> memref<128xf32, #tpu.memory_space<vmem>>
    %dma_wait3A_1247 = arith.constant 384 : i32
    %dma_wait3A_1248 = tpu.memref_slice %arg6[%dma_wait3A_1242, %dma_wait3A_1247] : memref<3x512xi32, #tpu.memory_space<vmem>> -> memref<1x128xi32, #tpu.memory_space<vmem>>
    %dma_wait3A_1249 = tpu.memref_squeeze %dma_wait3A_1248 : memref<1x128xi32, #tpu.memory_space<vmem>> -> memref<128xi32, #tpu.memory_space<vmem>>
    %dma_wait3A_1250 = arith.constant 0 : i32
    %dma_wait3A_1251 = tpu.memref_slice %arg3[%dma_wait3A_1250] : memref<131072xf32, #tpu.memory_space<hbm>> -> memref<131072xf32, #tpu.memory_space<hbm>>
    tpu.wait_indirect_dma semaphore(%arg8 : memref<!tpu.dma_semaphore, #tpu.memory_space<semaphore_mem>>) src(%dma_wait3A_1251 : memref<131072xf32, #tpu.memory_space<hbm>>) dst(%dma_wait3A_1246 : memref<128xf32, #tpu.memory_space<vmem>>)
    %dma_wait3A_1252 = arith.constant 1 : i32
    %dma_wait3A_1253 = arith.constant 1 : i32
    %dma_wait3A_1254 = arith.constant 0 : i32
    %dma_wait3A_1255 = tpu.memref_slice %arg7[%dma_wait3A_1253, %dma_wait3A_1254] : memref<3x512xf32, #tpu.memory_space<vmem>> -> memref<1x128xf32, #tpu.memory_space<vmem>>
    %dma_wait3A_1256 = tpu.memref_squeeze %dma_wait3A_1255 : memref<1x128xf32, #tpu.memory_space<vmem>> -> memref<128xf32, #tpu.memory_space<vmem>>
    %dma_wait3A_1257 = arith.constant 0 : i32
    %dma_wait3A_1258 = tpu.memref_slice %arg6[%dma_wait3A_1252, %dma_wait3A_1257] : memref<3x512xi32, #tpu.memory_space<vmem>> -> memref<1x128xi32, #tpu.memory_space<vmem>>
    %dma_wait3A_1259 = tpu.memref_squeeze %dma_wait3A_1258 : memref<1x128xi32, #tpu.memory_space<vmem>> -> memref<128xi32, #tpu.memory_space<vmem>>
    %dma_wait3A_1260 = arith.constant 0 : i32
    %dma_wait3A_1261 = tpu.memref_slice %arg3[%dma_wait3A_1260] : memref<131072xf32, #tpu.memory_space<hbm>> -> memref<131072xf32, #tpu.memory_space<hbm>>
    tpu.wait_indirect_dma semaphore(%arg8 : memref<!tpu.dma_semaphore, #tpu.memory_space<semaphore_mem>>) src(%dma_wait3A_1261 : memref<131072xf32, #tpu.memory_space<hbm>>) dst(%dma_wait3A_1256 : memref<128xf32, #tpu.memory_space<vmem>>)
    %dma_wait3A_1262 = arith.constant 1 : i32
    %dma_wait3A_1263 = arith.constant 1 : i32
    %dma_wait3A_1264 = arith.constant 128 : i32
    %dma_wait3A_1265 = tpu.memref_slice %arg7[%dma_wait3A_1263, %dma_wait3A_1264] : memref<3x512xf32, #tpu.memory_space<vmem>> -> memref<1x128xf32, #tpu.memory_space<vmem>>
    %dma_wait3A_1266 = tpu.memref_squeeze %dma_wait3A_1265 : memref<1x128xf32, #tpu.memory_space<vmem>> -> memref<128xf32, #tpu.memory_space<vmem>>
    %dma_wait3A_1267 = arith.constant 128 : i32
    %dma_wait3A_1268 = tpu.memref_slice %arg6[%dma_wait3A_1262, %dma_wait3A_1267] : memref<3x512xi32, #tpu.memory_space<vmem>> -> memref<1x128xi32, #tpu.memory_space<vmem>>
    %dma_wait3A_1269 = tpu.memref_squeeze %dma_wait3A_1268 : memref<1x128xi32, #tpu.memory_space<vmem>> -> memref<128xi32, #tpu.memory_space<vmem>>
    %dma_wait3A_1270 = arith.constant 0 : i32
    %dma_wait3A_1271 = tpu.memref_slice %arg3[%dma_wait3A_1270] : memref<131072xf32, #tpu.memory_space<hbm>> -> memref<131072xf32, #tpu.memory_space<hbm>>
    tpu.wait_indirect_dma semaphore(%arg8 : memref<!tpu.dma_semaphore, #tpu.memory_space<semaphore_mem>>) src(%dma_wait3A_1271 : memref<131072xf32, #tpu.memory_space<hbm>>) dst(%dma_wait3A_1266 : memref<128xf32, #tpu.memory_space<vmem>>)
    %dma_wait3A_1272 = arith.constant 1 : i32
    %dma_wait3A_1273 = arith.constant 1 : i32
    %dma_wait3A_1274 = arith.constant 256 : i32
    %dma_wait3A_1275 = tpu.memref_slice %arg7[%dma_wait3A_1273, %dma_wait3A_1274] : memref<3x512xf32, #tpu.memory_space<vmem>> -> memref<1x128xf32, #tpu.memory_space<vmem>>
    %dma_wait3A_1276 = tpu.memref_squeeze %dma_wait3A_1275 : memref<1x128xf32, #tpu.memory_space<vmem>> -> memref<128xf32, #tpu.memory_space<vmem>>
    %dma_wait3A_1277 = arith.constant 256 : i32
    %dma_wait3A_1278 = tpu.memref_slice %arg6[%dma_wait3A_1272, %dma_wait3A_1277] : memref<3x512xi32, #tpu.memory_space<vmem>> -> memref<1x128xi32, #tpu.memory_space<vmem>>
    %dma_wait3A_1279 = tpu.memref_squeeze %dma_wait3A_1278 : memref<1x128xi32, #tpu.memory_space<vmem>> -> memref<128xi32, #tpu.memory_space<vmem>>
    %dma_wait3A_1280 = arith.constant 0 : i32
    %dma_wait3A_1281 = tpu.memref_slice %arg3[%dma_wait3A_1280] : memref<131072xf32, #tpu.memory_space<hbm>> -> memref<131072xf32, #tpu.memory_space<hbm>>
    tpu.wait_indirect_dma semaphore(%arg8 : memref<!tpu.dma_semaphore, #tpu.memory_space<semaphore_mem>>) src(%dma_wait3A_1281 : memref<131072xf32, #tpu.memory_space<hbm>>) dst(%dma_wait3A_1276 : memref<128xf32, #tpu.memory_space<vmem>>)
    %dma_wait3A_1282 = arith.constant 1 : i32
    %dma_wait3A_1283 = arith.constant 1 : i32
    %dma_wait3A_1284 = arith.constant 384 : i32
    %dma_wait3A_1285 = tpu.memref_slice %arg7[%dma_wait3A_1283, %dma_wait3A_1284] : memref<3x512xf32, #tpu.memory_space<vmem>> -> memref<1x128xf32, #tpu.memory_space<vmem>>
    %dma_wait3A_1286 = tpu.memref_squeeze %dma_wait3A_1285 : memref<1x128xf32, #tpu.memory_space<vmem>> -> memref<128xf32, #tpu.memory_space<vmem>>
    %dma_wait3A_1287 = arith.constant 384 : i32
    %dma_wait3A_1288 = tpu.memref_slice %arg6[%dma_wait3A_1282, %dma_wait3A_1287] : memref<3x512xi32, #tpu.memory_space<vmem>> -> memref<1x128xi32, #tpu.memory_space<vmem>>
    %dma_wait3A_1289 = tpu.memref_squeeze %dma_wait3A_1288 : memref<1x128xi32, #tpu.memory_space<vmem>> -> memref<128xi32, #tpu.memory_space<vmem>>
    %dma_wait3A_1290 = arith.constant 0 : i32
    %dma_wait3A_1291 = tpu.memref_slice %arg3[%dma_wait3A_1290] : memref<131072xf32, #tpu.memory_space<hbm>> -> memref<131072xf32, #tpu.memory_space<hbm>>
    tpu.wait_indirect_dma semaphore(%arg8 : memref<!tpu.dma_semaphore, #tpu.memory_space<semaphore_mem>>) src(%dma_wait3A_1291 : memref<131072xf32, #tpu.memory_space<hbm>>) dst(%dma_wait3A_1286 : memref<128xf32, #tpu.memory_space<vmem>>)
    %dma_wait3A_1292 = arith.constant 2 : i32
    %dma_wait3A_1293 = arith.constant 2 : i32
    %dma_wait3A_1294 = arith.constant 0 : i32
    %dma_wait3A_1295 = tpu.memref_slice %arg7[%dma_wait3A_1293, %dma_wait3A_1294] : memref<3x512xf32, #tpu.memory_space<vmem>> -> memref<1x128xf32, #tpu.memory_space<vmem>>
    %dma_wait3A_1296 = tpu.memref_squeeze %dma_wait3A_1295 : memref<1x128xf32, #tpu.memory_space<vmem>> -> memref<128xf32, #tpu.memory_space<vmem>>
    %dma_wait3A_1297 = arith.constant 0 : i32
    %dma_wait3A_1298 = tpu.memref_slice %arg6[%dma_wait3A_1292, %dma_wait3A_1297] : memref<3x512xi32, #tpu.memory_space<vmem>> -> memref<1x128xi32, #tpu.memory_space<vmem>>
    %dma_wait3A_1299 = tpu.memref_squeeze %dma_wait3A_1298 : memref<1x128xi32, #tpu.memory_space<vmem>> -> memref<128xi32, #tpu.memory_space<vmem>>
    %dma_wait3A_1300 = arith.constant 0 : i32
    %dma_wait3A_1301 = tpu.memref_slice %arg3[%dma_wait3A_1300] : memref<131072xf32, #tpu.memory_space<hbm>> -> memref<131072xf32, #tpu.memory_space<hbm>>
    tpu.wait_indirect_dma semaphore(%arg8 : memref<!tpu.dma_semaphore, #tpu.memory_space<semaphore_mem>>) src(%dma_wait3A_1301 : memref<131072xf32, #tpu.memory_space<hbm>>) dst(%dma_wait3A_1296 : memref<128xf32, #tpu.memory_space<vmem>>)
    %dma_wait3A_1302 = arith.constant 2 : i32
    %dma_wait3A_1303 = arith.constant 2 : i32
    %dma_wait3A_1304 = arith.constant 128 : i32
    %dma_wait3A_1305 = tpu.memref_slice %arg7[%dma_wait3A_1303, %dma_wait3A_1304] : memref<3x512xf32, #tpu.memory_space<vmem>> -> memref<1x128xf32, #tpu.memory_space<vmem>>
    %dma_wait3A_1306 = tpu.memref_squeeze %dma_wait3A_1305 : memref<1x128xf32, #tpu.memory_space<vmem>> -> memref<128xf32, #tpu.memory_space<vmem>>
    %dma_wait3A_1307 = arith.constant 128 : i32
    %dma_wait3A_1308 = tpu.memref_slice %arg6[%dma_wait3A_1302, %dma_wait3A_1307] : memref<3x512xi32, #tpu.memory_space<vmem>> -> memref<1x128xi32, #tpu.memory_space<vmem>>
    %dma_wait3A_1309 = tpu.memref_squeeze %dma_wait3A_1308 : memref<1x128xi32, #tpu.memory_space<vmem>> -> memref<128xi32, #tpu.memory_space<vmem>>
    %dma_wait3A_1310 = arith.constant 0 : i32
    %dma_wait3A_1311 = tpu.memref_slice %arg3[%dma_wait3A_1310] : memref<131072xf32, #tpu.memory_space<hbm>> -> memref<131072xf32, #tpu.memory_space<hbm>>
    tpu.wait_indirect_dma semaphore(%arg8 : memref<!tpu.dma_semaphore, #tpu.memory_space<semaphore_mem>>) src(%dma_wait3A_1311 : memref<131072xf32, #tpu.memory_space<hbm>>) dst(%dma_wait3A_1306 : memref<128xf32, #tpu.memory_space<vmem>>)
    %dma_wait3A_1312 = arith.constant 2 : i32
    %dma_wait3A_1313 = arith.constant 2 : i32
    %dma_wait3A_1314 = arith.constant 256 : i32
    %dma_wait3A_1315 = tpu.memref_slice %arg7[%dma_wait3A_1313, %dma_wait3A_1314] : memref<3x512xf32, #tpu.memory_space<vmem>> -> memref<1x128xf32, #tpu.memory_space<vmem>>
    %dma_wait3A_1316 = tpu.memref_squeeze %dma_wait3A_1315 : memref<1x128xf32, #tpu.memory_space<vmem>> -> memref<128xf32, #tpu.memory_space<vmem>>
    %dma_wait3A_1317 = arith.constant 256 : i32
    %dma_wait3A_1318 = tpu.memref_slice %arg6[%dma_wait3A_1312, %dma_wait3A_1317] : memref<3x512xi32, #tpu.memory_space<vmem>> -> memref<1x128xi32, #tpu.memory_space<vmem>>
    %dma_wait3A_1319 = tpu.memref_squeeze %dma_wait3A_1318 : memref<1x128xi32, #tpu.memory_space<vmem>> -> memref<128xi32, #tpu.memory_space<vmem>>
    %dma_wait3A_1320 = arith.constant 0 : i32
    %dma_wait3A_1321 = tpu.memref_slice %arg3[%dma_wait3A_1320] : memref<131072xf32, #tpu.memory_space<hbm>> -> memref<131072xf32, #tpu.memory_space<hbm>>
    tpu.wait_indirect_dma semaphore(%arg8 : memref<!tpu.dma_semaphore, #tpu.memory_space<semaphore_mem>>) src(%dma_wait3A_1321 : memref<131072xf32, #tpu.memory_space<hbm>>) dst(%dma_wait3A_1316 : memref<128xf32, #tpu.memory_space<vmem>>)
    %dma_wait3A_1322 = arith.constant 2 : i32
    %dma_wait3A_1323 = arith.constant 2 : i32
    %dma_wait3A_1324 = arith.constant 384 : i32
    %dma_wait3A_1325 = tpu.memref_slice %arg7[%dma_wait3A_1323, %dma_wait3A_1324] : memref<3x512xf32, #tpu.memory_space<vmem>> -> memref<1x128xf32, #tpu.memory_space<vmem>>
    %dma_wait3A_1326 = tpu.memref_squeeze %dma_wait3A_1325 : memref<1x128xf32, #tpu.memory_space<vmem>> -> memref<128xf32, #tpu.memory_space<vmem>>
    %dma_wait3A_1327 = arith.constant 384 : i32
    %dma_wait3A_1328 = tpu.memref_slice %arg6[%dma_wait3A_1322, %dma_wait3A_1327] : memref<3x512xi32, #tpu.memory_space<vmem>> -> memref<1x128xi32, #tpu.memory_space<vmem>>
    %dma_wait3A_1329 = tpu.memref_squeeze %dma_wait3A_1328 : memref<1x128xi32, #tpu.memory_space<vmem>> -> memref<128xi32, #tpu.memory_space<vmem>>
    %dma_wait3A_1330 = arith.constant 0 : i32
    %dma_wait3A_1331 = tpu.memref_slice %arg3[%dma_wait3A_1330] : memref<131072xf32, #tpu.memory_space<hbm>> -> memref<131072xf32, #tpu.memory_space<hbm>>
    tpu.wait_indirect_dma semaphore(%arg8 : memref<!tpu.dma_semaphore, #tpu.memory_space<semaphore_mem>>) src(%dma_wait3A_1331 : memref<131072xf32, #tpu.memory_space<hbm>>) dst(%dma_wait3A_1326 : memref<128xf32, #tpu.memory_space<vmem>>)
    %mul3A_1332 = arith.constant 3 : i32
    %mul3A_1333 = arith.muli %select_n3A, %mul3A_1332 : i32
    %add3A_1334 = arith.constant 0 : i32
    %add3A_1335 = arith.addi %mul3A_1333, %add3A_1334 : i32
    %run_scoped3A = arith.constant 0 : i32
    "tpu.region"() ({
      %run_scoped3A_1346 = tpu.sem_alloc : memref<!tpu.dma_semaphore, #tpu.memory_space<semaphore_mem>>
      %dma_start3A_1347 = arith.constant 0 : i32
      %dma_start3A_1348 = tpu.memref_slice %arg7[%run_scoped3A, %dma_start3A_1347] : memref<3x512xf32, #tpu.memory_space<vmem>> -> memref<1x512xf32, #tpu.memory_space<vmem>>
      %dma_start3A_1349 = tpu.memref_squeeze %dma_start3A_1348 : memref<1x512xf32, #tpu.memory_space<vmem>> -> memref<512xf32, #tpu.memory_space<vmem>>
      %dma_start3A_1350 = tpu.memref_slice %arg4[%add3A_1335, %sub3A_21] : memref<12x4096xf32, #tpu.memory_space<hbm>> -> memref<1x512xf32, #tpu.memory_space<hbm>>
      %dma_start3A_1351 = tpu.memref_squeeze %dma_start3A_1350 : memref<1x512xf32, #tpu.memory_space<hbm>> -> memref<512xf32, #tpu.memory_space<hbm>>
      %dma_start3A_1352 = tpu.memref_slice %arg4[%add3A_1335, %sub3A_21] : memref<12x4096xf32, #tpu.memory_space<hbm>> -> memref<1x512xf32, #tpu.memory_space<hbm>>
      %dma_start3A_1353 = tpu.memref_squeeze %dma_start3A_1352 : memref<1x512xf32, #tpu.memory_space<hbm>> -> memref<512xf32, #tpu.memory_space<hbm>>
      %dma_start3A_1354 = arith.constant 0 : i32
      %dma_start3A_1355 = tpu.memref_slice %arg7[%run_scoped3A, %dma_start3A_1354] : memref<3x512xf32, #tpu.memory_space<vmem>> -> memref<1x512xf32, #tpu.memory_space<vmem>>
      %dma_start3A_1356 = tpu.memref_squeeze %dma_start3A_1355 : memref<1x512xf32, #tpu.memory_space<vmem>> -> memref<512xf32, #tpu.memory_space<vmem>>
      tpu.enqueue_dma source(%dma_start3A_1356 : memref<512xf32, #tpu.memory_space<vmem>>) target(%dma_start3A_1353 : memref<512xf32, #tpu.memory_space<hbm>>) target_semaphore(%run_scoped3A_1346 : memref<!tpu.dma_semaphore, #tpu.memory_space<semaphore_mem>>)
      %dma_wait3A_1357 = arith.constant 0 : i32
      %dma_wait3A_1358 = tpu.memref_slice %arg7[%run_scoped3A, %dma_wait3A_1357] : memref<3x512xf32, #tpu.memory_space<vmem>> -> memref<1x512xf32, #tpu.memory_space<vmem>>
      %dma_wait3A_1359 = tpu.memref_squeeze %dma_wait3A_1358 : memref<1x512xf32, #tpu.memory_space<vmem>> -> memref<512xf32, #tpu.memory_space<vmem>>
      %dma_wait3A_1360 = tpu.memref_slice %arg4[%add3A_1335, %sub3A_21] : memref<12x4096xf32, #tpu.memory_space<hbm>> -> memref<1x512xf32, #tpu.memory_space<hbm>>
      %dma_wait3A_1361 = tpu.memref_squeeze %dma_wait3A_1360 : memref<1x512xf32, #tpu.memory_space<hbm>> -> memref<512xf32, #tpu.memory_space<hbm>>
      %dma_wait3A_1362 = tpu.memref_slice %arg4[%add3A_1335, %sub3A_21] : memref<12x4096xf32, #tpu.memory_space<hbm>> -> memref<1x512xf32, #tpu.memory_space<hbm>>
      %dma_wait3A_1363 = tpu.memref_squeeze %dma_wait3A_1362 : memref<1x512xf32, #tpu.memory_space<hbm>> -> memref<512xf32, #tpu.memory_space<hbm>>
      %dma_wait3A_1364 = arith.constant 0 : i32
      %dma_wait3A_1365 = tpu.memref_slice %arg7[%run_scoped3A, %dma_wait3A_1364] : memref<3x512xf32, #tpu.memory_space<vmem>> -> memref<1x512xf32, #tpu.memory_space<vmem>>
      %dma_wait3A_1366 = tpu.memref_squeeze %dma_wait3A_1365 : memref<1x512xf32, #tpu.memory_space<vmem>> -> memref<512xf32, #tpu.memory_space<vmem>>
      tpu.wait_dma2 semaphore(%run_scoped3A_1346 : memref<!tpu.dma_semaphore, #tpu.memory_space<semaphore_mem>>) src(%dma_wait3A_1366 : memref<512xf32, #tpu.memory_space<vmem>>) dst(%dma_wait3A_1363 : memref<512xf32, #tpu.memory_space<hbm>>)
      tpu.yield
    }) : () -> ()
    %mul3A_1336 = arith.constant 3 : i32
    %mul3A_1337 = arith.muli %select_n3A, %mul3A_1336 : i32
    %add3A_1338 = arith.constant 1 : i32
    %add3A_1339 = arith.addi %mul3A_1337, %add3A_1338 : i32
    %run_scoped3A_1340 = arith.constant 1 : i32
    "tpu.region"() ({
      %run_scoped3A_1346 = tpu.sem_alloc : memref<!tpu.dma_semaphore, #tpu.memory_space<semaphore_mem>>
      %dma_start3A_1347 = arith.constant 0 : i32
      %dma_start3A_1348 = tpu.memref_slice %arg7[%run_scoped3A_1340, %dma_start3A_1347] : memref<3x512xf32, #tpu.memory_space<vmem>> -> memref<1x512xf32, #tpu.memory_space<vmem>>
      %dma_start3A_1349 = tpu.memref_squeeze %dma_start3A_1348 : memref<1x512xf32, #tpu.memory_space<vmem>> -> memref<512xf32, #tpu.memory_space<vmem>>
      %dma_start3A_1350 = tpu.memref_slice %arg4[%add3A_1339, %sub3A_21] : memref<12x4096xf32, #tpu.memory_space<hbm>> -> memref<1x512xf32, #tpu.memory_space<hbm>>
      %dma_start3A_1351 = tpu.memref_squeeze %dma_start3A_1350 : memref<1x512xf32, #tpu.memory_space<hbm>> -> memref<512xf32, #tpu.memory_space<hbm>>
      %dma_start3A_1352 = tpu.memref_slice %arg4[%add3A_1339, %sub3A_21] : memref<12x4096xf32, #tpu.memory_space<hbm>> -> memref<1x512xf32, #tpu.memory_space<hbm>>
      %dma_start3A_1353 = tpu.memref_squeeze %dma_start3A_1352 : memref<1x512xf32, #tpu.memory_space<hbm>> -> memref<512xf32, #tpu.memory_space<hbm>>
      %dma_start3A_1354 = arith.constant 0 : i32
      %dma_start3A_1355 = tpu.memref_slice %arg7[%run_scoped3A_1340, %dma_start3A_1354] : memref<3x512xf32, #tpu.memory_space<vmem>> -> memref<1x512xf32, #tpu.memory_space<vmem>>
      %dma_start3A_1356 = tpu.memref_squeeze %dma_start3A_1355 : memref<1x512xf32, #tpu.memory_space<vmem>> -> memref<512xf32, #tpu.memory_space<vmem>>
      tpu.enqueue_dma source(%dma_start3A_1356 : memref<512xf32, #tpu.memory_space<vmem>>) target(%dma_start3A_1353 : memref<512xf32, #tpu.memory_space<hbm>>) target_semaphore(%run_scoped3A_1346 : memref<!tpu.dma_semaphore, #tpu.memory_space<semaphore_mem>>)
      %dma_wait3A_1357 = arith.constant 0 : i32
      %dma_wait3A_1358 = tpu.memref_slice %arg7[%run_scoped3A_1340, %dma_wait3A_1357] : memref<3x512xf32, #tpu.memory_space<vmem>> -> memref<1x512xf32, #tpu.memory_space<vmem>>
      %dma_wait3A_1359 = tpu.memref_squeeze %dma_wait3A_1358 : memref<1x512xf32, #tpu.memory_space<vmem>> -> memref<512xf32, #tpu.memory_space<vmem>>
      %dma_wait3A_1360 = tpu.memref_slice %arg4[%add3A_1339, %sub3A_21] : memref<12x4096xf32, #tpu.memory_space<hbm>> -> memref<1x512xf32, #tpu.memory_space<hbm>>
      %dma_wait3A_1361 = tpu.memref_squeeze %dma_wait3A_1360 : memref<1x512xf32, #tpu.memory_space<hbm>> -> memref<512xf32, #tpu.memory_space<hbm>>
      %dma_wait3A_1362 = tpu.memref_slice %arg4[%add3A_1339, %sub3A_21] : memref<12x4096xf32, #tpu.memory_space<hbm>> -> memref<1x512xf32, #tpu.memory_space<hbm>>
      %dma_wait3A_1363 = tpu.memref_squeeze %dma_wait3A_1362 : memref<1x512xf32, #tpu.memory_space<hbm>> -> memref<512xf32, #tpu.memory_space<hbm>>
      %dma_wait3A_1364 = arith.constant 0 : i32
      %dma_wait3A_1365 = tpu.memref_slice %arg7[%run_scoped3A_1340, %dma_wait3A_1364] : memref<3x512xf32, #tpu.memory_space<vmem>> -> memref<1x512xf32, #tpu.memory_space<vmem>>
      %dma_wait3A_1366 = tpu.memref_squeeze %dma_wait3A_1365 : memref<1x512xf32, #tpu.memory_space<vmem>> -> memref<512xf32, #tpu.memory_space<vmem>>
      tpu.wait_dma2 semaphore(%run_scoped3A_1346 : memref<!tpu.dma_semaphore, #tpu.memory_space<semaphore_mem>>) src(%dma_wait3A_1366 : memref<512xf32, #tpu.memory_space<vmem>>) dst(%dma_wait3A_1363 : memref<512xf32, #tpu.memory_space<hbm>>)
      tpu.yield
    }) : () -> ()
    %mul3A_1341 = arith.constant 3 : i32
    %mul3A_1342 = arith.muli %select_n3A, %mul3A_1341 : i32
    %add3A_1343 = arith.constant 2 : i32
    %add3A_1344 = arith.addi %mul3A_1342, %add3A_1343 : i32
    %run_scoped3A_1345 = arith.constant 2 : i32
    "tpu.region"() ({
      %run_scoped3A_1346 = tpu.sem_alloc : memref<!tpu.dma_semaphore, #tpu.memory_space<semaphore_mem>>
      %dma_start3A_1347 = arith.constant 0 : i32
      %dma_start3A_1348 = tpu.memref_slice %arg7[%run_scoped3A_1345, %dma_start3A_1347] : memref<3x512xf32, #tpu.memory_space<vmem>> -> memref<1x512xf32, #tpu.memory_space<vmem>>
      %dma_start3A_1349 = tpu.memref_squeeze %dma_start3A_1348 : memref<1x512xf32, #tpu.memory_space<vmem>> -> memref<512xf32, #tpu.memory_space<vmem>>
      %dma_start3A_1350 = tpu.memref_slice %arg4[%add3A_1344, %sub3A_21] : memref<12x4096xf32, #tpu.memory_space<hbm>> -> memref<1x512xf32, #tpu.memory_space<hbm>>
      %dma_start3A_1351 = tpu.memref_squeeze %dma_start3A_1350 : memref<1x512xf32, #tpu.memory_space<hbm>> -> memref<512xf32, #tpu.memory_space<hbm>>
      %dma_start3A_1352 = tpu.memref_slice %arg4[%add3A_1344, %sub3A_21] : memref<12x4096xf32, #tpu.memory_space<hbm>> -> memref<1x512xf32, #tpu.memory_space<hbm>>
      %dma_start3A_1353 = tpu.memref_squeeze %dma_start3A_1352 : memref<1x512xf32, #tpu.memory_space<hbm>> -> memref<512xf32, #tpu.memory_space<hbm>>
      %dma_start3A_1354 = arith.constant 0 : i32
      %dma_start3A_1355 = tpu.memref_slice %arg7[%run_scoped3A_1345, %dma_start3A_1354] : memref<3x512xf32, #tpu.memory_space<vmem>> -> memref<1x512xf32, #tpu.memory_space<vmem>>
      %dma_start3A_1356 = tpu.memref_squeeze %dma_start3A_1355 : memref<1x512xf32, #tpu.memory_space<vmem>> -> memref<512xf32, #tpu.memory_space<vmem>>
      tpu.enqueue_dma source(%dma_start3A_1356 : memref<512xf32, #tpu.memory_space<vmem>>) target(%dma_start3A_1353 : memref<512xf32, #tpu.memory_space<hbm>>) target_semaphore(%run_scoped3A_1346 : memref<!tpu.dma_semaphore, #tpu.memory_space<semaphore_mem>>)
      %dma_wait3A_1357 = arith.constant 0 : i32
      %dma_wait3A_1358 = tpu.memref_slice %arg7[%run_scoped3A_1345, %dma_wait3A_1357] : memref<3x512xf32, #tpu.memory_space<vmem>> -> memref<1x512xf32, #tpu.memory_space<vmem>>
      %dma_wait3A_1359 = tpu.memref_squeeze %dma_wait3A_1358 : memref<1x512xf32, #tpu.memory_space<vmem>> -> memref<512xf32, #tpu.memory_space<vmem>>
      %dma_wait3A_1360 = tpu.memref_slice %arg4[%add3A_1344, %sub3A_21] : memref<12x4096xf32, #tpu.memory_space<hbm>> -> memref<1x512xf32, #tpu.memory_space<hbm>>
      %dma_wait3A_1361 = tpu.memref_squeeze %dma_wait3A_1360 : memref<1x512xf32, #tpu.memory_space<hbm>> -> memref<512xf32, #tpu.memory_space<hbm>>
      %dma_wait3A_1362 = tpu.memref_slice %arg4[%add3A_1344, %sub3A_21] : memref<12x4096xf32, #tpu.memory_space<hbm>> -> memref<1x512xf32, #tpu.memory_space<hbm>>
      %dma_wait3A_1363 = tpu.memref_squeeze %dma_wait3A_1362 : memref<1x512xf32, #tpu.memory_space<hbm>> -> memref<512xf32, #tpu.memory_space<hbm>>
      %dma_wait3A_1364 = arith.constant 0 : i32
      %dma_wait3A_1365 = tpu.memref_slice %arg7[%run_scoped3A_1345, %dma_wait3A_1364] : memref<3x512xf32, #tpu.memory_space<vmem>> -> memref<1x512xf32, #tpu.memory_space<vmem>>
      %dma_wait3A_1366 = tpu.memref_squeeze %dma_wait3A_1365 : memref<1x512xf32, #tpu.memory_space<vmem>> -> memref<512xf32, #tpu.memory_space<vmem>>
      tpu.wait_dma2 semaphore(%run_scoped3A_1346 : memref<!tpu.dma_semaphore, #tpu.memory_space<semaphore_mem>>) src(%dma_wait3A_1366 : memref<512xf32, #tpu.memory_space<vmem>>) dst(%dma_wait3A_1363 : memref<512xf32, #tpu.memory_space<hbm>>)
      tpu.yield
    }) : () -> ()
    return
  }
}

module attributes {stable_mosaic.version = 14 : i64} {
  func.func @_fine_kernel(%arg0: i32, %arg1: i32, %arg2: memref<1x1024x8xf32, #tpu.memory_space<vmem>>, %arg3: memref<1x8x4096xf32, #tpu.memory_space<vmem>>, %arg4: memref<1x1x1024xf32, #tpu.memory_space<vmem>>, %arg5: memref<1x1x1024xi32, #tpu.memory_space<vmem>>, %arg6: memref<1x1x4096xf32, #tpu.memory_space<vmem>>) attributes {dimension_semantics = [#tpu.dimension_semantics<arbitrary>, #tpu.dimension_semantics<arbitrary>], iteration_bounds = array<i64: 4, 4>, scalar_prefetch = 0 : i64, scratch_operands = 0 : i64, tpu.core_type = #tpu.core_type<tc>, window_params = [{transform_indices = @transform_0, window_bounds = array<i64: 1, 1024, 8>}, {transform_indices = @transform_1, window_bounds = array<i64: 1, 8, 4096>}, {transform_indices = @transform_2, window_bounds = array<i64: 1, 1, 1024>}, {transform_indices = @transform_3, window_bounds = array<i64: 1, 1, 1024>}, {transform_indices = @transform_4, window_bounds = array<i64: 1, 1, 4096>}]} {
    %get3A = arith.constant 0 : index
    %get3A_0 = arith.constant 0 : index
    %get3A_1 = arith.constant 0 : index
    %get3A_2 = vector.load %arg2[%get3A, %get3A_0, %get3A_1] : memref<1x1024x8xf32, #tpu.memory_space<vmem>>, vector<1x1024x8xf32>
    %get3A_3 = vector.shape_cast %get3A_2 : vector<1x1024x8xf32> to vector<1024x8xf32>
    %get3A_4 = arith.constant 0 : index
    %get3A_5 = arith.constant 0 : index
    %get3A_6 = arith.constant 0 : index
    %get3A_7 = vector.load %arg3[%get3A_4, %get3A_5, %get3A_6] : memref<1x8x4096xf32, #tpu.memory_space<vmem>>, vector<1x8x4096xf32>
    %get3A_8 = vector.shape_cast %get3A_7 : vector<1x8x4096xf32> to vector<8x4096xf32>
    %dot_general3A = arith.constant dense<0.000000e+00> : vector<1024x4096xf32>
    %dot_general3A_9 = tpu.matmul %get3A_3, %get3A_8, %dot_general3A {dimension_numbers = #tpu.dot_dimension_numbers<[1], [0], [0], [1], [0, 0, 1, 1], [], []>, transpose_lhs_hint = false} : vector<1024x8xf32>, vector<8x4096xf32>, vector<1024x4096xf32> -> vector<1024x4096xf32>
    %slice3A = vector.extract_strided_slice %get3A_3 {offsets = [0, 3], sizes = [1024, 1], strides = [1, 1]} : vector<1024x8xf32> to vector<1024x1xf32>
    %slice3A_10 = vector.extract_strided_slice %get3A_8 {offsets = [4, 0], sizes = [1, 4096], strides = [1, 1]} : vector<8x4096xf32> to vector<1x4096xf32>
    %add3A = vector.broadcast %slice3A : vector<1024x1xf32> to vector<1024x4096xf32>
    %add3A_11 = vector.broadcast %slice3A_10 : vector<1x4096xf32> to vector<1024x4096xf32>
    %add3A_12 = arith.addf %add3A, %add3A_11 : vector<1024x4096xf32>
    %add3A_13 = arith.addf %add3A_12, %dot_general3A_9 : vector<1024x4096xf32>
    %reduce_min3A = arith.constant dense<0x7F800000> : vector<1024xf32>
    %reduce_min3A_14 = vector.multi_reduction <minimumf>, %add3A_13, %reduce_min3A [1] : vector<1024x4096xf32> to vector<1024xf32>
    %max3A = arith.constant 0.000000e+00 : f32
    %max3A_15 = vector.broadcast %max3A : f32 to vector<1024xf32>
    %max3A_16 = arith.maximumf %reduce_min3A_14, %max3A_15 : vector<1024xf32>
    %swap3A = arith.constant 0 : index
    %swap3A_17 = arith.constant 0 : index
    %swap3A_18 = arith.constant 0 : index
    %swap3A_19 = vector.load %arg4[%swap3A, %swap3A_17, %swap3A_18] : memref<1x1x1024xf32, #tpu.memory_space<vmem>>, vector<1x1x1024xf32>
    %swap3A_20 = vector.shape_cast %swap3A_19 : vector<1x1x1024xf32> to vector<1024xf32>
    %swap3A_21 = vector.shape_cast %max3A_16 : vector<1024xf32> to vector<1x1x1024xf32>
    tpu.vector_store %arg4[%swap3A, %swap3A_17, %swap3A_18], %swap3A_21 {strides = array<i32>} : memref<1x1x1024xf32, #tpu.memory_space<vmem>>, vector<1x1x1024xf32>,
    %iota3A = tpu.iota {dimensions = array<i32: 1>} : vector<1x4096xi32>
    %convert_element_type3A = arith.sitofp %iota3A : vector<1x4096xi32> to vector<1x4096xf32>
    %broadcast_in_dim3A = vector.shape_cast %max3A_16 : vector<1024xf32> to vector<1024x1xf32>
    %le3A = vector.broadcast %broadcast_in_dim3A : vector<1024x1xf32> to vector<1024x4096xf32>
    %le3A_22 = arith.cmpf ole, %add3A_13, %le3A : vector<1024x4096xf32>
    %jit3A = arith.constant 4.096000e+03 : f32
    %broadcast_in_dim3A_23 = vector.shape_cast %convert_element_type3A : vector<1x4096xf32> to vector<1x4096xf32>
    %broadcast_in_dim3A_24 = vector.broadcast %broadcast_in_dim3A_23 : vector<1x4096xf32> to vector<1024x4096xf32>
    %broadcast_in_dim3A_25 = vector.broadcast %jit3A : f32 to vector<1024x4096xf32>
    %select_n3A = arith.select %le3A_22, %broadcast_in_dim3A_24, %broadcast_in_dim3A_25 : vector<1024x4096xi1>, vector<1024x4096xf32>
    %reduce_min3A_26 = arith.constant dense<0x7F800000> : vector<1024xf32>
    %reduce_min3A_27 = vector.multi_reduction <minimumf>, %select_n3A, %reduce_min3A_26 [1] : vector<1024x4096xf32> to vector<1024xf32>
    %convert_element_type3A_28 = arith.fptosi %reduce_min3A_27 : vector<1024xf32> to vector<1024xi32>
    %swap3A_29 = arith.constant 0 : index
    %swap3A_30 = arith.constant 0 : index
    %swap3A_31 = arith.constant 0 : index
    %swap3A_32 = vector.load %arg5[%swap3A_29, %swap3A_30, %swap3A_31] : memref<1x1x1024xi32, #tpu.memory_space<vmem>>, vector<1x1x1024xi32>
    %swap3A_33 = vector.shape_cast %swap3A_32 : vector<1x1x1024xi32> to vector<1024xi32>
    %swap3A_34 = vector.shape_cast %convert_element_type3A_28 : vector<1024xi32> to vector<1x1x1024xi32>
    tpu.vector_store %arg5[%swap3A_29, %swap3A_30, %swap3A_31], %swap3A_34 {strides = array<i32>} : memref<1x1x1024xi32, #tpu.memory_space<vmem>>, vector<1x1x1024xi32>,
    %reduce_min3A_35 = arith.constant dense<0x7F800000> : vector<4096xf32>
    %reduce_min3A_36 = vector.multi_reduction <minimumf>, %add3A_13, %reduce_min3A_35 [0] : vector<1024x4096xf32> to vector<4096xf32>
    %broadcast_in_dim3A_37 = vector.shape_cast %reduce_min3A_36 : vector<4096xf32> to vector<1x4096xf32>
    %eq3A = arith.constant 0 : i32
    %eq3A_38 = arith.cmpi eq, %arg1, %eq3A : i32
    %get3A_39 = arith.constant 0 : index
    %get3A_40 = arith.constant 0 : index
    %get3A_41 = arith.constant 0 : index
    %get3A_42 = vector.load %arg6[%get3A_39, %get3A_40, %get3A_41] : memref<1x1x4096xf32, #tpu.memory_space<vmem>>, vector<1x1x4096xf32>
    %get3A_43 = vector.shape_cast %get3A_42 : vector<1x1x4096xf32> to vector<1x4096xf32>
    %min3A = arith.minimumf %get3A_43, %broadcast_in_dim3A_37 : vector<1x4096xf32>
    %select_n3A_44 = arith.select %eq3A_38, %broadcast_in_dim3A_37, %min3A : vector<1x4096xf32>
    %swap3A_45 = arith.constant 0 : index
    %swap3A_46 = arith.constant 0 : index
    %swap3A_47 = arith.constant 0 : index
    %swap3A_48 = vector.load %arg6[%swap3A_45, %swap3A_46, %swap3A_47] : memref<1x1x4096xf32, #tpu.memory_space<vmem>>, vector<1x1x4096xf32>
    %swap3A_49 = vector.shape_cast %swap3A_48 : vector<1x1x4096xf32> to vector<1x4096xf32>
    %swap3A_50 = vector.shape_cast %select_n3A_44 : vector<1x4096xf32> to vector<1x1x4096xf32>
    tpu.vector_store %arg6[%swap3A_45, %swap3A_46, %swap3A_47], %swap3A_50 {strides = array<i32>} : memref<1x1x4096xf32, #tpu.memory_space<vmem>>, vector<1x1x4096xf32>,
    return
  }
  func.func @transform_0(%arg0: i32, %arg1: i32) -> (i32, i32, i32) {
    %c0_i32 = arith.constant 0 : i32
    %c0_i32_0 = arith.constant 0 : i32
    return %arg0, %arg1, %c0_i32 : i32, i32, i32
  }
  func.func @transform_1(%arg0: i32, %arg1: i32) -> (i32, i32, i32) {
    %c0_i32 = arith.constant 0 : i32
    %c0_i32_0 = arith.constant 0 : i32
    %c0_i32_1 = arith.constant 0 : i32
    return %arg0, %c0_i32, %c0_i32_0 : i32, i32, i32
  }
  func.func @transform_2(%arg0: i32, %arg1: i32) -> (i32, i32, i32) {
    %mul3A = arith.constant 4 : i32
    %mul3A_0 = arith.muli %arg0, %mul3A : i32
    %add3A = arith.addi %mul3A_0, %arg1 : i32
    %c0_i32 = arith.constant 0 : i32
    %c0_i32_1 = arith.constant 0 : i32
    %c0_i32_2 = arith.constant 0 : i32
    return %add3A, %c0_i32, %c0_i32_1 : i32, i32, i32
  }
  func.func @transform_3(%arg0: i32, %arg1: i32) -> (i32, i32, i32) {
    %mul3A = arith.constant 4 : i32
    %mul3A_0 = arith.muli %arg0, %mul3A : i32
    %add3A = arith.addi %mul3A_0, %arg1 : i32
    %c0_i32 = arith.constant 0 : i32
    %c0_i32_1 = arith.constant 0 : i32
    %c0_i32_2 = arith.constant 0 : i32
    return %add3A, %c0_i32, %c0_i32_1 : i32, i32, i32
  }
  func.func @transform_4(%arg0: i32, %arg1: i32) -> (i32, i32, i32) {
    %c0_i32 = arith.constant 0 : i32
    %c0_i32_0 = arith.constant 0 : i32
    %c0_i32_1 = arith.constant 0 : i32
    return %arg0, %c0_i32, %c0_i32_0 : i32, i32, i32
  }
}

module attributes {stable_mosaic.version = 14 : i64} {
  func.func @_coarse_kernel(%arg0: i32, %arg1: i32, %arg2: memref<1x1024x8xf32, #tpu.memory_space<vmem>>, %arg3: memref<1x8x4096xf32, #tpu.memory_space<vmem>>, %arg4: memref<1x1x1024xf32, #tpu.memory_space<vmem>>, %arg5: memref<1x1x4096xf32, #tpu.memory_space<vmem>>) attributes {dimension_semantics = [#tpu.dimension_semantics<arbitrary>, #tpu.dimension_semantics<arbitrary>], iteration_bounds = array<i64: 4, 4>, scalar_prefetch = 0 : i64, scratch_operands = 0 : i64, tpu.core_type = #tpu.core_type<tc>, window_params = [{transform_indices = @transform_0, window_bounds = array<i64: 1, 1024, 8>}, {transform_indices = @transform_1, window_bounds = array<i64: 1, 8, 4096>}, {transform_indices = @transform_2, window_bounds = array<i64: 1, 1, 1024>}, {transform_indices = @transform_3, window_bounds = array<i64: 1, 1, 4096>}]} {
    %get3A = arith.constant 0 : index
    %get3A_0 = arith.constant 0 : index
    %get3A_1 = arith.constant 0 : index
    %get3A_2 = vector.load %arg2[%get3A, %get3A_0, %get3A_1] : memref<1x1024x8xf32, #tpu.memory_space<vmem>>, vector<1x1024x8xf32>
    %get3A_3 = vector.shape_cast %get3A_2 : vector<1x1024x8xf32> to vector<1024x8xf32>
    %get3A_4 = arith.constant 0 : index
    %get3A_5 = arith.constant 0 : index
    %get3A_6 = arith.constant 0 : index
    %get3A_7 = vector.load %arg3[%get3A_4, %get3A_5, %get3A_6] : memref<1x8x4096xf32, #tpu.memory_space<vmem>>, vector<1x8x4096xf32>
    %get3A_8 = vector.shape_cast %get3A_7 : vector<1x8x4096xf32> to vector<8x4096xf32>
    %dot_general3A = arith.constant dense<0.000000e+00> : vector<1024x4096xf32>
    %dot_general3A_9 = tpu.matmul %get3A_3, %get3A_8, %dot_general3A {dimension_numbers = #tpu.dot_dimension_numbers<[1], [0], [0], [1], [0, 0, 1, 1], [], []>, transpose_lhs_hint = false} : vector<1024x8xf32>, vector<8x4096xf32>, vector<1024x4096xf32> -> vector<1024x4096xf32>
    %slice3A = vector.extract_strided_slice %get3A_3 {offsets = [0, 3], sizes = [1024, 1], strides = [1, 1]} : vector<1024x8xf32> to vector<1024x1xf32>
    %slice3A_10 = vector.extract_strided_slice %get3A_8 {offsets = [4, 0], sizes = [1, 4096], strides = [1, 1]} : vector<8x4096xf32> to vector<1x4096xf32>
    %add3A = vector.broadcast %slice3A : vector<1024x1xf32> to vector<1024x4096xf32>
    %add3A_11 = vector.broadcast %slice3A_10 : vector<1x4096xf32> to vector<1024x4096xf32>
    %add3A_12 = arith.addf %add3A, %add3A_11 : vector<1024x4096xf32>
    %add3A_13 = arith.addf %add3A_12, %dot_general3A_9 : vector<1024x4096xf32>
    %reduce_min3A = arith.constant dense<0x7F800000> : vector<1024xf32>
    %reduce_min3A_14 = vector.multi_reduction <minimumf>, %add3A_13, %reduce_min3A [1] : vector<1024x4096xf32> to vector<1024xf32>
    %swap3A = arith.constant 0 : index
    %swap3A_15 = arith.constant 0 : index
    %swap3A_16 = arith.constant 0 : index
    %swap3A_17 = vector.load %arg4[%swap3A, %swap3A_15, %swap3A_16] : memref<1x1x1024xf32, #tpu.memory_space<vmem>>, vector<1x1x1024xf32>
    %swap3A_18 = vector.shape_cast %swap3A_17 : vector<1x1x1024xf32> to vector<1024xf32>
    %swap3A_19 = vector.shape_cast %reduce_min3A_14 : vector<1024xf32> to vector<1x1x1024xf32>
    tpu.vector_store %arg4[%swap3A, %swap3A_15, %swap3A_16], %swap3A_19 {strides = array<i32>} : memref<1x1x1024xf32, #tpu.memory_space<vmem>>, vector<1x1x1024xf32>,
    %reduce_min3A_20 = arith.constant dense<0x7F800000> : vector<4096xf32>
    %reduce_min3A_21 = vector.multi_reduction <minimumf>, %add3A_13, %reduce_min3A_20 [0] : vector<1024x4096xf32> to vector<4096xf32>
    %broadcast_in_dim3A = vector.shape_cast %reduce_min3A_21 : vector<4096xf32> to vector<1x4096xf32>
    %eq3A = arith.constant 0 : i32
    %eq3A_22 = arith.cmpi eq, %arg1, %eq3A : i32
    %get3A_23 = arith.constant 0 : index
    %get3A_24 = arith.constant 0 : index
    %get3A_25 = arith.constant 0 : index
    %get3A_26 = vector.load %arg5[%get3A_23, %get3A_24, %get3A_25] : memref<1x1x4096xf32, #tpu.memory_space<vmem>>, vector<1x1x4096xf32>
    %get3A_27 = vector.shape_cast %get3A_26 : vector<1x1x4096xf32> to vector<1x4096xf32>
    %min3A = arith.minimumf %get3A_27, %broadcast_in_dim3A : vector<1x4096xf32>
    %select_n3A = arith.select %eq3A_22, %broadcast_in_dim3A, %min3A : vector<1x4096xf32>
    %swap3A_28 = arith.constant 0 : index
    %swap3A_29 = arith.constant 0 : index
    %swap3A_30 = arith.constant 0 : index
    %swap3A_31 = vector.load %arg5[%swap3A_28, %swap3A_29, %swap3A_30] : memref<1x1x4096xf32, #tpu.memory_space<vmem>>, vector<1x1x4096xf32>
    %swap3A_32 = vector.shape_cast %swap3A_31 : vector<1x1x4096xf32> to vector<1x4096xf32>
    %swap3A_33 = vector.shape_cast %select_n3A : vector<1x4096xf32> to vector<1x1x4096xf32>
    tpu.vector_store %arg5[%swap3A_28, %swap3A_29, %swap3A_30], %swap3A_33 {strides = array<i32>} : memref<1x1x4096xf32, #tpu.memory_space<vmem>>, vector<1x1x4096xf32>,
    return
  }
  func.func @transform_0(%arg0: i32, %arg1: i32) -> (i32, i32, i32) {
    %c0_i32 = arith.constant 0 : i32
    %c0_i32_0 = arith.constant 0 : i32
    return %arg0, %arg1, %c0_i32 : i32, i32, i32
  }
  func.func @transform_1(%arg0: i32, %arg1: i32) -> (i32, i32, i32) {
    %c0_i32 = arith.constant 0 : i32
    %c0_i32_0 = arith.constant 0 : i32
    %c0_i32_1 = arith.constant 0 : i32
    return %arg0, %c0_i32, %c0_i32_0 : i32, i32, i32
  }
  func.func @transform_2(%arg0: i32, %arg1: i32) -> (i32, i32, i32) {
    %mul3A = arith.constant 4 : i32
    %mul3A_0 = arith.muli %arg0, %mul3A : i32
    %add3A = arith.addi %mul3A_0, %arg1 : i32
    %c0_i32 = arith.constant 0 : i32
    %c0_i32_1 = arith.constant 0 : i32
    %c0_i32_2 = arith.constant 0 : i32
    return %add3A, %c0_i32, %c0_i32_1 : i32, i32, i32
  }
  func.func @transform_3(%arg0: i32, %arg1: i32) -> (i32, i32, i32) {
    %c0_i32 = arith.constant 0 : i32
    %c0_i32_0 = arith.constant 0 : i32
    %c0_i32_1 = arith.constant 0 : i32
    return %arg0, %c0_i32, %c0_i32_0 : i32, i32, i32
  }
}

module attributes {stable_mosaic.version = 14 : i64} {
  func.func @_loss_kernel(%arg0: memref<12x4096xf32, #tpu.memory_space<vmem>>, %arg1: memref<12x4096xf32, #tpu.memory_space<vmem>>, %arg2: memref<4x4096xf32, #tpu.memory_space<vmem>>, %arg3: memref<4x4096xf32, #tpu.memory_space<vmem>>, %arg4: memref<4x4096xf32, #tpu.memory_space<vmem>>, %arg5: memref<4x4096xf32, #tpu.memory_space<vmem>>, %arg6: memref<1x1xf32, #tpu.memory_space<vmem>>) attributes {dimension_semantics = [], scalar_prefetch = 0 : i64, scratch_operands = 0 : i64, tpu.core_type = #tpu.core_type<tc>} {
    %get3A = arith.constant 0 : index
    %get3A_0 = arith.constant 0 : index
    %get3A_1 = vector.load %arg2[%get3A, %get3A_0] : memref<4x4096xf32, #tpu.memory_space<vmem>>, vector<4x4096xf32>
    %max3A = arith.constant 0.000000e+00 : f32
    %max3A_2 = vector.broadcast %max3A : f32 to vector<4x4096xf32>
    %max3A_3 = arith.maximumf %get3A_1, %max3A_2 : vector<4x4096xf32>
    %sqrt3A = math.sqrt %max3A_3 : vector<4x4096xf32>
    %reduce_sum3A = vector.shape_cast %sqrt3A : vector<4x4096xf32> to vector<1x4x4096xf32>
    %reduce_sum3A_4 = arith.constant dense<0.000000e+00> : vector<1xf32>
    %reduce_sum3A_5 = vector.multi_reduction <add>, %reduce_sum3A, %reduce_sum3A_4 [1, 2] : vector<1x4x4096xf32> to vector<1xf32>
    %reduce_sum3A_6 = vector.shape_cast %reduce_sum3A_5 : vector<1xf32> to vector<1x1x1xf32>
    %reduce_sum3A_7 = vector.extract %reduce_sum3A_6[0, 0, 0] : f32 from vector<1x1x1xf32>
    %get3A_8 = arith.constant 0 : index
    %get3A_9 = arith.constant 0 : index
    %get3A_10 = vector.load %arg3[%get3A_8, %get3A_9] : memref<4x4096xf32, #tpu.memory_space<vmem>>, vector<4x4096xf32>
    %max3A_11 = arith.constant 0.000000e+00 : f32
    %max3A_12 = vector.broadcast %max3A_11 : f32 to vector<4x4096xf32>
    %max3A_13 = arith.maximumf %get3A_10, %max3A_12 : vector<4x4096xf32>
    %sqrt3A_14 = math.sqrt %max3A_13 : vector<4x4096xf32>
    %reduce_sum3A_15 = vector.shape_cast %sqrt3A_14 : vector<4x4096xf32> to vector<1x4x4096xf32>
    %reduce_sum3A_16 = arith.constant dense<0.000000e+00> : vector<1xf32>
    %reduce_sum3A_17 = vector.multi_reduction <add>, %reduce_sum3A_15, %reduce_sum3A_16 [1, 2] : vector<1x4x4096xf32> to vector<1xf32>
    %reduce_sum3A_18 = vector.shape_cast %reduce_sum3A_17 : vector<1xf32> to vector<1x1x1xf32>
    %reduce_sum3A_19 = vector.extract %reduce_sum3A_18[0, 0, 0] : f32 from vector<1x1x1xf32>
    %add3A = arith.addf %reduce_sum3A_7, %reduce_sum3A_19 : f32
    %mul3A = arith.constant 5.000000e-01 : f32
    %mul3A_20 = arith.mulf %mul3A, %add3A : f32
    %mul3A_21 = arith.constant 6.10351563E-5 : f32
    %mul3A_22 = arith.mulf %mul3A_20, %mul3A_21 : f32
    %get3A_23 = arith.constant 0 : index
    %get3A_24 = arith.constant 0 : index
    %get3A_25 = vector.load %arg4[%get3A_23, %get3A_24] : memref<4x4096xf32, #tpu.memory_space<vmem>>, vector<4x4096xf32>
    %max3A_26 = arith.constant 0.000000e+00 : f32
    %max3A_27 = vector.broadcast %max3A_26 : f32 to vector<4x4096xf32>
    %max3A_28 = arith.maximumf %get3A_25, %max3A_27 : vector<4x4096xf32>
    %sqrt3A_29 = math.sqrt %max3A_28 : vector<4x4096xf32>
    %reduce_sum3A_30 = vector.shape_cast %sqrt3A_29 : vector<4x4096xf32> to vector<1x4x4096xf32>
    %reduce_sum3A_31 = arith.constant dense<0.000000e+00> : vector<1xf32>
    %reduce_sum3A_32 = vector.multi_reduction <add>, %reduce_sum3A_30, %reduce_sum3A_31 [1, 2] : vector<1x4x4096xf32> to vector<1xf32>
    %reduce_sum3A_33 = vector.shape_cast %reduce_sum3A_32 : vector<1xf32> to vector<1x1x1xf32>
    %reduce_sum3A_34 = vector.extract %reduce_sum3A_33[0, 0, 0] : f32 from vector<1x1x1xf32>
    %get3A_35 = arith.constant 0 : index
    %get3A_36 = arith.constant 0 : index
    %get3A_37 = vector.load %arg5[%get3A_35, %get3A_36] : memref<4x4096xf32, #tpu.memory_space<vmem>>, vector<4x4096xf32>
    %max3A_38 = arith.constant 0.000000e+00 : f32
    %max3A_39 = vector.broadcast %max3A_38 : f32 to vector<4x4096xf32>
    %max3A_40 = arith.maximumf %get3A_37, %max3A_39 : vector<4x4096xf32>
    %sqrt3A_41 = math.sqrt %max3A_40 : vector<4x4096xf32>
    %reduce_sum3A_42 = vector.shape_cast %sqrt3A_41 : vector<4x4096xf32> to vector<1x4x4096xf32>
    %reduce_sum3A_43 = arith.constant dense<0.000000e+00> : vector<1xf32>
    %reduce_sum3A_44 = vector.multi_reduction <add>, %reduce_sum3A_42, %reduce_sum3A_43 [1, 2] : vector<1x4x4096xf32> to vector<1xf32>
    %reduce_sum3A_45 = vector.shape_cast %reduce_sum3A_44 : vector<1xf32> to vector<1x1x1xf32>
    %reduce_sum3A_46 = vector.extract %reduce_sum3A_45[0, 0, 0] : f32 from vector<1x1x1xf32>
    %add3A_47 = arith.addf %reduce_sum3A_34, %reduce_sum3A_46 : f32
    %mul3A_48 = arith.constant 5.000000e-01 : f32
    %mul3A_49 = arith.mulf %mul3A_48, %add3A_47 : f32
    %mul3A_50 = arith.constant 6.10351563E-5 : f32
    %mul3A_51 = arith.mulf %mul3A_49, %mul3A_50 : f32
    %get3A_52 = arith.constant 0 : index
    %get3A_53 = arith.constant 0 : index
    %get3A_54 = vector.load %arg0[%get3A_52, %get3A_53] : memref<12x4096xf32, #tpu.memory_space<vmem>>, vector<12x4096xf32>
    %get3A_55 = arith.constant 0 : index
    %get3A_56 = arith.constant 0 : index
    %get3A_57 = vector.load %arg1[%get3A_55, %get3A_56] : memref<12x4096xf32, #tpu.memory_space<vmem>>, vector<12x4096xf32>
    %slice3A = vector.extract_strided_slice %get3A_54 {offsets = [0, 0], sizes = [1, 4096], strides = [1, 1]} : vector<12x4096xf32> to vector<1x4096xf32>
    %slice3A_58 = vector.extract_strided_slice %get3A_54 {offsets = [1, 0], sizes = [1, 4096], strides = [1, 1]} : vector<12x4096xf32> to vector<1x4096xf32>
    %slice3A_59 = vector.extract_strided_slice %get3A_54 {offsets = [2, 0], sizes = [1, 4096], strides = [1, 1]} : vector<12x4096xf32> to vector<1x4096xf32>
    %slice3A_60 = vector.extract_strided_slice %get3A_57 {offsets = [0, 0], sizes = [1, 4096], strides = [1, 1]} : vector<12x4096xf32> to vector<1x4096xf32>
    %slice3A_61 = vector.extract_strided_slice %get3A_57 {offsets = [1, 0], sizes = [1, 4096], strides = [1, 1]} : vector<12x4096xf32> to vector<1x4096xf32>
    %slice3A_62 = vector.extract_strided_slice %get3A_57 {offsets = [2, 0], sizes = [1, 4096], strides = [1, 1]} : vector<12x4096xf32> to vector<1x4096xf32>
    %convert_element_type3A = arith.truncf %slice3A_59 : vector<1x4096xf32> to vector<1x4096xbf16>
    %convert_element_type3A_63 = arith.extf %convert_element_type3A : vector<1x4096xbf16> to vector<1x4096xf32>
    %convert_element_type3A_64 = arith.truncf %slice3A_59 : vector<1x4096xf32> to vector<1x4096xbf16>
    %convert_element_type3A_65 = arith.extf %convert_element_type3A_64 : vector<1x4096xbf16> to vector<1x4096xf32>
    %mul3A_66 = arith.mulf %convert_element_type3A_63, %convert_element_type3A_65 : vector<1x4096xf32>
    %reduce_sum3A_67 = vector.shape_cast %mul3A_66 : vector<1x4096xf32> to vector<1x1x4096xf32>
    %reduce_sum3A_68 = arith.constant dense<0.000000e+00> : vector<1xf32>
    %reduce_sum3A_69 = vector.multi_reduction <add>, %reduce_sum3A_67, %reduce_sum3A_68 [1, 2] : vector<1x1x4096xf32> to vector<1xf32>
    %reduce_sum3A_70 = vector.shape_cast %reduce_sum3A_69 : vector<1xf32> to vector<1x1x1xf32>
    %reduce_sum3A_71 = vector.extract %reduce_sum3A_70[0, 0, 0] : f32 from vector<1x1x1xf32>
    %sqrt3A_72 = math.sqrt %reduce_sum3A_71 : f32
    %convert_element_type3A_73 = arith.truncf %slice3A_62 : vector<1x4096xf32> to vector<1x4096xbf16>
    %convert_element_type3A_74 = arith.extf %convert_element_type3A_73 : vector<1x4096xbf16> to vector<1x4096xf32>
    %convert_element_type3A_75 = arith.truncf %slice3A_62 : vector<1x4096xf32> to vector<1x4096xbf16>
    %convert_element_type3A_76 = arith.extf %convert_element_type3A_75 : vector<1x4096xbf16> to vector<1x4096xf32>
    %mul3A_77 = arith.mulf %convert_element_type3A_74, %convert_element_type3A_76 : vector<1x4096xf32>
    %reduce_sum3A_78 = vector.shape_cast %mul3A_77 : vector<1x4096xf32> to vector<1x1x4096xf32>
    %reduce_sum3A_79 = arith.constant dense<0.000000e+00> : vector<1xf32>
    %reduce_sum3A_80 = vector.multi_reduction <add>, %reduce_sum3A_78, %reduce_sum3A_79 [1, 2] : vector<1x1x4096xf32> to vector<1xf32>
    %reduce_sum3A_81 = vector.shape_cast %reduce_sum3A_80 : vector<1xf32> to vector<1x1x1xf32>
    %reduce_sum3A_82 = vector.extract %reduce_sum3A_81[0, 0, 0] : f32 from vector<1x1x1xf32>
    %sqrt3A_83 = math.sqrt %reduce_sum3A_82 : f32
    %sub3A = arith.subf %sqrt3A_72, %sqrt3A_83 : f32
    %integer_pow3A = arith.mulf %sub3A, %sub3A : f32
    %add3A_84 = arith.constant 0.000000e+00 : f32
    %add3A_85 = arith.addf %add3A_84, %integer_pow3A : f32
    %convert_element_type3A_86 = arith.truncf %slice3A_58 : vector<1x4096xf32> to vector<1x4096xbf16>
    %convert_element_type3A_87 = arith.extf %convert_element_type3A_86 : vector<1x4096xbf16> to vector<1x4096xf32>
    %convert_element_type3A_88 = arith.truncf %slice3A_61 : vector<1x4096xf32> to vector<1x4096xbf16>
    %convert_element_type3A_89 = arith.extf %convert_element_type3A_88 : vector<1x4096xbf16> to vector<1x4096xf32>
    %sub3A_90 = arith.subf %convert_element_type3A_87, %convert_element_type3A_89 : vector<1x4096xf32>
    %integer_pow3A_91 = arith.mulf %sub3A_90, %sub3A_90 : vector<1x4096xf32>
    %reduce_sum3A_92 = vector.shape_cast %integer_pow3A_91 : vector<1x4096xf32> to vector<1x1x4096xf32>
    %reduce_sum3A_93 = arith.constant dense<0.000000e+00> : vector<1xf32>
    %reduce_sum3A_94 = vector.multi_reduction <add>, %reduce_sum3A_92, %reduce_sum3A_93 [1, 2] : vector<1x1x4096xf32> to vector<1xf32>
    %reduce_sum3A_95 = vector.shape_cast %reduce_sum3A_94 : vector<1xf32> to vector<1x1x1xf32>
    %reduce_sum3A_96 = vector.extract %reduce_sum3A_95[0, 0, 0] : f32 from vector<1x1x1xf32>
    %add3A_97 = arith.constant 0.000000e+00 : f32
    %add3A_98 = arith.addf %add3A_97, %reduce_sum3A_96 : f32
    %slice3A_99 = vector.extract_strided_slice %slice3A {offsets = [0, 1], sizes = [1, 4095], strides = [1, 1]} : vector<1x4096xf32> to vector<1x4095xf32>
    %slice3A_100 = vector.extract_strided_slice %slice3A {offsets = [0, 0], sizes = [1, 1], strides = [1, 1]} : vector<1x4096xf32> to vector<1x1xf32>
    %concatenate3A = tpu.concatenate %slice3A_99, %slice3A_100 in 1 : vector<1x4095xf32>, vector<1x1xf32> -> vector<1x4096xf32>
    %slice3A_101 = vector.extract_strided_slice %slice3A_58 {offsets = [0, 1], sizes = [1, 4095], strides = [1, 1]} : vector<1x4096xf32> to vector<1x4095xf32>
    %slice3A_102 = vector.extract_strided_slice %slice3A_58 {offsets = [0, 0], sizes = [1, 1], strides = [1, 1]} : vector<1x4096xf32> to vector<1x1xf32>
    %concatenate3A_103 = tpu.concatenate %slice3A_101, %slice3A_102 in 1 : vector<1x4095xf32>, vector<1x1xf32> -> vector<1x4096xf32>
    %slice3A_104 = vector.extract_strided_slice %slice3A_59 {offsets = [0, 1], sizes = [1, 4095], strides = [1, 1]} : vector<1x4096xf32> to vector<1x4095xf32>
    %slice3A_105 = vector.extract_strided_slice %slice3A_59 {offsets = [0, 0], sizes = [1, 1], strides = [1, 1]} : vector<1x4096xf32> to vector<1x1xf32>
    %concatenate3A_106 = tpu.concatenate %slice3A_104, %slice3A_105 in 1 : vector<1x4095xf32>, vector<1x1xf32> -> vector<1x4096xf32>
    %slice3A_107 = vector.extract_strided_slice %slice3A {offsets = [0, 2], sizes = [1, 4094], strides = [1, 1]} : vector<1x4096xf32> to vector<1x4094xf32>
    %slice3A_108 = vector.extract_strided_slice %slice3A {offsets = [0, 0], sizes = [1, 2], strides = [1, 1]} : vector<1x4096xf32> to vector<1x2xf32>
    %concatenate3A_109 = tpu.concatenate %slice3A_107, %slice3A_108 in 1 : vector<1x4094xf32>, vector<1x2xf32> -> vector<1x4096xf32>
    %slice3A_110 = vector.extract_strided_slice %slice3A_58 {offsets = [0, 2], sizes = [1, 4094], strides = [1, 1]} : vector<1x4096xf32> to vector<1x4094xf32>
    %slice3A_111 = vector.extract_strided_slice %slice3A_58 {offsets = [0, 0], sizes = [1, 2], strides = [1, 1]} : vector<1x4096xf32> to vector<1x2xf32>
    %concatenate3A_112 = tpu.concatenate %slice3A_110, %slice3A_111 in 1 : vector<1x4094xf32>, vector<1x2xf32> -> vector<1x4096xf32>
    %slice3A_113 = vector.extract_strided_slice %slice3A_59 {offsets = [0, 2], sizes = [1, 4094], strides = [1, 1]} : vector<1x4096xf32> to vector<1x4094xf32>
    %slice3A_114 = vector.extract_strided_slice %slice3A_59 {offsets = [0, 0], sizes = [1, 2], strides = [1, 1]} : vector<1x4096xf32> to vector<1x2xf32>
    %concatenate3A_115 = tpu.concatenate %slice3A_113, %slice3A_114 in 1 : vector<1x4094xf32>, vector<1x2xf32> -> vector<1x4096xf32>
    %mul3A_116 = arith.mulf %concatenate3A_103, %concatenate3A_115 : vector<1x4096xf32>
    %mul3A_117 = arith.mulf %concatenate3A_106, %concatenate3A_112 : vector<1x4096xf32>
    %sub3A_118 = arith.subf %mul3A_116, %mul3A_117 : vector<1x4096xf32>
    %mul3A_119 = arith.mulf %concatenate3A_106, %concatenate3A_109 : vector<1x4096xf32>
    %mul3A_120 = arith.mulf %concatenate3A, %concatenate3A_115 : vector<1x4096xf32>
    %sub3A_121 = arith.subf %mul3A_119, %mul3A_120 : vector<1x4096xf32>
    %mul3A_122 = arith.mulf %concatenate3A, %concatenate3A_112 : vector<1x4096xf32>
    %mul3A_123 = arith.mulf %concatenate3A_103, %concatenate3A_109 : vector<1x4096xf32>
    %sub3A_124 = arith.subf %mul3A_122, %mul3A_123 : vector<1x4096xf32>
    %mul3A_125 = arith.mulf %slice3A, %sub3A_118 : vector<1x4096xf32>
    %mul3A_126 = arith.mulf %slice3A_58, %sub3A_121 : vector<1x4096xf32>
    %add3A_127 = arith.addf %mul3A_125, %mul3A_126 : vector<1x4096xf32>
    %mul3A_128 = arith.mulf %slice3A_59, %sub3A_124 : vector<1x4096xf32>
    %add3A_129 = arith.addf %add3A_127, %mul3A_128 : vector<1x4096xf32>
    %reduce_sum3A_130 = vector.shape_cast %add3A_129 : vector<1x4096xf32> to vector<1x1x4096xf32>
    %reduce_sum3A_131 = arith.constant dense<0.000000e+00> : vector<1xf32>
    %reduce_sum3A_132 = vector.multi_reduction <add>, %reduce_sum3A_130, %reduce_sum3A_131 [1, 2] : vector<1x1x4096xf32> to vector<1xf32>
    %reduce_sum3A_133 = vector.shape_cast %reduce_sum3A_132 : vector<1xf32> to vector<1x1x1xf32>
    %reduce_sum3A_134 = vector.extract %reduce_sum3A_133[0, 0, 0] : f32 from vector<1x1x1xf32>
    %div3A = arith.constant 6.000000e+00 : f32
    %div3A_135 = arith.divf %reduce_sum3A_134, %div3A : f32
    %slice3A_136 = vector.extract_strided_slice %slice3A_60 {offsets = [0, 1], sizes = [1, 4095], strides = [1, 1]} : vector<1x4096xf32> to vector<1x4095xf32>
    %slice3A_137 = vector.extract_strided_slice %slice3A_60 {offsets = [0, 0], sizes = [1, 1], strides = [1, 1]} : vector<1x4096xf32> to vector<1x1xf32>
    %concatenate3A_138 = tpu.concatenate %slice3A_136, %slice3A_137 in 1 : vector<1x4095xf32>, vector<1x1xf32> -> vector<1x4096xf32>
    %slice3A_139 = vector.extract_strided_slice %slice3A_61 {offsets = [0, 1], sizes = [1, 4095], strides = [1, 1]} : vector<1x4096xf32> to vector<1x4095xf32>
    %slice3A_140 = vector.extract_strided_slice %slice3A_61 {offsets = [0, 0], sizes = [1, 1], strides = [1, 1]} : vector<1x4096xf32> to vector<1x1xf32>
    %concatenate3A_141 = tpu.concatenate %slice3A_139, %slice3A_140 in 1 : vector<1x4095xf32>, vector<1x1xf32> -> vector<1x4096xf32>
    %slice3A_142 = vector.extract_strided_slice %slice3A_62 {offsets = [0, 1], sizes = [1, 4095], strides = [1, 1]} : vector<1x4096xf32> to vector<1x4095xf32>
    %slice3A_143 = vector.extract_strided_slice %slice3A_62 {offsets = [0, 0], sizes = [1, 1], strides = [1, 1]} : vector<1x4096xf32> to vector<1x1xf32>
    %concatenate3A_144 = tpu.concatenate %slice3A_142, %slice3A_143 in 1 : vector<1x4095xf32>, vector<1x1xf32> -> vector<1x4096xf32>
    %slice3A_145 = vector.extract_strided_slice %slice3A_60 {offsets = [0, 2], sizes = [1, 4094], strides = [1, 1]} : vector<1x4096xf32> to vector<1x4094xf32>
    %slice3A_146 = vector.extract_strided_slice %slice3A_60 {offsets = [0, 0], sizes = [1, 2], strides = [1, 1]} : vector<1x4096xf32> to vector<1x2xf32>
    %concatenate3A_147 = tpu.concatenate %slice3A_145, %slice3A_146 in 1 : vector<1x4094xf32>, vector<1x2xf32> -> vector<1x4096xf32>
    %slice3A_148 = vector.extract_strided_slice %slice3A_61 {offsets = [0, 2], sizes = [1, 4094], strides = [1, 1]} : vector<1x4096xf32> to vector<1x4094xf32>
    %slice3A_149 = vector.extract_strided_slice %slice3A_61 {offsets = [0, 0], sizes = [1, 2], strides = [1, 1]} : vector<1x4096xf32> to vector<1x2xf32>
    %concatenate3A_150 = tpu.concatenate %slice3A_148, %slice3A_149 in 1 : vector<1x4094xf32>, vector<1x2xf32> -> vector<1x4096xf32>
    %slice3A_151 = vector.extract_strided_slice %slice3A_62 {offsets = [0, 2], sizes = [1, 4094], strides = [1, 1]} : vector<1x4096xf32> to vector<1x4094xf32>
    %slice3A_152 = vector.extract_strided_slice %slice3A_62 {offsets = [0, 0], sizes = [1, 2], strides = [1, 1]} : vector<1x4096xf32> to vector<1x2xf32>
    %concatenate3A_153 = tpu.concatenate %slice3A_151, %slice3A_152 in 1 : vector<1x4094xf32>, vector<1x2xf32> -> vector<1x4096xf32>
    %mul3A_154 = arith.mulf %concatenate3A_141, %concatenate3A_153 : vector<1x4096xf32>
    %mul3A_155 = arith.mulf %concatenate3A_144, %concatenate3A_150 : vector<1x4096xf32>
    %sub3A_156 = arith.subf %mul3A_154, %mul3A_155 : vector<1x4096xf32>
    %mul3A_157 = arith.mulf %concatenate3A_144, %concatenate3A_147 : vector<1x4096xf32>
    %mul3A_158 = arith.mulf %concatenate3A_138, %concatenate3A_153 : vector<1x4096xf32>
    %sub3A_159 = arith.subf %mul3A_157, %mul3A_158 : vector<1x4096xf32>
    %mul3A_160 = arith.mulf %concatenate3A_138, %concatenate3A_150 : vector<1x4096xf32>
    %mul3A_161 = arith.mulf %concatenate3A_141, %concatenate3A_147 : vector<1x4096xf32>
    %sub3A_162 = arith.subf %mul3A_160, %mul3A_161 : vector<1x4096xf32>
    %mul3A_163 = arith.mulf %slice3A_60, %sub3A_156 : vector<1x4096xf32>
    %mul3A_164 = arith.mulf %slice3A_61, %sub3A_159 : vector<1x4096xf32>
    %add3A_165 = arith.addf %mul3A_163, %mul3A_164 : vector<1x4096xf32>
    %mul3A_166 = arith.mulf %slice3A_62, %sub3A_162 : vector<1x4096xf32>
    %add3A_167 = arith.addf %add3A_165, %mul3A_166 : vector<1x4096xf32>
    %reduce_sum3A_168 = vector.shape_cast %add3A_167 : vector<1x4096xf32> to vector<1x1x4096xf32>
    %reduce_sum3A_169 = arith.constant dense<0.000000e+00> : vector<1xf32>
    %reduce_sum3A_170 = vector.multi_reduction <add>, %reduce_sum3A_168, %reduce_sum3A_169 [1, 2] : vector<1x1x4096xf32> to vector<1xf32>
    %reduce_sum3A_171 = vector.shape_cast %reduce_sum3A_170 : vector<1xf32> to vector<1x1x1xf32>
    %reduce_sum3A_172 = vector.extract %reduce_sum3A_171[0, 0, 0] : f32 from vector<1x1x1xf32>
    %div3A_173 = arith.constant 6.000000e+00 : f32
    %div3A_174 = arith.divf %reduce_sum3A_172, %div3A_173 : f32
    %sub3A_175 = arith.subf %div3A_135, %div3A_174 : f32
    %integer_pow3A_176 = arith.mulf %sub3A_175, %sub3A_175 : f32
    %add3A_177 = arith.constant 0.000000e+00 : f32
    %add3A_178 = arith.addf %add3A_177, %integer_pow3A_176 : f32
    %slice3A_179 = vector.extract_strided_slice %get3A_54 {offsets = [3, 0], sizes = [1, 4096], strides = [1, 1]} : vector<12x4096xf32> to vector<1x4096xf32>
    %slice3A_180 = vector.extract_strided_slice %get3A_54 {offsets = [4, 0], sizes = [1, 4096], strides = [1, 1]} : vector<12x4096xf32> to vector<1x4096xf32>
    %slice3A_181 = vector.extract_strided_slice %get3A_54 {offsets = [5, 0], sizes = [1, 4096], strides = [1, 1]} : vector<12x4096xf32> to vector<1x4096xf32>
    %slice3A_182 = vector.extract_strided_slice %get3A_57 {offsets = [3, 0], sizes = [1, 4096], strides = [1, 1]} : vector<12x4096xf32> to vector<1x4096xf32>
    %slice3A_183 = vector.extract_strided_slice %get3A_57 {offsets = [4, 0], sizes = [1, 4096], strides = [1, 1]} : vector<12x4096xf32> to vector<1x4096xf32>
    %slice3A_184 = vector.extract_strided_slice %get3A_57 {offsets = [5, 0], sizes = [1, 4096], strides = [1, 1]} : vector<12x4096xf32> to vector<1x4096xf32>
    %convert_element_type3A_185 = arith.truncf %slice3A_181 : vector<1x4096xf32> to vector<1x4096xbf16>
    %convert_element_type3A_186 = arith.extf %convert_element_type3A_185 : vector<1x4096xbf16> to vector<1x4096xf32>
    %convert_element_type3A_187 = arith.truncf %slice3A_181 : vector<1x4096xf32> to vector<1x4096xbf16>
    %convert_element_type3A_188 = arith.extf %convert_element_type3A_187 : vector<1x4096xbf16> to vector<1x4096xf32>
    %mul3A_189 = arith.mulf %convert_element_type3A_186, %convert_element_type3A_188 : vector<1x4096xf32>
    %reduce_sum3A_190 = vector.shape_cast %mul3A_189 : vector<1x4096xf32> to vector<1x1x4096xf32>
    %reduce_sum3A_191 = arith.constant dense<0.000000e+00> : vector<1xf32>
    %reduce_sum3A_192 = vector.multi_reduction <add>, %reduce_sum3A_190, %reduce_sum3A_191 [1, 2] : vector<1x1x4096xf32> to vector<1xf32>
    %reduce_sum3A_193 = vector.shape_cast %reduce_sum3A_192 : vector<1xf32> to vector<1x1x1xf32>
    %reduce_sum3A_194 = vector.extract %reduce_sum3A_193[0, 0, 0] : f32 from vector<1x1x1xf32>
    %sqrt3A_195 = math.sqrt %reduce_sum3A_194 : f32
    %convert_element_type3A_196 = arith.truncf %slice3A_184 : vector<1x4096xf32> to vector<1x4096xbf16>
    %convert_element_type3A_197 = arith.extf %convert_element_type3A_196 : vector<1x4096xbf16> to vector<1x4096xf32>
    %convert_element_type3A_198 = arith.truncf %slice3A_184 : vector<1x4096xf32> to vector<1x4096xbf16>
    %convert_element_type3A_199 = arith.extf %convert_element_type3A_198 : vector<1x4096xbf16> to vector<1x4096xf32>
    %mul3A_200 = arith.mulf %convert_element_type3A_197, %convert_element_type3A_199 : vector<1x4096xf32>
    %reduce_sum3A_201 = vector.shape_cast %mul3A_200 : vector<1x4096xf32> to vector<1x1x4096xf32>
    %reduce_sum3A_202 = arith.constant dense<0.000000e+00> : vector<1xf32>
    %reduce_sum3A_203 = vector.multi_reduction <add>, %reduce_sum3A_201, %reduce_sum3A_202 [1, 2] : vector<1x1x4096xf32> to vector<1xf32>
    %reduce_sum3A_204 = vector.shape_cast %reduce_sum3A_203 : vector<1xf32> to vector<1x1x1xf32>
    %reduce_sum3A_205 = vector.extract %reduce_sum3A_204[0, 0, 0] : f32 from vector<1x1x1xf32>
    %sqrt3A_206 = math.sqrt %reduce_sum3A_205 : f32
    %sub3A_207 = arith.subf %sqrt3A_195, %sqrt3A_206 : f32
    %integer_pow3A_208 = arith.mulf %sub3A_207, %sub3A_207 : f32
    %add3A_209 = arith.addf %add3A_85, %integer_pow3A_208 : f32
    %convert_element_type3A_210 = arith.truncf %slice3A_180 : vector<1x4096xf32> to vector<1x4096xbf16>
    %convert_element_type3A_211 = arith.extf %convert_element_type3A_210 : vector<1x4096xbf16> to vector<1x4096xf32>
    %convert_element_type3A_212 = arith.truncf %slice3A_183 : vector<1x4096xf32> to vector<1x4096xbf16>
    %convert_element_type3A_213 = arith.extf %convert_element_type3A_212 : vector<1x4096xbf16> to vector<1x4096xf32>
    %sub3A_214 = arith.subf %convert_element_type3A_211, %convert_element_type3A_213 : vector<1x4096xf32>
    %integer_pow3A_215 = arith.mulf %sub3A_214, %sub3A_214 : vector<1x4096xf32>
    %reduce_sum3A_216 = vector.shape_cast %integer_pow3A_215 : vector<1x4096xf32> to vector<1x1x4096xf32>
    %reduce_sum3A_217 = arith.constant dense<0.000000e+00> : vector<1xf32>
    %reduce_sum3A_218 = vector.multi_reduction <add>, %reduce_sum3A_216, %reduce_sum3A_217 [1, 2] : vector<1x1x4096xf32> to vector<1xf32>
    %reduce_sum3A_219 = vector.shape_cast %reduce_sum3A_218 : vector<1xf32> to vector<1x1x1xf32>
    %reduce_sum3A_220 = vector.extract %reduce_sum3A_219[0, 0, 0] : f32 from vector<1x1x1xf32>
    %add3A_221 = arith.addf %add3A_98, %reduce_sum3A_220 : f32
    %slice3A_222 = vector.extract_strided_slice %slice3A_179 {offsets = [0, 1], sizes = [1, 4095], strides = [1, 1]} : vector<1x4096xf32> to vector<1x4095xf32>
    %slice3A_223 = vector.extract_strided_slice %slice3A_179 {offsets = [0, 0], sizes = [1, 1], strides = [1, 1]} : vector<1x4096xf32> to vector<1x1xf32>
    %concatenate3A_224 = tpu.concatenate %slice3A_222, %slice3A_223 in 1 : vector<1x4095xf32>, vector<1x1xf32> -> vector<1x4096xf32>
    %slice3A_225 = vector.extract_strided_slice %slice3A_180 {offsets = [0, 1], sizes = [1, 4095], strides = [1, 1]} : vector<1x4096xf32> to vector<1x4095xf32>
    %slice3A_226 = vector.extract_strided_slice %slice3A_180 {offsets = [0, 0], sizes = [1, 1], strides = [1, 1]} : vector<1x4096xf32> to vector<1x1xf32>
    %concatenate3A_227 = tpu.concatenate %slice3A_225, %slice3A_226 in 1 : vector<1x4095xf32>, vector<1x1xf32> -> vector<1x4096xf32>
    %slice3A_228 = vector.extract_strided_slice %slice3A_181 {offsets = [0, 1], sizes = [1, 4095], strides = [1, 1]} : vector<1x4096xf32> to vector<1x4095xf32>
    %slice3A_229 = vector.extract_strided_slice %slice3A_181 {offsets = [0, 0], sizes = [1, 1], strides = [1, 1]} : vector<1x4096xf32> to vector<1x1xf32>
    %concatenate3A_230 = tpu.concatenate %slice3A_228, %slice3A_229 in 1 : vector<1x4095xf32>, vector<1x1xf32> -> vector<1x4096xf32>
    %slice3A_231 = vector.extract_strided_slice %slice3A_179 {offsets = [0, 2], sizes = [1, 4094], strides = [1, 1]} : vector<1x4096xf32> to vector<1x4094xf32>
    %slice3A_232 = vector.extract_strided_slice %slice3A_179 {offsets = [0, 0], sizes = [1, 2], strides = [1, 1]} : vector<1x4096xf32> to vector<1x2xf32>
    %concatenate3A_233 = tpu.concatenate %slice3A_231, %slice3A_232 in 1 : vector<1x4094xf32>, vector<1x2xf32> -> vector<1x4096xf32>
    %slice3A_234 = vector.extract_strided_slice %slice3A_180 {offsets = [0, 2], sizes = [1, 4094], strides = [1, 1]} : vector<1x4096xf32> to vector<1x4094xf32>
    %slice3A_235 = vector.extract_strided_slice %slice3A_180 {offsets = [0, 0], sizes = [1, 2], strides = [1, 1]} : vector<1x4096xf32> to vector<1x2xf32>
    %concatenate3A_236 = tpu.concatenate %slice3A_234, %slice3A_235 in 1 : vector<1x4094xf32>, vector<1x2xf32> -> vector<1x4096xf32>
    %slice3A_237 = vector.extract_strided_slice %slice3A_181 {offsets = [0, 2], sizes = [1, 4094], strides = [1, 1]} : vector<1x4096xf32> to vector<1x4094xf32>
    %slice3A_238 = vector.extract_strided_slice %slice3A_181 {offsets = [0, 0], sizes = [1, 2], strides = [1, 1]} : vector<1x4096xf32> to vector<1x2xf32>
    %concatenate3A_239 = tpu.concatenate %slice3A_237, %slice3A_238 in 1 : vector<1x4094xf32>, vector<1x2xf32> -> vector<1x4096xf32>
    %mul3A_240 = arith.mulf %concatenate3A_227, %concatenate3A_239 : vector<1x4096xf32>
    %mul3A_241 = arith.mulf %concatenate3A_230, %concatenate3A_236 : vector<1x4096xf32>
    %sub3A_242 = arith.subf %mul3A_240, %mul3A_241 : vector<1x4096xf32>
    %mul3A_243 = arith.mulf %concatenate3A_230, %concatenate3A_233 : vector<1x4096xf32>
    %mul3A_244 = arith.mulf %concatenate3A_224, %concatenate3A_239 : vector<1x4096xf32>
    %sub3A_245 = arith.subf %mul3A_243, %mul3A_244 : vector<1x4096xf32>
    %mul3A_246 = arith.mulf %concatenate3A_224, %concatenate3A_236 : vector<1x4096xf32>
    %mul3A_247 = arith.mulf %concatenate3A_227, %concatenate3A_233 : vector<1x4096xf32>
    %sub3A_248 = arith.subf %mul3A_246, %mul3A_247 : vector<1x4096xf32>
    %mul3A_249 = arith.mulf %slice3A_179, %sub3A_242 : vector<1x4096xf32>
    %mul3A_250 = arith.mulf %slice3A_180, %sub3A_245 : vector<1x4096xf32>
    %add3A_251 = arith.addf %mul3A_249, %mul3A_250 : vector<1x4096xf32>
    %mul3A_252 = arith.mulf %slice3A_181, %sub3A_248 : vector<1x4096xf32>
    %add3A_253 = arith.addf %add3A_251, %mul3A_252 : vector<1x4096xf32>
    %reduce_sum3A_254 = vector.shape_cast %add3A_253 : vector<1x4096xf32> to vector<1x1x4096xf32>
    %reduce_sum3A_255 = arith.constant dense<0.000000e+00> : vector<1xf32>
    %reduce_sum3A_256 = vector.multi_reduction <add>, %reduce_sum3A_254, %reduce_sum3A_255 [1, 2] : vector<1x1x4096xf32> to vector<1xf32>
    %reduce_sum3A_257 = vector.shape_cast %reduce_sum3A_256 : vector<1xf32> to vector<1x1x1xf32>
    %reduce_sum3A_258 = vector.extract %reduce_sum3A_257[0, 0, 0] : f32 from vector<1x1x1xf32>
    %div3A_259 = arith.constant 6.000000e+00 : f32
    %div3A_260 = arith.divf %reduce_sum3A_258, %div3A_259 : f32
    %slice3A_261 = vector.extract_strided_slice %slice3A_182 {offsets = [0, 1], sizes = [1, 4095], strides = [1, 1]} : vector<1x4096xf32> to vector<1x4095xf32>
    %slice3A_262 = vector.extract_strided_slice %slice3A_182 {offsets = [0, 0], sizes = [1, 1], strides = [1, 1]} : vector<1x4096xf32> to vector<1x1xf32>
    %concatenate3A_263 = tpu.concatenate %slice3A_261, %slice3A_262 in 1 : vector<1x4095xf32>, vector<1x1xf32> -> vector<1x4096xf32>
    %slice3A_264 = vector.extract_strided_slice %slice3A_183 {offsets = [0, 1], sizes = [1, 4095], strides = [1, 1]} : vector<1x4096xf32> to vector<1x4095xf32>
    %slice3A_265 = vector.extract_strided_slice %slice3A_183 {offsets = [0, 0], sizes = [1, 1], strides = [1, 1]} : vector<1x4096xf32> to vector<1x1xf32>
    %concatenate3A_266 = tpu.concatenate %slice3A_264, %slice3A_265 in 1 : vector<1x4095xf32>, vector<1x1xf32> -> vector<1x4096xf32>
    %slice3A_267 = vector.extract_strided_slice %slice3A_184 {offsets = [0, 1], sizes = [1, 4095], strides = [1, 1]} : vector<1x4096xf32> to vector<1x4095xf32>
    %slice3A_268 = vector.extract_strided_slice %slice3A_184 {offsets = [0, 0], sizes = [1, 1], strides = [1, 1]} : vector<1x4096xf32> to vector<1x1xf32>
    %concatenate3A_269 = tpu.concatenate %slice3A_267, %slice3A_268 in 1 : vector<1x4095xf32>, vector<1x1xf32> -> vector<1x4096xf32>
    %slice3A_270 = vector.extract_strided_slice %slice3A_182 {offsets = [0, 2], sizes = [1, 4094], strides = [1, 1]} : vector<1x4096xf32> to vector<1x4094xf32>
    %slice3A_271 = vector.extract_strided_slice %slice3A_182 {offsets = [0, 0], sizes = [1, 2], strides = [1, 1]} : vector<1x4096xf32> to vector<1x2xf32>
    %concatenate3A_272 = tpu.concatenate %slice3A_270, %slice3A_271 in 1 : vector<1x4094xf32>, vector<1x2xf32> -> vector<1x4096xf32>
    %slice3A_273 = vector.extract_strided_slice %slice3A_183 {offsets = [0, 2], sizes = [1, 4094], strides = [1, 1]} : vector<1x4096xf32> to vector<1x4094xf32>
    %slice3A_274 = vector.extract_strided_slice %slice3A_183 {offsets = [0, 0], sizes = [1, 2], strides = [1, 1]} : vector<1x4096xf32> to vector<1x2xf32>
    %concatenate3A_275 = tpu.concatenate %slice3A_273, %slice3A_274 in 1 : vector<1x4094xf32>, vector<1x2xf32> -> vector<1x4096xf32>
    %slice3A_276 = vector.extract_strided_slice %slice3A_184 {offsets = [0, 2], sizes = [1, 4094], strides = [1, 1]} : vector<1x4096xf32> to vector<1x4094xf32>
    %slice3A_277 = vector.extract_strided_slice %slice3A_184 {offsets = [0, 0], sizes = [1, 2], strides = [1, 1]} : vector<1x4096xf32> to vector<1x2xf32>
    %concatenate3A_278 = tpu.concatenate %slice3A_276, %slice3A_277 in 1 : vector<1x4094xf32>, vector<1x2xf32> -> vector<1x4096xf32>
    %mul3A_279 = arith.mulf %concatenate3A_266, %concatenate3A_278 : vector<1x4096xf32>
    %mul3A_280 = arith.mulf %concatenate3A_269, %concatenate3A_275 : vector<1x4096xf32>
    %sub3A_281 = arith.subf %mul3A_279, %mul3A_280 : vector<1x4096xf32>
    %mul3A_282 = arith.mulf %concatenate3A_269, %concatenate3A_272 : vector<1x4096xf32>
    %mul3A_283 = arith.mulf %concatenate3A_263, %concatenate3A_278 : vector<1x4096xf32>
    %sub3A_284 = arith.subf %mul3A_282, %mul3A_283 : vector<1x4096xf32>
    %mul3A_285 = arith.mulf %concatenate3A_263, %concatenate3A_275 : vector<1x4096xf32>
    %mul3A_286 = arith.mulf %concatenate3A_266, %concatenate3A_272 : vector<1x4096xf32>
    %sub3A_287 = arith.subf %mul3A_285, %mul3A_286 : vector<1x4096xf32>
    %mul3A_288 = arith.mulf %slice3A_182, %sub3A_281 : vector<1x4096xf32>
    %mul3A_289 = arith.mulf %slice3A_183, %sub3A_284 : vector<1x4096xf32>
    %add3A_290 = arith.addf %mul3A_288, %mul3A_289 : vector<1x4096xf32>
    %mul3A_291 = arith.mulf %slice3A_184, %sub3A_287 : vector<1x4096xf32>
    %add3A_292 = arith.addf %add3A_290, %mul3A_291 : vector<1x4096xf32>
    %reduce_sum3A_293 = vector.shape_cast %add3A_292 : vector<1x4096xf32> to vector<1x1x4096xf32>
    %reduce_sum3A_294 = arith.constant dense<0.000000e+00> : vector<1xf32>
    %reduce_sum3A_295 = vector.multi_reduction <add>, %reduce_sum3A_293, %reduce_sum3A_294 [1, 2] : vector<1x1x4096xf32> to vector<1xf32>
    %reduce_sum3A_296 = vector.shape_cast %reduce_sum3A_295 : vector<1xf32> to vector<1x1x1xf32>
    %reduce_sum3A_297 = vector.extract %reduce_sum3A_296[0, 0, 0] : f32 from vector<1x1x1xf32>
    %div3A_298 = arith.constant 6.000000e+00 : f32
    %div3A_299 = arith.divf %reduce_sum3A_297, %div3A_298 : f32
    %sub3A_300 = arith.subf %div3A_260, %div3A_299 : f32
    %integer_pow3A_301 = arith.mulf %sub3A_300, %sub3A_300 : f32
    %add3A_302 = arith.addf %add3A_178, %integer_pow3A_301 : f32
    %slice3A_303 = vector.extract_strided_slice %get3A_54 {offsets = [6, 0], sizes = [1, 4096], strides = [1, 1]} : vector<12x4096xf32> to vector<1x4096xf32>
    %slice3A_304 = vector.extract_strided_slice %get3A_54 {offsets = [7, 0], sizes = [1, 4096], strides = [1, 1]} : vector<12x4096xf32> to vector<1x4096xf32>
    %slice3A_305 = vector.extract_strided_slice %get3A_54 {offsets = [8, 0], sizes = [1, 4096], strides = [1, 1]} : vector<12x4096xf32> to vector<1x4096xf32>
    %slice3A_306 = vector.extract_strided_slice %get3A_57 {offsets = [6, 0], sizes = [1, 4096], strides = [1, 1]} : vector<12x4096xf32> to vector<1x4096xf32>
    %slice3A_307 = vector.extract_strided_slice %get3A_57 {offsets = [7, 0], sizes = [1, 4096], strides = [1, 1]} : vector<12x4096xf32> to vector<1x4096xf32>
    %slice3A_308 = vector.extract_strided_slice %get3A_57 {offsets = [8, 0], sizes = [1, 4096], strides = [1, 1]} : vector<12x4096xf32> to vector<1x4096xf32>
    %convert_element_type3A_309 = arith.truncf %slice3A_305 : vector<1x4096xf32> to vector<1x4096xbf16>
    %convert_element_type3A_310 = arith.extf %convert_element_type3A_309 : vector<1x4096xbf16> to vector<1x4096xf32>
    %convert_element_type3A_311 = arith.truncf %slice3A_305 : vector<1x4096xf32> to vector<1x4096xbf16>
    %convert_element_type3A_312 = arith.extf %convert_element_type3A_311 : vector<1x4096xbf16> to vector<1x4096xf32>
    %mul3A_313 = arith.mulf %convert_element_type3A_310, %convert_element_type3A_312 : vector<1x4096xf32>
    %reduce_sum3A_314 = vector.shape_cast %mul3A_313 : vector<1x4096xf32> to vector<1x1x4096xf32>
    %reduce_sum3A_315 = arith.constant dense<0.000000e+00> : vector<1xf32>
    %reduce_sum3A_316 = vector.multi_reduction <add>, %reduce_sum3A_314, %reduce_sum3A_315 [1, 2] : vector<1x1x4096xf32> to vector<1xf32>
    %reduce_sum3A_317 = vector.shape_cast %reduce_sum3A_316 : vector<1xf32> to vector<1x1x1xf32>
    %reduce_sum3A_318 = vector.extract %reduce_sum3A_317[0, 0, 0] : f32 from vector<1x1x1xf32>
    %sqrt3A_319 = math.sqrt %reduce_sum3A_318 : f32
    %convert_element_type3A_320 = arith.truncf %slice3A_308 : vector<1x4096xf32> to vector<1x4096xbf16>
    %convert_element_type3A_321 = arith.extf %convert_element_type3A_320 : vector<1x4096xbf16> to vector<1x4096xf32>
    %convert_element_type3A_322 = arith.truncf %slice3A_308 : vector<1x4096xf32> to vector<1x4096xbf16>
    %convert_element_type3A_323 = arith.extf %convert_element_type3A_322 : vector<1x4096xbf16> to vector<1x4096xf32>
    %mul3A_324 = arith.mulf %convert_element_type3A_321, %convert_element_type3A_323 : vector<1x4096xf32>
    %reduce_sum3A_325 = vector.shape_cast %mul3A_324 : vector<1x4096xf32> to vector<1x1x4096xf32>
    %reduce_sum3A_326 = arith.constant dense<0.000000e+00> : vector<1xf32>
    %reduce_sum3A_327 = vector.multi_reduction <add>, %reduce_sum3A_325, %reduce_sum3A_326 [1, 2] : vector<1x1x4096xf32> to vector<1xf32>
    %reduce_sum3A_328 = vector.shape_cast %reduce_sum3A_327 : vector<1xf32> to vector<1x1x1xf32>
    %reduce_sum3A_329 = vector.extract %reduce_sum3A_328[0, 0, 0] : f32 from vector<1x1x1xf32>
    %sqrt3A_330 = math.sqrt %reduce_sum3A_329 : f32
    %sub3A_331 = arith.subf %sqrt3A_319, %sqrt3A_330 : f32
    %integer_pow3A_332 = arith.mulf %sub3A_331, %sub3A_331 : f32
    %add3A_333 = arith.addf %add3A_209, %integer_pow3A_332 : f32
    %convert_element_type3A_334 = arith.truncf %slice3A_304 : vector<1x4096xf32> to vector<1x4096xbf16>
    %convert_element_type3A_335 = arith.extf %convert_element_type3A_334 : vector<1x4096xbf16> to vector<1x4096xf32>
    %convert_element_type3A_336 = arith.truncf %slice3A_307 : vector<1x4096xf32> to vector<1x4096xbf16>
    %convert_element_type3A_337 = arith.extf %convert_element_type3A_336 : vector<1x4096xbf16> to vector<1x4096xf32>
    %sub3A_338 = arith.subf %convert_element_type3A_335, %convert_element_type3A_337 : vector<1x4096xf32>
    %integer_pow3A_339 = arith.mulf %sub3A_338, %sub3A_338 : vector<1x4096xf32>
    %reduce_sum3A_340 = vector.shape_cast %integer_pow3A_339 : vector<1x4096xf32> to vector<1x1x4096xf32>
    %reduce_sum3A_341 = arith.constant dense<0.000000e+00> : vector<1xf32>
    %reduce_sum3A_342 = vector.multi_reduction <add>, %reduce_sum3A_340, %reduce_sum3A_341 [1, 2] : vector<1x1x4096xf32> to vector<1xf32>
    %reduce_sum3A_343 = vector.shape_cast %reduce_sum3A_342 : vector<1xf32> to vector<1x1x1xf32>
    %reduce_sum3A_344 = vector.extract %reduce_sum3A_343[0, 0, 0] : f32 from vector<1x1x1xf32>
    %add3A_345 = arith.addf %add3A_221, %reduce_sum3A_344 : f32
    %slice3A_346 = vector.extract_strided_slice %slice3A_303 {offsets = [0, 1], sizes = [1, 4095], strides = [1, 1]} : vector<1x4096xf32> to vector<1x4095xf32>
    %slice3A_347 = vector.extract_strided_slice %slice3A_303 {offsets = [0, 0], sizes = [1, 1], strides = [1, 1]} : vector<1x4096xf32> to vector<1x1xf32>
    %concatenate3A_348 = tpu.concatenate %slice3A_346, %slice3A_347 in 1 : vector<1x4095xf32>, vector<1x1xf32> -> vector<1x4096xf32>
    %slice3A_349 = vector.extract_strided_slice %slice3A_304 {offsets = [0, 1], sizes = [1, 4095], strides = [1, 1]} : vector<1x4096xf32> to vector<1x4095xf32>
    %slice3A_350 = vector.extract_strided_slice %slice3A_304 {offsets = [0, 0], sizes = [1, 1], strides = [1, 1]} : vector<1x4096xf32> to vector<1x1xf32>
    %concatenate3A_351 = tpu.concatenate %slice3A_349, %slice3A_350 in 1 : vector<1x4095xf32>, vector<1x1xf32> -> vector<1x4096xf32>
    %slice3A_352 = vector.extract_strided_slice %slice3A_305 {offsets = [0, 1], sizes = [1, 4095], strides = [1, 1]} : vector<1x4096xf32> to vector<1x4095xf32>
    %slice3A_353 = vector.extract_strided_slice %slice3A_305 {offsets = [0, 0], sizes = [1, 1], strides = [1, 1]} : vector<1x4096xf32> to vector<1x1xf32>
    %concatenate3A_354 = tpu.concatenate %slice3A_352, %slice3A_353 in 1 : vector<1x4095xf32>, vector<1x1xf32> -> vector<1x4096xf32>
    %slice3A_355 = vector.extract_strided_slice %slice3A_303 {offsets = [0, 2], sizes = [1, 4094], strides = [1, 1]} : vector<1x4096xf32> to vector<1x4094xf32>
    %slice3A_356 = vector.extract_strided_slice %slice3A_303 {offsets = [0, 0], sizes = [1, 2], strides = [1, 1]} : vector<1x4096xf32> to vector<1x2xf32>
    %concatenate3A_357 = tpu.concatenate %slice3A_355, %slice3A_356 in 1 : vector<1x4094xf32>, vector<1x2xf32> -> vector<1x4096xf32>
    %slice3A_358 = vector.extract_strided_slice %slice3A_304 {offsets = [0, 2], sizes = [1, 4094], strides = [1, 1]} : vector<1x4096xf32> to vector<1x4094xf32>
    %slice3A_359 = vector.extract_strided_slice %slice3A_304 {offsets = [0, 0], sizes = [1, 2], strides = [1, 1]} : vector<1x4096xf32> to vector<1x2xf32>
    %concatenate3A_360 = tpu.concatenate %slice3A_358, %slice3A_359 in 1 : vector<1x4094xf32>, vector<1x2xf32> -> vector<1x4096xf32>
    %slice3A_361 = vector.extract_strided_slice %slice3A_305 {offsets = [0, 2], sizes = [1, 4094], strides = [1, 1]} : vector<1x4096xf32> to vector<1x4094xf32>
    %slice3A_362 = vector.extract_strided_slice %slice3A_305 {offsets = [0, 0], sizes = [1, 2], strides = [1, 1]} : vector<1x4096xf32> to vector<1x2xf32>
    %concatenate3A_363 = tpu.concatenate %slice3A_361, %slice3A_362 in 1 : vector<1x4094xf32>, vector<1x2xf32> -> vector<1x4096xf32>
    %mul3A_364 = arith.mulf %concatenate3A_351, %concatenate3A_363 : vector<1x4096xf32>
    %mul3A_365 = arith.mulf %concatenate3A_354, %concatenate3A_360 : vector<1x4096xf32>
    %sub3A_366 = arith.subf %mul3A_364, %mul3A_365 : vector<1x4096xf32>
    %mul3A_367 = arith.mulf %concatenate3A_354, %concatenate3A_357 : vector<1x4096xf32>
    %mul3A_368 = arith.mulf %concatenate3A_348, %concatenate3A_363 : vector<1x4096xf32>
    %sub3A_369 = arith.subf %mul3A_367, %mul3A_368 : vector<1x4096xf32>
    %mul3A_370 = arith.mulf %concatenate3A_348, %concatenate3A_360 : vector<1x4096xf32>
    %mul3A_371 = arith.mulf %concatenate3A_351, %concatenate3A_357 : vector<1x4096xf32>
    %sub3A_372 = arith.subf %mul3A_370, %mul3A_371 : vector<1x4096xf32>
    %mul3A_373 = arith.mulf %slice3A_303, %sub3A_366 : vector<1x4096xf32>
    %mul3A_374 = arith.mulf %slice3A_304, %sub3A_369 : vector<1x4096xf32>
    %add3A_375 = arith.addf %mul3A_373, %mul3A_374 : vector<1x4096xf32>
    %mul3A_376 = arith.mulf %slice3A_305, %sub3A_372 : vector<1x4096xf32>
    %add3A_377 = arith.addf %add3A_375, %mul3A_376 : vector<1x4096xf32>
    %reduce_sum3A_378 = vector.shape_cast %add3A_377 : vector<1x4096xf32> to vector<1x1x4096xf32>
    %reduce_sum3A_379 = arith.constant dense<0.000000e+00> : vector<1xf32>
    %reduce_sum3A_380 = vector.multi_reduction <add>, %reduce_sum3A_378, %reduce_sum3A_379 [1, 2] : vector<1x1x4096xf32> to vector<1xf32>
    %reduce_sum3A_381 = vector.shape_cast %reduce_sum3A_380 : vector<1xf32> to vector<1x1x1xf32>
    %reduce_sum3A_382 = vector.extract %reduce_sum3A_381[0, 0, 0] : f32 from vector<1x1x1xf32>
    %div3A_383 = arith.constant 6.000000e+00 : f32
    %div3A_384 = arith.divf %reduce_sum3A_382, %div3A_383 : f32
    %slice3A_385 = vector.extract_strided_slice %slice3A_306 {offsets = [0, 1], sizes = [1, 4095], strides = [1, 1]} : vector<1x4096xf32> to vector<1x4095xf32>
    %slice3A_386 = vector.extract_strided_slice %slice3A_306 {offsets = [0, 0], sizes = [1, 1], strides = [1, 1]} : vector<1x4096xf32> to vector<1x1xf32>
    %concatenate3A_387 = tpu.concatenate %slice3A_385, %slice3A_386 in 1 : vector<1x4095xf32>, vector<1x1xf32> -> vector<1x4096xf32>
    %slice3A_388 = vector.extract_strided_slice %slice3A_307 {offsets = [0, 1], sizes = [1, 4095], strides = [1, 1]} : vector<1x4096xf32> to vector<1x4095xf32>
    %slice3A_389 = vector.extract_strided_slice %slice3A_307 {offsets = [0, 0], sizes = [1, 1], strides = [1, 1]} : vector<1x4096xf32> to vector<1x1xf32>
    %concatenate3A_390 = tpu.concatenate %slice3A_388, %slice3A_389 in 1 : vector<1x4095xf32>, vector<1x1xf32> -> vector<1x4096xf32>
    %slice3A_391 = vector.extract_strided_slice %slice3A_308 {offsets = [0, 1], sizes = [1, 4095], strides = [1, 1]} : vector<1x4096xf32> to vector<1x4095xf32>
    %slice3A_392 = vector.extract_strided_slice %slice3A_308 {offsets = [0, 0], sizes = [1, 1], strides = [1, 1]} : vector<1x4096xf32> to vector<1x1xf32>
    %concatenate3A_393 = tpu.concatenate %slice3A_391, %slice3A_392 in 1 : vector<1x4095xf32>, vector<1x1xf32> -> vector<1x4096xf32>
    %slice3A_394 = vector.extract_strided_slice %slice3A_306 {offsets = [0, 2], sizes = [1, 4094], strides = [1, 1]} : vector<1x4096xf32> to vector<1x4094xf32>
    %slice3A_395 = vector.extract_strided_slice %slice3A_306 {offsets = [0, 0], sizes = [1, 2], strides = [1, 1]} : vector<1x4096xf32> to vector<1x2xf32>
    %concatenate3A_396 = tpu.concatenate %slice3A_394, %slice3A_395 in 1 : vector<1x4094xf32>, vector<1x2xf32> -> vector<1x4096xf32>
    %slice3A_397 = vector.extract_strided_slice %slice3A_307 {offsets = [0, 2], sizes = [1, 4094], strides = [1, 1]} : vector<1x4096xf32> to vector<1x4094xf32>
    %slice3A_398 = vector.extract_strided_slice %slice3A_307 {offsets = [0, 0], sizes = [1, 2], strides = [1, 1]} : vector<1x4096xf32> to vector<1x2xf32>
    %concatenate3A_399 = tpu.concatenate %slice3A_397, %slice3A_398 in 1 : vector<1x4094xf32>, vector<1x2xf32> -> vector<1x4096xf32>
    %slice3A_400 = vector.extract_strided_slice %slice3A_308 {offsets = [0, 2], sizes = [1, 4094], strides = [1, 1]} : vector<1x4096xf32> to vector<1x4094xf32>
    %slice3A_401 = vector.extract_strided_slice %slice3A_308 {offsets = [0, 0], sizes = [1, 2], strides = [1, 1]} : vector<1x4096xf32> to vector<1x2xf32>
    %concatenate3A_402 = tpu.concatenate %slice3A_400, %slice3A_401 in 1 : vector<1x4094xf32>, vector<1x2xf32> -> vector<1x4096xf32>
    %mul3A_403 = arith.mulf %concatenate3A_390, %concatenate3A_402 : vector<1x4096xf32>
    %mul3A_404 = arith.mulf %concatenate3A_393, %concatenate3A_399 : vector<1x4096xf32>
    %sub3A_405 = arith.subf %mul3A_403, %mul3A_404 : vector<1x4096xf32>
    %mul3A_406 = arith.mulf %concatenate3A_393, %concatenate3A_396 : vector<1x4096xf32>
    %mul3A_407 = arith.mulf %concatenate3A_387, %concatenate3A_402 : vector<1x4096xf32>
    %sub3A_408 = arith.subf %mul3A_406, %mul3A_407 : vector<1x4096xf32>
    %mul3A_409 = arith.mulf %concatenate3A_387, %concatenate3A_399 : vector<1x4096xf32>
    %mul3A_410 = arith.mulf %concatenate3A_390, %concatenate3A_396 : vector<1x4096xf32>
    %sub3A_411 = arith.subf %mul3A_409, %mul3A_410 : vector<1x4096xf32>
    %mul3A_412 = arith.mulf %slice3A_306, %sub3A_405 : vector<1x4096xf32>
    %mul3A_413 = arith.mulf %slice3A_307, %sub3A_408 : vector<1x4096xf32>
    %add3A_414 = arith.addf %mul3A_412, %mul3A_413 : vector<1x4096xf32>
    %mul3A_415 = arith.mulf %slice3A_308, %sub3A_411 : vector<1x4096xf32>
    %add3A_416 = arith.addf %add3A_414, %mul3A_415 : vector<1x4096xf32>
    %reduce_sum3A_417 = vector.shape_cast %add3A_416 : vector<1x4096xf32> to vector<1x1x4096xf32>
    %reduce_sum3A_418 = arith.constant dense<0.000000e+00> : vector<1xf32>
    %reduce_sum3A_419 = vector.multi_reduction <add>, %reduce_sum3A_417, %reduce_sum3A_418 [1, 2] : vector<1x1x4096xf32> to vector<1xf32>
    %reduce_sum3A_420 = vector.shape_cast %reduce_sum3A_419 : vector<1xf32> to vector<1x1x1xf32>
    %reduce_sum3A_421 = vector.extract %reduce_sum3A_420[0, 0, 0] : f32 from vector<1x1x1xf32>
    %div3A_422 = arith.constant 6.000000e+00 : f32
    %div3A_423 = arith.divf %reduce_sum3A_421, %div3A_422 : f32
    %sub3A_424 = arith.subf %div3A_384, %div3A_423 : f32
    %integer_pow3A_425 = arith.mulf %sub3A_424, %sub3A_424 : f32
    %add3A_426 = arith.addf %add3A_302, %integer_pow3A_425 : f32
    %slice3A_427 = vector.extract_strided_slice %get3A_54 {offsets = [9, 0], sizes = [1, 4096], strides = [1, 1]} : vector<12x4096xf32> to vector<1x4096xf32>
    %slice3A_428 = vector.extract_strided_slice %get3A_54 {offsets = [10, 0], sizes = [1, 4096], strides = [1, 1]} : vector<12x4096xf32> to vector<1x4096xf32>
    %slice3A_429 = vector.extract_strided_slice %get3A_54 {offsets = [11, 0], sizes = [1, 4096], strides = [1, 1]} : vector<12x4096xf32> to vector<1x4096xf32>
    %slice3A_430 = vector.extract_strided_slice %get3A_57 {offsets = [9, 0], sizes = [1, 4096], strides = [1, 1]} : vector<12x4096xf32> to vector<1x4096xf32>
    %slice3A_431 = vector.extract_strided_slice %get3A_57 {offsets = [10, 0], sizes = [1, 4096], strides = [1, 1]} : vector<12x4096xf32> to vector<1x4096xf32>
    %slice3A_432 = vector.extract_strided_slice %get3A_57 {offsets = [11, 0], sizes = [1, 4096], strides = [1, 1]} : vector<12x4096xf32> to vector<1x4096xf32>
    %convert_element_type3A_433 = arith.truncf %slice3A_429 : vector<1x4096xf32> to vector<1x4096xbf16>
    %convert_element_type3A_434 = arith.extf %convert_element_type3A_433 : vector<1x4096xbf16> to vector<1x4096xf32>
    %convert_element_type3A_435 = arith.truncf %slice3A_429 : vector<1x4096xf32> to vector<1x4096xbf16>
    %convert_element_type3A_436 = arith.extf %convert_element_type3A_435 : vector<1x4096xbf16> to vector<1x4096xf32>
    %mul3A_437 = arith.mulf %convert_element_type3A_434, %convert_element_type3A_436 : vector<1x4096xf32>
    %reduce_sum3A_438 = vector.shape_cast %mul3A_437 : vector<1x4096xf32> to vector<1x1x4096xf32>
    %reduce_sum3A_439 = arith.constant dense<0.000000e+00> : vector<1xf32>
    %reduce_sum3A_440 = vector.multi_reduction <add>, %reduce_sum3A_438, %reduce_sum3A_439 [1, 2] : vector<1x1x4096xf32> to vector<1xf32>
    %reduce_sum3A_441 = vector.shape_cast %reduce_sum3A_440 : vector<1xf32> to vector<1x1x1xf32>
    %reduce_sum3A_442 = vector.extract %reduce_sum3A_441[0, 0, 0] : f32 from vector<1x1x1xf32>
    %sqrt3A_443 = math.sqrt %reduce_sum3A_442 : f32
    %convert_element_type3A_444 = arith.truncf %slice3A_432 : vector<1x4096xf32> to vector<1x4096xbf16>
    %convert_element_type3A_445 = arith.extf %convert_element_type3A_444 : vector<1x4096xbf16> to vector<1x4096xf32>
    %convert_element_type3A_446 = arith.truncf %slice3A_432 : vector<1x4096xf32> to vector<1x4096xbf16>
    %convert_element_type3A_447 = arith.extf %convert_element_type3A_446 : vector<1x4096xbf16> to vector<1x4096xf32>
    %mul3A_448 = arith.mulf %convert_element_type3A_445, %convert_element_type3A_447 : vector<1x4096xf32>
    %reduce_sum3A_449 = vector.shape_cast %mul3A_448 : vector<1x4096xf32> to vector<1x1x4096xf32>
    %reduce_sum3A_450 = arith.constant dense<0.000000e+00> : vector<1xf32>
    %reduce_sum3A_451 = vector.multi_reduction <add>, %reduce_sum3A_449, %reduce_sum3A_450 [1, 2] : vector<1x1x4096xf32> to vector<1xf32>
    %reduce_sum3A_452 = vector.shape_cast %reduce_sum3A_451 : vector<1xf32> to vector<1x1x1xf32>
    %reduce_sum3A_453 = vector.extract %reduce_sum3A_452[0, 0, 0] : f32 from vector<1x1x1xf32>
    %sqrt3A_454 = math.sqrt %reduce_sum3A_453 : f32
    %sub3A_455 = arith.subf %sqrt3A_443, %sqrt3A_454 : f32
    %integer_pow3A_456 = arith.mulf %sub3A_455, %sub3A_455 : f32
    %add3A_457 = arith.addf %add3A_333, %integer_pow3A_456 : f32
    %convert_element_type3A_458 = arith.truncf %slice3A_428 : vector<1x4096xf32> to vector<1x4096xbf16>
    %convert_element_type3A_459 = arith.extf %convert_element_type3A_458 : vector<1x4096xbf16> to vector<1x4096xf32>
    %convert_element_type3A_460 = arith.truncf %slice3A_431 : vector<1x4096xf32> to vector<1x4096xbf16>
    %convert_element_type3A_461 = arith.extf %convert_element_type3A_460 : vector<1x4096xbf16> to vector<1x4096xf32>
    %sub3A_462 = arith.subf %convert_element_type3A_459, %convert_element_type3A_461 : vector<1x4096xf32>
    %integer_pow3A_463 = arith.mulf %sub3A_462, %sub3A_462 : vector<1x4096xf32>
    %reduce_sum3A_464 = vector.shape_cast %integer_pow3A_463 : vector<1x4096xf32> to vector<1x1x4096xf32>
    %reduce_sum3A_465 = arith.constant dense<0.000000e+00> : vector<1xf32>
    %reduce_sum3A_466 = vector.multi_reduction <add>, %reduce_sum3A_464, %reduce_sum3A_465 [1, 2] : vector<1x1x4096xf32> to vector<1xf32>
    %reduce_sum3A_467 = vector.shape_cast %reduce_sum3A_466 : vector<1xf32> to vector<1x1x1xf32>
    %reduce_sum3A_468 = vector.extract %reduce_sum3A_467[0, 0, 0] : f32 from vector<1x1x1xf32>
    %add3A_469 = arith.addf %add3A_345, %reduce_sum3A_468 : f32
    %slice3A_470 = vector.extract_strided_slice %slice3A_427 {offsets = [0, 1], sizes = [1, 4095], strides = [1, 1]} : vector<1x4096xf32> to vector<1x4095xf32>
    %slice3A_471 = vector.extract_strided_slice %slice3A_427 {offsets = [0, 0], sizes = [1, 1], strides = [1, 1]} : vector<1x4096xf32> to vector<1x1xf32>
    %concatenate3A_472 = tpu.concatenate %slice3A_470, %slice3A_471 in 1 : vector<1x4095xf32>, vector<1x1xf32> -> vector<1x4096xf32>
    %slice3A_473 = vector.extract_strided_slice %slice3A_428 {offsets = [0, 1], sizes = [1, 4095], strides = [1, 1]} : vector<1x4096xf32> to vector<1x4095xf32>
    %slice3A_474 = vector.extract_strided_slice %slice3A_428 {offsets = [0, 0], sizes = [1, 1], strides = [1, 1]} : vector<1x4096xf32> to vector<1x1xf32>
    %concatenate3A_475 = tpu.concatenate %slice3A_473, %slice3A_474 in 1 : vector<1x4095xf32>, vector<1x1xf32> -> vector<1x4096xf32>
    %slice3A_476 = vector.extract_strided_slice %slice3A_429 {offsets = [0, 1], sizes = [1, 4095], strides = [1, 1]} : vector<1x4096xf32> to vector<1x4095xf32>
    %slice3A_477 = vector.extract_strided_slice %slice3A_429 {offsets = [0, 0], sizes = [1, 1], strides = [1, 1]} : vector<1x4096xf32> to vector<1x1xf32>
    %concatenate3A_478 = tpu.concatenate %slice3A_476, %slice3A_477 in 1 : vector<1x4095xf32>, vector<1x1xf32> -> vector<1x4096xf32>
    %slice3A_479 = vector.extract_strided_slice %slice3A_427 {offsets = [0, 2], sizes = [1, 4094], strides = [1, 1]} : vector<1x4096xf32> to vector<1x4094xf32>
    %slice3A_480 = vector.extract_strided_slice %slice3A_427 {offsets = [0, 0], sizes = [1, 2], strides = [1, 1]} : vector<1x4096xf32> to vector<1x2xf32>
    %concatenate3A_481 = tpu.concatenate %slice3A_479, %slice3A_480 in 1 : vector<1x4094xf32>, vector<1x2xf32> -> vector<1x4096xf32>
    %slice3A_482 = vector.extract_strided_slice %slice3A_428 {offsets = [0, 2], sizes = [1, 4094], strides = [1, 1]} : vector<1x4096xf32> to vector<1x4094xf32>
    %slice3A_483 = vector.extract_strided_slice %slice3A_428 {offsets = [0, 0], sizes = [1, 2], strides = [1, 1]} : vector<1x4096xf32> to vector<1x2xf32>
    %concatenate3A_484 = tpu.concatenate %slice3A_482, %slice3A_483 in 1 : vector<1x4094xf32>, vector<1x2xf32> -> vector<1x4096xf32>
    %slice3A_485 = vector.extract_strided_slice %slice3A_429 {offsets = [0, 2], sizes = [1, 4094], strides = [1, 1]} : vector<1x4096xf32> to vector<1x4094xf32>
    %slice3A_486 = vector.extract_strided_slice %slice3A_429 {offsets = [0, 0], sizes = [1, 2], strides = [1, 1]} : vector<1x4096xf32> to vector<1x2xf32>
    %concatenate3A_487 = tpu.concatenate %slice3A_485, %slice3A_486 in 1 : vector<1x4094xf32>, vector<1x2xf32> -> vector<1x4096xf32>
    %mul3A_488 = arith.mulf %concatenate3A_475, %concatenate3A_487 : vector<1x4096xf32>
    %mul3A_489 = arith.mulf %concatenate3A_478, %concatenate3A_484 : vector<1x4096xf32>
    %sub3A_490 = arith.subf %mul3A_488, %mul3A_489 : vector<1x4096xf32>
    %mul3A_491 = arith.mulf %concatenate3A_478, %concatenate3A_481 : vector<1x4096xf32>
    %mul3A_492 = arith.mulf %concatenate3A_472, %concatenate3A_487 : vector<1x4096xf32>
    %sub3A_493 = arith.subf %mul3A_491, %mul3A_492 : vector<1x4096xf32>
    %mul3A_494 = arith.mulf %concatenate3A_472, %concatenate3A_484 : vector<1x4096xf32>
    %mul3A_495 = arith.mulf %concatenate3A_475, %concatenate3A_481 : vector<1x4096xf32>
    %sub3A_496 = arith.subf %mul3A_494, %mul3A_495 : vector<1x4096xf32>
    %mul3A_497 = arith.mulf %slice3A_427, %sub3A_490 : vector<1x4096xf32>
    %mul3A_498 = arith.mulf %slice3A_428, %sub3A_493 : vector<1x4096xf32>
    %add3A_499 = arith.addf %mul3A_497, %mul3A_498 : vector<1x4096xf32>
    %mul3A_500 = arith.mulf %slice3A_429, %sub3A_496 : vector<1x4096xf32>
    %add3A_501 = arith.addf %add3A_499, %mul3A_500 : vector<1x4096xf32>
    %reduce_sum3A_502 = vector.shape_cast %add3A_501 : vector<1x4096xf32> to vector<1x1x4096xf32>
    %reduce_sum3A_503 = arith.constant dense<0.000000e+00> : vector<1xf32>
    %reduce_sum3A_504 = vector.multi_reduction <add>, %reduce_sum3A_502, %reduce_sum3A_503 [1, 2] : vector<1x1x4096xf32> to vector<1xf32>
    %reduce_sum3A_505 = vector.shape_cast %reduce_sum3A_504 : vector<1xf32> to vector<1x1x1xf32>
    %reduce_sum3A_506 = vector.extract %reduce_sum3A_505[0, 0, 0] : f32 from vector<1x1x1xf32>
    %div3A_507 = arith.constant 6.000000e+00 : f32
    %div3A_508 = arith.divf %reduce_sum3A_506, %div3A_507 : f32
    %slice3A_509 = vector.extract_strided_slice %slice3A_430 {offsets = [0, 1], sizes = [1, 4095], strides = [1, 1]} : vector<1x4096xf32> to vector<1x4095xf32>
    %slice3A_510 = vector.extract_strided_slice %slice3A_430 {offsets = [0, 0], sizes = [1, 1], strides = [1, 1]} : vector<1x4096xf32> to vector<1x1xf32>
    %concatenate3A_511 = tpu.concatenate %slice3A_509, %slice3A_510 in 1 : vector<1x4095xf32>, vector<1x1xf32> -> vector<1x4096xf32>
    %slice3A_512 = vector.extract_strided_slice %slice3A_431 {offsets = [0, 1], sizes = [1, 4095], strides = [1, 1]} : vector<1x4096xf32> to vector<1x4095xf32>
    %slice3A_513 = vector.extract_strided_slice %slice3A_431 {offsets = [0, 0], sizes = [1, 1], strides = [1, 1]} : vector<1x4096xf32> to vector<1x1xf32>
    %concatenate3A_514 = tpu.concatenate %slice3A_512, %slice3A_513 in 1 : vector<1x4095xf32>, vector<1x1xf32> -> vector<1x4096xf32>
    %slice3A_515 = vector.extract_strided_slice %slice3A_432 {offsets = [0, 1], sizes = [1, 4095], strides = [1, 1]} : vector<1x4096xf32> to vector<1x4095xf32>
    %slice3A_516 = vector.extract_strided_slice %slice3A_432 {offsets = [0, 0], sizes = [1, 1], strides = [1, 1]} : vector<1x4096xf32> to vector<1x1xf32>
    %concatenate3A_517 = tpu.concatenate %slice3A_515, %slice3A_516 in 1 : vector<1x4095xf32>, vector<1x1xf32> -> vector<1x4096xf32>
    %slice3A_518 = vector.extract_strided_slice %slice3A_430 {offsets = [0, 2], sizes = [1, 4094], strides = [1, 1]} : vector<1x4096xf32> to vector<1x4094xf32>
    %slice3A_519 = vector.extract_strided_slice %slice3A_430 {offsets = [0, 0], sizes = [1, 2], strides = [1, 1]} : vector<1x4096xf32> to vector<1x2xf32>
    %concatenate3A_520 = tpu.concatenate %slice3A_518, %slice3A_519 in 1 : vector<1x4094xf32>, vector<1x2xf32> -> vector<1x4096xf32>
    %slice3A_521 = vector.extract_strided_slice %slice3A_431 {offsets = [0, 2], sizes = [1, 4094], strides = [1, 1]} : vector<1x4096xf32> to vector<1x4094xf32>
    %slice3A_522 = vector.extract_strided_slice %slice3A_431 {offsets = [0, 0], sizes = [1, 2], strides = [1, 1]} : vector<1x4096xf32> to vector<1x2xf32>
    %concatenate3A_523 = tpu.concatenate %slice3A_521, %slice3A_522 in 1 : vector<1x4094xf32>, vector<1x2xf32> -> vector<1x4096xf32>
    %slice3A_524 = vector.extract_strided_slice %slice3A_432 {offsets = [0, 2], sizes = [1, 4094], strides = [1, 1]} : vector<1x4096xf32> to vector<1x4094xf32>
    %slice3A_525 = vector.extract_strided_slice %slice3A_432 {offsets = [0, 0], sizes = [1, 2], strides = [1, 1]} : vector<1x4096xf32> to vector<1x2xf32>
    %concatenate3A_526 = tpu.concatenate %slice3A_524, %slice3A_525 in 1 : vector<1x4094xf32>, vector<1x2xf32> -> vector<1x4096xf32>
    %mul3A_527 = arith.mulf %concatenate3A_514, %concatenate3A_526 : vector<1x4096xf32>
    %mul3A_528 = arith.mulf %concatenate3A_517, %concatenate3A_523 : vector<1x4096xf32>
    %sub3A_529 = arith.subf %mul3A_527, %mul3A_528 : vector<1x4096xf32>
    %mul3A_530 = arith.mulf %concatenate3A_517, %concatenate3A_520 : vector<1x4096xf32>
    %mul3A_531 = arith.mulf %concatenate3A_511, %concatenate3A_526 : vector<1x4096xf32>
    %sub3A_532 = arith.subf %mul3A_530, %mul3A_531 : vector<1x4096xf32>
    %mul3A_533 = arith.mulf %concatenate3A_511, %concatenate3A_523 : vector<1x4096xf32>
    %mul3A_534 = arith.mulf %concatenate3A_514, %concatenate3A_520 : vector<1x4096xf32>
    %sub3A_535 = arith.subf %mul3A_533, %mul3A_534 : vector<1x4096xf32>
    %mul3A_536 = arith.mulf %slice3A_430, %sub3A_529 : vector<1x4096xf32>
    %mul3A_537 = arith.mulf %slice3A_431, %sub3A_532 : vector<1x4096xf32>
    %add3A_538 = arith.addf %mul3A_536, %mul3A_537 : vector<1x4096xf32>
    %mul3A_539 = arith.mulf %slice3A_432, %sub3A_535 : vector<1x4096xf32>
    %add3A_540 = arith.addf %add3A_538, %mul3A_539 : vector<1x4096xf32>
    %reduce_sum3A_541 = vector.shape_cast %add3A_540 : vector<1x4096xf32> to vector<1x1x4096xf32>
    %reduce_sum3A_542 = arith.constant dense<0.000000e+00> : vector<1xf32>
    %reduce_sum3A_543 = vector.multi_reduction <add>, %reduce_sum3A_541, %reduce_sum3A_542 [1, 2] : vector<1x1x4096xf32> to vector<1xf32>
    %reduce_sum3A_544 = vector.shape_cast %reduce_sum3A_543 : vector<1xf32> to vector<1x1x1xf32>
    %reduce_sum3A_545 = vector.extract %reduce_sum3A_544[0, 0, 0] : f32 from vector<1x1x1xf32>
    %div3A_546 = arith.constant 6.000000e+00 : f32
    %div3A_547 = arith.divf %reduce_sum3A_545, %div3A_546 : f32
    %sub3A_548 = arith.subf %div3A_508, %div3A_547 : f32
    %integer_pow3A_549 = arith.mulf %sub3A_548, %sub3A_548 : f32
    %add3A_550 = arith.addf %add3A_426, %integer_pow3A_549 : f32
    %div3A_551 = arith.constant 4.000000e+00 : f32
    %div3A_552 = arith.divf %add3A_457, %div3A_551 : f32
    %mul3A_553 = arith.constant 6.10351563E-5 : f32
    %mul3A_554 = arith.mulf %add3A_469, %mul3A_553 : f32
    %add3A_555 = arith.addf %div3A_552, %mul3A_554 : f32
    %add3A_556 = arith.addf %add3A_555, %mul3A_22 : f32
    %add3A_557 = arith.addf %add3A_556, %mul3A_51 : f32
    %div3A_558 = arith.constant 4.000000e+00 : f32
    %div3A_559 = arith.divf %add3A_550, %div3A_558 : f32
    %add3A_560 = arith.addf %add3A_557, %div3A_559 : f32
    %reshape3A = vector.broadcast %add3A_560 : f32 to vector<1x1xf32>
    %swap3A = arith.constant 0 : index
    %swap3A_561 = arith.constant 0 : index
    %swap3A_562 = vector.load %arg6[%swap3A, %swap3A_561] : memref<1x1xf32, #tpu.memory_space<vmem>>, vector<1x1xf32>
    tpu.vector_store %arg6[%swap3A, %swap3A_561], %reshape3A {strides = array<i32>} : memref<1x1xf32, #tpu.memory_space<vmem>>, vector<1x1xf32>,
    return
  }
}

</mosaic_0001>

<sc_bundles>
// kernel: kernel.6.cloned.1.call-start
scs
__scs_entry_jumppad:
0x0: {  	(pc) =	sbr.rel $0x88, $3  }
0x1: {  	(tag) =	ssettag $0x0;
	lr =	simm.s32 $0x1  }
0x2: {  	[smem:$0x3F9F] =	sst lr;
	_ =	strace $0xD0000000  }
0x3: {  	_ = 	snop  }
0x4: {  	_ = 	snop  }
0x5: {  	_ = 	snop  }
0x6: {  	_ = 	snop  }
0x7: {  	_ = 	snop  }
__scs_overlays_trampoline_lowered:
0x8: {  	[smem:$0x3FAE] =	sst s0  }
0x9: {  	[smem:$0x3FAF] =	sst s1  }
0xa: {  	[smem:$0x3FB0] =	sst s2  }
0xb: {  	[smem:$0x3FB1] =	sst s3  }
0xc: {  	[smem:$0x3FB2] =	sst s4  }
0xd: {  	[smem:$0x3FB3] =	sst s5  }
0xe: {  	[smem:$0x3FB4] =	sst s6  }
0xf: {  	[smem:$0x3FB5] =	sst s7  }
0x10: {  	[smem:$0x3FB6] =	sst s8  }
0x11: {  	[smem:$0x3FB7] =	sst s9;
	s0 =	simm.s32 @!p0 $0x0  }
0x12: {  	s1 =	sld [smem:$0x3F9D];
	s0 =	simm.s32 @p0 $0x1  }
0x13: {  	[smem:$0x3FB8] =	sst s0;
	s0 =	simm.s32 @!p1 $0x0  }
0x14: {  	s2 =	sld [smem:$0x3F9C];
	s0 =	simm.s32 @p1 $0x1  }
0x15: {  	[smem:$0x3FB9] =	sst s0;
	s0 =	simm.s32 @!p2 $0x0  }
0x16: {  	s3 =	sld [smem:$0x3FDB];
	s0 =	simm.s32 @p2 $0x1  }
0x17: {  	s4 =	simm.s32 $0x1BF5;
	[smem:$0x3FBB] =	sst s0  }
0x18: {  	s0 =	sld [smem:$0x3F9E];
	_ =	swait.ge [sflag:s4], $0x0  }
0x19: {  	s7 =	sld [smem:$0x3F9F]  }
0x1a: {  	s8 =	sadd.s32 $0xFFFFE003, lr  }
0x1b: {  	s9 =	sadd.s32 $0xFFFFFEF7, lr;
	s5 =	simm.s32 $0xFFFFFFFF;
	p2 =	slt.u32 s8, $0xFFFFF086  }
0x1c: {  	p1 =	slt.u32 s9, $0xF7A;
	s5 =	simm.s32 @!p2 $0x0  }
0x1d: {  	s5 =	simm.s32 @p1 $0x1;
	p0 =	seq.s32 s7, s2  }
0x1e: {  	s7 =	smul.u32 @!p0 $0xF7A, s2;
	p2 =	seq.s32 @!p0 s5, $0x0  }
0x1f: {  	s9 =	smul.u32 $0xF7A, s1;
	s8 =	simm.s32 @!p0 $0x1BF5;
	p2 =	por !p2, p0  }
0x20: {  	[sflag:s8] =	ssyncset.s32 @!p0 $0xFFFFF086;
	s6 =	sadd.s32 @!p0 s3, s7;
	s7 =	simm.s32 @!p0 $0x108  }
0x21: {  	s3 =	sadd.s32 s3, s9;
	s6 =	sadd.s32 @!p0 $0x88, s6;
	s7 =	simm.s32 @p2 $0x1082  }
0x22: {  	[simem:s7], [sflag:s8] =	dma.local @!p0 [hbm:s6], $0xF7A  }
0x23: {  	s9 =	sor.u32 $0xD0000000, s2;
	s6 =	simm.s32 $0x108;
	_ =	swait.ge @!p0 [sflag:s8], $0x0  }
0x24: {  	s3 =	sadd.s32 $0x88, s3;
	s6 =	simm.s32 @!p1 $0x1082;
	[sflag:s4] =	ssyncset.s32 $0xFFFFF086  }
0x25: {  	[simem:s6], [sflag:s4] =	dma.local [hbm:s3], $0xF7A  }
0x26: {  	[smem:$0x3F9F] =	sst s1;
	(tag) =	ssettag s2;
	_ =	strace s9  }
0x27: {  	s1 =	sld [smem:$0x3FAF]  }
0x28: {  	s2 =	sld [smem:$0x3FB0]  }
0x29: {  	s4 =	sld [smem:$0x3FB2]  }
0x2a: {  	p0 =	seq.s32 s5, $0x0;
	s5 =	sld [smem:$0x3FB3]  }
0x2b: {  	s6 =	sld [smem:$0x3FB4]  }
0x2c: {  	s7 =	sld [smem:$0x3FB5]  }
0x2d: {  	s3 =	simm.s32 $0x108;
	s8 =	sld [smem:$0x3FB6]  }
0x2e: {  	s3 =	simm.s32 @!p0 $0x1082;
	s9 =	sld [smem:$0x3FB7]  }
0x2f: {  	lr =	sadd.s32 s0, s3;
	s0 =	sld [smem:$0x3FAE]  }
0x30: {  	s3 =	sld [smem:$0x3FB1]  }
0x31: {  	[smem:$0x3FBA] =	sst s10  }
0x32: {  	s10 =	sld [smem:$0x3FB8];
	_ =	sdelay $0x3  }
0x33: {  	p0 =	seq.s32 s10, $0x1;
	s10 =	sld [smem:$0x3FBA];
	_ =	sdelay $0x3  }
0x34: {  	[smem:$0x3FBA] =	sst s10  }
0x35: {  	s10 =	sld [smem:$0x3FB9];
	_ =	sdelay $0x3  }
0x36: {  	p1 =	seq.s32 s10, $0x1;
	s10 =	sld [smem:$0x3FBA];
	_ =	sdelay $0x3  }
0x37: {  	[smem:$0x3FBA] =	sst s10  }
0x38: {  	s10 =	sld [smem:$0x3FBB]  }
0x39: {  	_ = 	snop;
	(pc) =	sbr.ind lr, $3  }
0x3a: {  	_ = 	snop  }
0x3b: {  	_ = 	snop  }
0x3c: {  	p2 =	seq.s32 s10, $0x1;
	s10 =	sld [smem:$0x3FBA]  }
0x3d: {  	_ =	shalt  }
0x3e: {  	_ =	shalt  }
0x3f: {  	_ =	shalt  }
0x40: {  	_ =	shalt  }
0x41: {  	_ =	shalt  }
0x42: {  	_ =	shalt  }
0x43: {  	_ =	shalt  }
0x44: {  	_ =	shalt  }
0x45: {  	_ =	shalt  }
0x46: {  	_ =	shalt  }
0x47: {  	_ =	shalt  }
0x48: {  	_ =	shalt  }
0x49: {  	_ =	shalt  }
0x4a: {  	_ =	shalt  }
0x4b: {  	_ =	shalt  }
0x4c: {  	_ =	shalt  }
0x4d: {  	_ =	shalt  }
0x4e: {  	_ =	shalt  }
0x4f: {  	_ =	shalt  }
0x50: {  	_ =	shalt  }
0x51: {  	_ =	shalt  }
0x52: {  	_ =	shalt  }
0x53: {  	_ =	shalt  }
0x54: {  	_ =	shalt  }
0x55: {  	_ =	shalt  }
0x56: {  	_ =	shalt  }
0x57: {  	_ =	shalt  }
0x58: {  	_ =	shalt  }
0x59: {  	_ =	shalt  }
0x5a: {  	_ =	shalt  }
0x5b: {  	_ =	shalt  }
0x5c: {  	_ =	shalt  }
0x5d: {  	_ =	shalt  }
0x5e: {  	_ =	shalt  }
0x5f: {  	_ =	shalt  }
0x60: {  	_ =	shalt  }
0x61: {  	_ =	shalt  }
0x62: {  	_ =	shalt  }
0x63: {  	_ =	shalt  }
0x64: {  	_ =	shalt  }
0x65: {  	_ =	shalt  }
0x66: {  	_ =	shalt  }
0x67: {  	_ =	shalt  }
0x68: {  	_ =	shalt  }
0x69: {  	_ =	shalt  }
0x6a: {  	_ =	shalt  }
0x6b: {  	_ =	shalt  }
0x6c: {  	_ =	shalt  }
0x6d: {  	_ =	shalt  }
0x6e: {  	_ =	shalt  }
0x6f: {  	_ =	shalt  }
0x70: {  	_ =	shalt  }
0x71: {  	_ =	shalt  }
0x72: {  	_ =	shalt  }
0x73: {  	_ =	shalt  }
0x74: {  	_ =	shalt  }
0x75: {  	_ =	shalt  }
0x76: {  	_ =	shalt  }
0x77: {  	_ =	shalt  }
0x78: {  	_ =	shalt  }
0x79: {  	_ =	shalt  }
0x7a: {  	_ =	shalt  }
0x7b: {  	_ =	shalt  }
0x7c: {  	_ =	shalt  }
0x7d: {  	_ =	shalt  }
0x7e: {  	_ =	shalt  }
0x7f: {  	_ =	shalt  }
0x80: {  	_ =	shalt  }
0x81: {  	_ =	shalt  }
0x82: {  	_ =	shalt  }
0x83: {  	_ =	shalt  }
0x84: {  	_ =	shalt  }
0x85: {  	_ =	shalt  }
0x86: {  	_ =	shalt  }
0x87: {  	_ =	shalt  }
.Lfunc_end0:
.L_simem_size_0:
called_computation_lowered:
.L_overlay_start_0:
0x88: {  	s2 =	sld [smem:$0x3FD9]  }
0x89: {  	s3 =	sld [smem:$0x3FFE];
	_ =	sdelay $0x1  }
0x8a: {  	s1 =	srdreg.scid  }
0x8b: {  	s0 =	sand.u32 $0x1, s1  }
0x8c: {  	s16 =	sshll.u32 s0, $0xA;
	s2 =	sadd.s32 s3, s2  }
0x8d: {  	s2 =	sadd.s32 s2, s16  }
0x8e: {  	[smem:$0x3FC6] =	sst s2  }
0x8f: {  	_ = 	snop  }
0x90: {  	(tm) =	ssettm $0x1  }
0x91: {  	s17 =	sld [smem:$0x3FFB];
	_ =	sdelay $0x3  }
0x92: {  	_ =	strace s17  }
0x93: {  	s2 =	sld [smem:$0x3FFC];
	_ =	sdelay $0x3  }
0x94: {  	_ =	strace s2  }
0x95: {  	s2 =	sld [smem:$0x3FFD];
	_ =	sdelay $0x3  }
0x96: {  	_ =	strace s2  }
0x97: {  	_ =	strace $0x8FFFFFFF  }
0x98: {  	s18 =	sld [smem:$0x3FDB];
	_ =	sdelay $0x1  }
0x99: {  	s19 =	simm.s32 $_scs_section_size  }
0x9a: {  	s4 =	simm.s32 $_size__tile_overlayer_lowered;
	s5 =	simm.s32 $_tile_overlayer_lowered  }
0x9b: {  	s22 =	simm.s32 $0x1BFF;
	s21 =	sshll.u32 s5, $0x1;
	s2 =	sadd.s32 s19, s18  }
0x9c: {  	s6 =	simm.s32 $0x0;
	s20 =	sshll.u32 s4, $0x1;
	s4 =	sadd.s32 s21, s2  }
0x9d: {  	[timem:s6], [sflag:s22] =	dma.local [hbm:s4], s20  }
0x9e: {  	_ =	swait.ge [sflag:s22], s20  }
0x9f: {  	s3 =	ssub.s32 $0x0, s20;
	[sflag:s22] =	ssyncset.done $0x0  }
0xa0: {  	[sflag:s22] =	ssyncadd.s32 s3;
	_ =	sdelay $0x1  }
0xa1: {  	s23 =	simm.s32 $0x1B8B  }
0xa2: {  	_ =	swait.ge [sflag:s23], $0x1  }
0xa3: {  	[sflag:s23] =	ssyncset.done $0x0  }
0xa4: {  	s25 =	simm.s32 $0x1B8E;
	s24 =	sld [smem:$0x3FFE];
	[sflag:s23] =	ssyncadd.s32 $0xFFFFFFFF  }
0xa5: {  	s26 =	simm.s32 $execute0_lowered;
	[smem:$0x3FD2] =	sst s25  }
0xa6: {  	s4 =	sshll.u32 s26, $0x1;
	_ =	strace $0x80000046;
	[dreg:$0x1] =	wrdreg $0xFFFFFFFF  }
0xa7: {  	s28 =	simm.s32 $_size_execute0_lowered;
	s2 =	sadd.s32 s2, s4;
	[dreg:$0x0] =	wrdreg $0x0  }
0xa8: {  	s4 =	sshll.u32 s28, $0x1;
	[dreg:$0x2] =	wrdreg s2  }
0xa9: {  	[dreg:$0x3] =	wrdreg s4  }
0xaa: {  	[dreg:$0x4] =	wrdreg $0xC0  }
0xab: {  	_ =	task [dreg:s6], $0x5FFFF  }
0xac: {  	[dreg:$0x1] =	wrdreg $0xFFFFFFFF  }
0xad: {  	[dreg:$0x0] =	wrdreg $0x60  }
0xae: {  	[dreg:$0x2] =	wrdreg s24  }
0xaf: {  	[dreg:$0x3] =	wrdreg $0x9  }
0xb0: {  	_ =	task.clear_ibuf [dreg:s6], $0x4FFFF;
	_ =	strace $0x90000046  }
0xb1: {  	s29 =	simm.s32 $0x9;
	_ =	strace $0x80000048  }
0xb2: {  	_ =	swait.ge [sflag:s29], $0x1  }
0xb3: {  	[sflag:s29] =	ssyncadd.s32 $0xFFFFFFFF  }
0xb4: {  	_ =	strace $0x90000048  }
0xb5: {  	_ =	sfence  }
0xb6: {  	s30 =	sld [smem:$0x0];
	_ =	sdelay $0x2  }
0xb7: {  	s31 =	sshll.u32 s1, $0xD;
	s1 =	sshrl.u32 s1, $0x2  }
0xb8: {  	s3 =	sand.u32 $0x4000, s31;
	s1 =	sadd.s32 s1, s30  }
0xb9: {  	s0 =	sor.u32 s3, s0;
	s1 =	sshll.u32 s1, $0x11  }
0xba: {  	s0 =	sor.u32 s1, s0  }
0xbb: {  	s0 =	sadd.s32 $0x8F2B, s0  }
0xbc: {  	[sflag:s0] =	ssyncadd.remote.s32 $0x1  }
0xbd: {  	_ =	sfence.sel $0xFFFF  }
0xbe: {  	[dreg:$0x0] =	wrdreg $0xFFFFFFFF;
	(pc) =	sbr.abs _section_cstart, $3  }
0xbf: {  	[dreg:$0x1] =	wrdreg $0xFFFFFFFF  }
0xc0: {  	_ =	task.clear_ibuf [dreg:s6], $0x2FFFF;
	_ =	strace $0x9FFFFFFF  }
0xc1: {  	(tm) =	ssettm $0x7FFFFFFF  }
tec
execute0_lowered:
.L_overlay_start_1:
0x0: {  	(tag) =	ssettag $0x1  }
0x1: {  	s1 =	srdreg.scid  }
0x2: {  	s0 =	stileid.u32;
	s2 =	rddreg [dreg:$0x0];
	s3 =	simm.s32 $0x0  }
0x3: {  	s10 =	simm.s32 $0x880;
	s11 =	simm.s32 $0x300;
	s12 =	simm.s32 $0x900  }
0x4: {  	s13 =	simm.s32 $0x380;
	s14 =	simm.s32 $0x980;
	s15 =	simm.s32 $0x400  }
0x5: {  	s16 =	simm.s32 $0xA00;
	s17 =	simm.s32 $0x480;
	s18 =	simm.s32 $0xA80  }
0x6: {  	s19 =	simm.s32 $0x500;
	s20 =	simm.s32 $0xB00;
	s21 =	simm.s32 $0x580  }
0x7: {  	s22 =	simm.s32 $0xB80;
	s23 =	simm.s32 $0x600;
	s28 =	simm.s32 $0x700  }
0x8: {  	s29 =	simm.s32 $0xD00;
	s1 =	sand.u32 $0x1, s1;
	s4 =	sshll.u32 s0, $0xA  }
0x9: {  	[smem:$0x7FF] =	sst s3;
	s6 =	sshrl.u32 s0, $0x2;
	s7 =	sadd.s32 $0x4800, s2  }
0xa: {  	s5 =	sshll.u32 s1, $0x9;
	_ =	strace $0x80000047;
	s1 =	ssub.s32 $0x2, s1  }
0xb: {  	s8 =	smul.u32 $0x3000, s6;
	s30 =	sshll.u32 s6, $0xF;
	s4 =	sor.u32 s5, s4  }
0xc: {  	s9 =	sshrl.u32 s1, $0x1;
	s31 =	sor.u32 $0x1000, s30;
	s0 =	sor.u32 $0x2000, s30  }
0xd: {  	v0 =	vmov s30;
	s30 =	simm.s32 $0x780;
	s5 =	sshrl.u32 s4, $0x3;
	s4 =	sand.u32 $0xE00, s4  }
0xe: {  	s1 =	ssub.s32 s1, s9;
	s9 =	simm.s32 $0x280;
	v1 =	vmov s31;
	s31 =	simm.s32 $0xD80  }
0xf: {  	s5 =	sadd.s32 s5, s2;
	s4 =	sor.u32 s8, s4;
	s8 =	simm.s32 $0x800  }
0x10: {  	s5 =	sadd.s32 $0x4000, s5;
	s24 =	sshrl.u32 s4, $0x3;
	s25 =	sadd.s32 $0x1000, s4  }
0x11: {  	s4 =	sadd.s32 $0x2000, s4;
	[dreg:$0x2] =	wrdreg s5;
	s5 =	sadd.s32 s7, s24  }
0x12: {  	s6 =	sshrl.u32 s25, $0x3;
	s4 =	sshrl.u32 s4, $0x3;
	s24 =	simm.s32 $0xC00  }
0x13: {  	s25 =	simm.s32 $0x680;
	[dreg:$0x3] =	wrdreg s5;
	s26 =	sadd.s32 s7, s6  }
0x14: {  	s4 =	sadd.s32 s7, s4;
	s5 =	simm.s32 $0x2;
	[dreg:$0x4] =	wrdreg s26  }
0x15: {  	s6 =	simm.s32 $0x80;
	s7 =	simm.s32 $0x200;
	[dreg:$0x5] =	wrdreg s4  }
0x16: {  	v2 =	vmov s0;
	s4 =	smax.u32 s1, $0x1;
	s26 =	simm.s32 $0xC80;
	s1 =	simm.s32 $0x1  }
.LBB2_1:
0x17: {  	s0 =	rddreg [dreg:$0x2]  }
0x18: {  	[tilespmem:s3], [sflag:$0x2] =	stream.linear.gather [hbm4b:s0+s3], $0x200, $0x38;
	[tilespmem:$0xE00] =	vst v63  }
0x19: {  	_ =	swait.ge [sflag:s5], $0x200  }
0x1a: {  	[sflag:s5] =	ssyncset.done $0x0  }
0x1b: {  	[sflag:s5] =	ssyncadd.s32 $0xFFFFFE00  }
0x1c: {  	v3 =	vld [tilespmem:$0x0]  }
0x1d: {  	v4 =	vld [tilespmem:$0x10]  }
0x1e: {  	v5 =	vld [tilespmem:$0x20]  }
0x1f: {  	v6 =	vld [tilespmem:$0x30]  }
0x20: {  	v7 =	vld [tilespmem:$0x40]  }
0x21: {  	v8 =	vld [tilespmem:$0x50];
	v3 =	vadd.s32 v0, v3  }
0x22: {  	v26 =	vld [tilespmem:$0x60];
	[tilespmem:$0x200] =	vst v3;
	v3 =	vadd.s32 v0, v4  }
0x23: {  	v27 =	vld [tilespmem:$0x70];
	[tilespmem:$0x210] =	vst v3;
	v3 =	vadd.s32 v0, v5  }
0x24: {  	v28 =	vld [tilespmem:$0x80];
	[tilespmem:$0x220] =	vst v3;
	v3 =	vadd.s32 v0, v6  }
0x25: {  	v29 =	vld [tilespmem:$0x90];
	[tilespmem:$0x230] =	vst v3;
	v3 =	vadd.s32 v0, v7  }
0x26: {  	v30 =	vld [tilespmem:$0xA0];
	[tilespmem:$0x240] =	vst v3;
	v3 =	vadd.s32 v0, v8  }
0x27: {  	v31 =	vld [tilespmem:$0xB0];
	[tilespmem:$0x250] =	vst v3;
	v3 =	vadd.s32 v0, v26  }
0x28: {  	v32 =	vld [tilespmem:$0xC0];
	[tilespmem:$0x260] =	vst v3;
	v3 =	vadd.s32 v0, v27  }
0x29: {  	v33 =	vld [tilespmem:$0xD0];
	[tilespmem:$0x270] =	vst v3;
	v3 =	vadd.s32 v0, v28  }
0x2a: {  	v34 =	vld [tilespmem:$0xE0];
	[tilespmem:$0x280] =	vst v3;
	v3 =	vadd.s32 v0, v29  }
0x2b: {  	v35 =	vld [tilespmem:$0xF0];
	[tilespmem:$0x290] =	vst v3;
	v3 =	vadd.s32 v0, v30  }
0x2c: {  	v36 =	vld [tilespmem:$0x100];
	[tilespmem:$0x2A0] =	vst v3;
	v3 =	vadd.s32 v0, v31  }
0x2d: {  	v37 =	vld [tilespmem:$0x110];
	[tilespmem:$0x2B0] =	vst v3;
	v3 =	vadd.s32 v0, v32  }
0x2e: {  	v38 =	vld [tilespmem:$0x120];
	[tilespmem:$0x2C0] =	vst v3;
	v3 =	vadd.s32 v0, v33  }
0x2f: {  	v39 =	vld [tilespmem:$0x130];
	[tilespmem:$0x2D0] =	vst v3;
	v3 =	vadd.s32 v0, v34  }
0x30: {  	v40 =	vld [tilespmem:$0x140];
	[tilespmem:$0x2E0] =	vst v3;
	v3 =	vadd.s32 v0, v35  }
0x31: {  	v41 =	vld [tilespmem:$0x150];
	[tilespmem:$0x2F0] =	vst v3;
	v3 =	vadd.s32 v0, v36  }
0x32: {  	v42 =	vld [tilespmem:$0x160];
	[tilespmem:$0x300] =	vst v3;
	v3 =	vadd.s32 v0, v37  }
0x33: {  	v43 =	vld [tilespmem:$0x170];
	[tilespmem:$0x310] =	vst v3;
	v3 =	vadd.s32 v0, v38  }
0x34: {  	v44 =	vld [tilespmem:$0x180];
	[tilespmem:$0x320] =	vst v3;
	v3 =	vadd.s32 v0, v39  }
0x35: {  	v45 =	vld [tilespmem:$0x190];
	[tilespmem:$0x330] =	vst v3;
	v3 =	vadd.s32 v0, v40  }
0x36: {  	v46 =	vld [tilespmem:$0x1A0];
	[tilespmem:$0x340] =	vst v3;
	v3 =	vadd.s32 v0, v41  }
0x37: {  	v47 =	vld [tilespmem:$0x1B0];
	[tilespmem:$0x350] =	vst v3;
	v3 =	vadd.s32 v0, v42  }
0x38: {  	v48 =	vld [tilespmem:$0x1C0];
	[tilespmem:$0x360] =	vst v3;
	v3 =	vadd.s32 v0, v43  }
0x39: {  	v49 =	vld [tilespmem:$0x1D0];
	[tilespmem:$0x370] =	vst v3;
	v3 =	vadd.s32 v0, v44  }
0x3a: {  	v50 =	vld [tilespmem:$0x1E0];
	[tilespmem:$0x380] =	vst v3;
	v3 =	vadd.s32 v0, v45  }
0x3b: {  	v51 =	vld [tilespmem:$0x1F0];
	[tilespmem:$0x390] =	vst v3;
	v3 =	vadd.s32 v0, v46  }
0x3c: {  	v52 =	vld [tilespmem:$0x0];
	[tilespmem:$0x3A0] =	vst v3;
	v3 =	vadd.s32 v0, v47  }
0x3d: {  	v53 =	vld [tilespmem:$0x10];
	[tilespmem:$0x3B0] =	vst v3;
	v3 =	vadd.s32 v0, v48  }
0x3e: {  	v54 =	vld [tilespmem:$0x20];
	[tilespmem:$0x3C0] =	vst v3;
	v3 =	vadd.s32 v0, v49  }
0x3f: {  	v55 =	vld [tilespmem:$0x30];
	[tilespmem:$0x3D0] =	vst v3;
	v3 =	vadd.s32 v0, v50  }
0x40: {  	v56 =	vld [tilespmem:$0x40];
	[tilespmem:$0x3E0] =	vst v3;
	v3 =	vadd.s32 v0, v51  }
0x41: {  	v57 =	vld [tilespmem:$0x50];
	[tilespmem:$0x3F0] =	vst v3;
	v3 =	vadd.s32 v1, v52  }
0x42: {  	v58 =	vld [tilespmem:$0x60];
	[tilespmem:$0x400] =	vst v3;
	v3 =	vadd.s32 v1, v53  }
0x43: {  	v59 =	vld [tilespmem:$0x70];
	[tilespmem:$0x410] =	vst v3;
	v3 =	vadd.s32 v1, v54  }
0x44: {  	v60 =	vld [tilespmem:$0x80];
	[tilespmem:$0x420] =	vst v3;
	v3 =	vadd.s32 v1, v55  }
0x45: {  	v61 =	vld [tilespmem:$0x90];
	[tilespmem:$0x430] =	vst v3;
	v3 =	vadd.s32 v1, v56  }
0x46: {  	v62 =	vld [tilespmem:$0xA0];
	[tilespmem:$0x440] =	vst v3;
	v3 =	vadd.s32 v1, v57  }
0x47: {  	v63 =	vld [tilespmem:$0xB0];
	[tilespmem:$0x450] =	vst v3;
	v3 =	vadd.s32 v1, v58  }
0x48: {  	v12 =	vld [tilespmem:$0xC0];
	[tilespmem:$0x460] =	vst v3;
	v3 =	vadd.s32 v1, v59  }
0x49: {  	v13 =	vld [tilespmem:$0xD0];
	[tilespmem:$0x470] =	vst v3;
	v3 =	vadd.s32 v1, v60  }
0x4a: {  	v14 =	vld [tilespmem:$0xE0];
	[tilespmem:$0x480] =	vst v3;
	v3 =	vadd.s32 v1, v61  }
0x4b: {  	v15 =	vld [tilespmem:$0xF0];
	[tilespmem:$0x490] =	vst v3;
	v3 =	vadd.s32 v1, v62  }
0x4c: {  	v16 =	vld [tilespmem:$0x100];
	[tilespmem:$0x4A0] =	vst v3;
	v3 =	vadd.s32 v1, v63  }
0x4d: {  	v17 =	vld [tilespmem:$0x110];
	[tilespmem:$0x4B0] =	vst v3;
	v3 =	vadd.s32 v1, v12  }
0x4e: {  	v18 =	vld [tilespmem:$0x120];
	[tilespmem:$0x4C0] =	vst v3;
	v3 =	vadd.s32 v1, v13  }
0x4f: {  	v19 =	vld [tilespmem:$0x130];
	[tilespmem:$0x4D0] =	vst v3;
	v3 =	vadd.s32 v1, v14  }
0x50: {  	v20 =	vld [tilespmem:$0x140];
	[tilespmem:$0x4E0] =	vst v3;
	v3 =	vadd.s32 v1, v15  }
0x51: {  	v21 =	vld [tilespmem:$0x150];
	[tilespmem:$0x4F0] =	vst v3;
	v3 =	vadd.s32 v1, v16  }
0x52: {  	v22 =	vld [tilespmem:$0x160];
	[tilespmem:$0x500] =	vst v3;
	v3 =	vadd.s32 v1, v17  }
0x53: {  	v23 =	vld [tilespmem:$0x170];
	[tilespmem:$0x510] =	vst v3;
	v3 =	vadd.s32 v1, v18  }
0x54: {  	v24 =	vld [tilespmem:$0x180];
	[tilespmem:$0x520] =	vst v3;
	v3 =	vadd.s32 v1, v19  }
0x55: {  	v25 =	vld [tilespmem:$0x190];
	[tilespmem:$0x530] =	vst v3;
	v3 =	vadd.s32 v1, v20  }
0x56: {  	v26 =	vld [tilespmem:$0x1A0];
	[tilespmem:$0x540] =	vst v3;
	v3 =	vadd.s32 v1, v21  }
0x57: {  	v27 =	vld [tilespmem:$0x1B0];
	[tilespmem:$0x550] =	vst v3;
	v3 =	vadd.s32 v1, v22  }
0x58: {  	v28 =	vld [tilespmem:$0x1C0];
	[tilespmem:$0x560] =	vst v3;
	v3 =	vadd.s32 v1, v23  }
0x59: {  	v29 =	vld [tilespmem:$0x1D0];
	[tilespmem:$0x570] =	vst v3;
	v3 =	vadd.s32 v1, v24  }
0x5a: {  	v30 =	vld [tilespmem:$0x1E0];
	[tilespmem:$0x580] =	vst v3;
	v3 =	vadd.s32 v1, v25  }
0x5b: {  	v31 =	vld [tilespmem:$0x1F0];
	[tilespmem:$0x590] =	vst v3;
	v3 =	vadd.s32 v1, v26  }
0x5c: {  	v32 =	vld [tilespmem:$0x0];
	[tilespmem:$0x5A0] =	vst v3;
	v3 =	vadd.s32 v1, v27  }
0x5d: {  	v33 =	vld [tilespmem:$0x10];
	[tilespmem:$0x5B0] =	vst v3;
	v3 =	vadd.s32 v1, v28  }
0x5e: {  	v34 =	vld [tilespmem:$0x20];
	[tilespmem:$0x5C0] =	vst v3;
	v3 =	vadd.s32 v1, v29  }
0x5f: {  	v35 =	vld [tilespmem:$0x30];
	[tilespmem:$0x5D0] =	vst v3;
	v3 =	vadd.s32 v1, v30  }
0x60: {  	v36 =	vld [tilespmem:$0x40];
	[tilespmem:$0x5E0] =	vst v3;
	v3 =	vadd.s32 v1, v31  }
0x61: {  	v37 =	vld [tilespmem:$0x50];
	[tilespmem:$0x5F0] =	vst v3;
	v3 =	vadd.s32 v2, v32  }
0x62: {  	v38 =	vld [tilespmem:$0x60];
	[tilespmem:$0x600] =	vst v3;
	v3 =	vadd.s32 v2, v33  }
0x63: {  	v39 =	vld [tilespmem:$0x70];
	[tilespmem:$0x610] =	vst v3;
	v3 =	vadd.s32 v2, v34  }
0x64: {  	v40 =	vld [tilespmem:$0x80];
	[tilespmem:$0x620] =	vst v3;
	v3 =	vadd.s32 v2, v35  }
0x65: {  	v41 =	vld [tilespmem:$0x90];
	[tilespmem:$0x630] =	vst v3;
	v3 =	vadd.s32 v2, v36  }
0x66: {  	v42 =	vld [tilespmem:$0xA0];
	[tilespmem:$0x640] =	vst v3;
	v3 =	vadd.s32 v2, v37  }
0x67: {  	v43 =	vld [tilespmem:$0xB0];
	[tilespmem:$0x650] =	vst v3;
	v3 =	vadd.s32 v2, v38  }
0x68: {  	v44 =	vld [tilespmem:$0xC0];
	[tilespmem:$0x660] =	vst v3;
	v3 =	vadd.s32 v2, v39  }
0x69: {  	v45 =	vld [tilespmem:$0xD0];
	[tilespmem:$0x670] =	vst v3;
	v3 =	vadd.s32 v2, v40  }
0x6a: {  	v46 =	vld [tilespmem:$0xE0];
	[tilespmem:$0x680] =	vst v3;
	v3 =	vadd.s32 v2, v41  }
0x6b: {  	v47 =	vld [tilespmem:$0xF0];
	[tilespmem:$0x690] =	vst v3;
	v3 =	vadd.s32 v2, v42  }
0x6c: {  	v48 =	vld [tilespmem:$0x100];
	[tilespmem:$0x6A0] =	vst v3;
	v3 =	vadd.s32 v2, v43  }
0x6d: {  	v49 =	vld [tilespmem:$0x110];
	[tilespmem:$0x6B0] =	vst v3;
	v3 =	vadd.s32 v2, v44  }
0x6e: {  	v50 =	vld [tilespmem:$0x120];
	[tilespmem:$0x6C0] =	vst v3;
	v3 =	vadd.s32 v2, v45  }
0x6f: {  	v51 =	vld [tilespmem:$0x130];
	[tilespmem:$0x6D0] =	vst v3;
	v3 =	vadd.s32 v2, v46  }
0x70: {  	v52 =	vld [tilespmem:$0x140];
	[tilespmem:$0x6E0] =	vst v3;
	v3 =	vadd.s32 v2, v47  }
0x71: {  	v53 =	vld [tilespmem:$0x150];
	[tilespmem:$0x6F0] =	vst v3;
	v3 =	vadd.s32 v2, v48  }
0x72: {  	v54 =	vld [tilespmem:$0x160];
	[tilespmem:$0x700] =	vst v3;
	v3 =	vadd.s32 v2, v49  }
0x73: {  	v55 =	vld [tilespmem:$0x170];
	[tilespmem:$0x710] =	vst v3;
	v3 =	vadd.s32 v2, v50  }
0x74: {  	v56 =	vld [tilespmem:$0x180];
	[tilespmem:$0x720] =	vst v3;
	v3 =	vadd.s32 v2, v51  }
0x75: {  	v57 =	vld [tilespmem:$0x190];
	[tilespmem:$0x730] =	vst v3;
	v3 =	vadd.s32 v2, v52  }
0x76: {  	v58 =	vld [tilespmem:$0x1A0];
	[tilespmem:$0x740] =	vst v3;
	v3 =	vadd.s32 v2, v53  }
0x77: {  	v59 =	vld [tilespmem:$0x1B0];
	[tilespmem:$0x750] =	vst v3;
	v3 =	vadd.s32 v2, v54  }
0x78: {  	v60 =	vld [tilespmem:$0x1C0];
	[tilespmem:$0x760] =	vst v3;
	v3 =	vadd.s32 v2, v55  }
0x79: {  	v61 =	vld [tilespmem:$0x1D0];
	[tilespmem:$0x770] =	vst v3;
	v3 =	vadd.s32 v2, v56  }
0x7a: {  	v62 =	vld [tilespmem:$0x1E0];
	[tilespmem:$0x780] =	vst v3;
	v3 =	vadd.s32 v2, v57  }
0x7b: {  	v63 =	vld [tilespmem:$0x1F0];
	[tilespmem:$0x790] =	vst v3;
	v3 =	vadd.s32 v2, v58  }
0x7c: {  	[tilespmem:$0x7A0] =	vst v3;
	v3 =	vadd.s32 v2, v59  }
0x7d: {  	[tilespmem:$0x7B0] =	vst v3;
	v3 =	vadd.s32 v2, v60  }
0x7e: {  	[tilespmem:$0x7C0] =	vst v3;
	v3 =	vadd.s32 v2, v61  }
0x7f: {  	[tilespmem:$0x7D0] =	vst v3;
	v3 =	vadd.s32 v2, v62  }
0x80: {  	[tilespmem:$0x7E0] =	vst v3;
	v3 =	vadd.s32 v2, v63  }
0x81: {  	[tilespmem:$0x7F0] =	vst v3  }
0x82: {  	[tilespmem:s8], [sflag:$0x1] =	stream.indirect.gather [hbm4b:s2+s6], $0x1, s7, s6, $0xb8;
	[tilespmem:$0xE00] =	vst v63  }
0x83: {  	_ = 	snop  }
0x84: {  	[tilespmem:s10], [sflag:$0x1] =	stream.indirect.gather [hbm4b:s2+s6], $0x1, s9, s6, $0xb8;
	[tilespmem:$0xE00] =	vst v63  }
0x85: {  	_ = 	snop  }
0x86: {  	[tilespmem:s12], [sflag:$0x1] =	stream.indirect.gather [hbm4b:s2+s6], $0x1, s11, s6, $0xb8;
	[tilespmem:$0xE00] =	vst v63  }
0x87: {  	_ = 	snop  }
0x88: {  	[tilespmem:s14], [sflag:$0x1] =	stream.indirect.gather [hbm4b:s2+s6], $0x1, s13, s6, $0xb8;
	[tilespmem:$0xE00] =	vst v63  }
0x89: {  	_ = 	snop  }
0x8a: {  	[tilespmem:s16], [sflag:$0x1] =	stream.indirect.gather [hbm4b:s2+s6], $0x1, s15, s6, $0xb8;
	[tilespmem:$0xE00] =	vst v63  }
0x8b: {  	_ = 	snop  }
0x8c: {  	[tilespmem:s18], [sflag:$0x1] =	stream.indirect.gather [hbm4b:s2+s6], $0x1, s17, s6, $0xb8;
	[tilespmem:$0xE00] =	vst v63  }
0x8d: {  	_ = 	snop  }
0x8e: {  	[tilespmem:s20], [sflag:$0x1] =	stream.indirect.gather [hbm4b:s2+s6], $0x1, s19, s6, $0xb8;
	[tilespmem:$0xE00] =	vst v63  }
0x8f: {  	_ = 	snop  }
0x90: {  	[tilespmem:s22], [sflag:$0x1] =	stream.indirect.gather [hbm4b:s2+s6], $0x1, s21, s6, $0xb8;
	[tilespmem:$0xE00] =	vst v63  }
0x91: {  	_ = 	snop  }
0x92: {  	[tilespmem:s24], [sflag:$0x1] =	stream.indirect.gather [hbm4b:s2+s6], $0x1, s23, s6, $0xb8;
	[tilespmem:$0xE00] =	vst v63  }
0x93: {  	_ = 	snop  }
0x94: {  	[tilespmem:s26], [sflag:$0x1] =	stream.indirect.gather [hbm4b:s2+s6], $0x1, s25, s6, $0xb8;
	[tilespmem:$0xE00] =	vst v63  }
0x95: {  	_ = 	snop  }
0x96: {  	[tilespmem:s29], [sflag:$0x1] =	stream.indirect.gather [hbm4b:s2+s6], $0x1, s28, s6, $0xb8;
	[tilespmem:$0xE00] =	vst v63  }
0x97: {  	_ = 	snop  }
0x98: {  	[tilespmem:s31], [sflag:$0x1] =	stream.indirect.gather [hbm4b:s2+s6], $0x1, s30, s6, $0xb8;
	[tilespmem:$0xE00] =	vst v63  }
0x99: {  	_ =	swait.ge [sflag:s1], $0x80  }
0x9a: {  	[sflag:s1] =	ssyncset.done $0x0  }
0x9b: {  	[sflag:s1] =	ssyncadd.s32 $0xFFFFFF80  }
0x9c: {  	_ =	swait.ge [sflag:s1], $0x80  }
0x9d: {  	[sflag:s1] =	ssyncset.done $0x0  }
0x9e: {  	[sflag:s1] =	ssyncadd.s32 $0xFFFFFF80  }
0x9f: {  	_ =	swait.ge [sflag:s1], $0x80  }
0xa0: {  	[sflag:s1] =	ssyncset.done $0x0  }
0xa1: {  	[sflag:s1] =	ssyncadd.s32 $0xFFFFFF80  }
0xa2: {  	_ =	swait.ge [sflag:s1], $0x80  }
0xa3: {  	[sflag:s1] =	ssyncset.done $0x0  }
0xa4: {  	[sflag:s1] =	ssyncadd.s32 $0xFFFFFF80  }
0xa5: {  	_ =	swait.ge [sflag:s1], $0x80  }
0xa6: {  	[sflag:s1] =	ssyncset.done $0x0  }
0xa7: {  	[sflag:s1] =	ssyncadd.s32 $0xFFFFFF80  }
0xa8: {  	_ =	swait.ge [sflag:s1], $0x80  }
0xa9: {  	[sflag:s1] =	ssyncset.done $0x0  }
0xaa: {  	[sflag:s1] =	ssyncadd.s32 $0xFFFFFF80  }
0xab: {  	_ =	swait.ge [sflag:s1], $0x80  }
0xac: {  	[sflag:s1] =	ssyncset.done $0x0  }
0xad: {  	[sflag:s1] =	ssyncadd.s32 $0xFFFFFF80  }
0xae: {  	_ =	swait.ge [sflag:s1], $0x80  }
0xaf: {  	[sflag:s1] =	ssyncset.done $0x0  }
0xb0: {  	[sflag:s1] =	ssyncadd.s32 $0xFFFFFF80  }
0xb1: {  	_ =	swait.ge [sflag:s1], $0x80  }
0xb2: {  	[sflag:s1] =	ssyncset.done $0x0  }
0xb3: {  	[sflag:s1] =	ssyncadd.s32 $0xFFFFFF80  }
0xb4: {  	_ =	swait.ge [sflag:s1], $0x80  }
0xb5: {  	[sflag:s1] =	ssyncset.done $0x0  }
0xb6: {  	[sflag:s1] =	ssyncadd.s32 $0xFFFFFF80  }
0xb7: {  	_ =	swait.ge [sflag:s1], $0x80  }
0xb8: {  	[sflag:s1] =	ssyncset.done $0x0  }
0xb9: {  	[sflag:s1] =	ssyncadd.s32 $0xFFFFFF80  }
0xba: {  	_ =	swait.ge [sflag:s1], $0x80  }
0xbb: {  	[sflag:s1] =	ssyncset.done $0x0  }
0xbc: {  	s0 =	rddreg [dreg:$0x3];
	[sflag:s1] =	ssyncadd.s32 $0xFFFFFF80  }
0xbd: {  	[hbm4b:s0+s3] =	stream.linear.scatter [tilespmem:s8], [sflag:$0x2], $0x200, $0x38;
	[tilespmem:$0xE00] =	vst v63  }
0xbe: {  	_ =	swait.ge [sflag:s5], $0x200  }
0xbf: {  	[sflag:s5] =	ssyncset.done $0x0  }
0xc0: {  	s0 =	rddreg [dreg:$0x4];
	[sflag:s5] =	ssyncadd.s32 $0xFFFFFE00  }
0xc1: {  	[hbm4b:s0+s3] =	stream.linear.scatter [tilespmem:s16], [sflag:$0x2], $0x200, $0x38;
	[tilespmem:$0xE00] =	vst v63  }
0xc2: {  	_ =	swait.ge [sflag:s5], $0x200  }
0xc3: {  	p0 =	sne.s32 s4, $0x1;
	[sflag:s5] =	ssyncset.done $0x0  }
.Ltmp0:
0xc4: {  	s0 =	rddreg [dreg:$0x5];
	[sflag:s5] =	ssyncadd.s32 $0xFFFFFE00;
	(pc) =	sbr.rel @p0 .LBB2_1-.Ltmp0, $4  }
0xc5: {  	[hbm4b:s0+s3] =	stream.linear.scatter [tilespmem:s24], [sflag:$0x2], $0x200, $0x38;
	[tilespmem:$0xE00] =	vst v63  }
0xc6: {  	_ =	swait.ge [sflag:s5], $0x200  }
0xc7: {  	[sflag:s5] =	ssyncset.done $0x0  }
0xc8: {  	s4 =	sadd.s32 $0xFFFFFFFF, s4;
	[sflag:s5] =	ssyncadd.s32 $0xFFFFFE00  }
0xc9: {  	_ =	sfence.sel $0x180000  }
0xca: {  	[bflag:$0x0] =	sbarrier.arrive $0xFFFF  }
0xcb: {  	_ =	strace $0x90000047  }
0xcc: {  	s0 =	stileid.u32;
	[bflag:$0x2] =	sbarrier.arrive $0xFFFF  }
0xcd: {  	p0 =	sne.s32 s0, $0x0;
	s0 =	rddreg [dreg:$0x1]  }
0xce: {  	s0 =	sadd.s32 @!p0 $0x100000, s0  }
0xcf: {  	[sflag:s0] =	ssyncadd.tile.s32 @!p0 $0x1;
	_ =	shalt  }
.Lfunc_end2:
_tile_overlayer_lowered:
.L_overlay_start_2:
0xd0: {  	(tag) =	ssettag $0x2  }
0xd1: {  	s0 =	rddreg [dreg:$0x0];
	s2 =	stileid.u32  }
0xd2: {  	s1 =	rddreg [dreg:$0x1];
	p0 =	sne.s32 s2, $0x0  }
0xd3: {  	s3 =	rddreg [dreg:$0x2];
	[bflag:$0x3] =	sbarrier.arrive $0xFFFF;
	s2 =	simm.s32 @!p0 $0x1C02  }
0xd4: {  	[timem:s3], [sflag:s2] =	dma.local @!p0 [hbm:s0], s1  }
0xd5: {  	s0 =	simm.s32 @!p0 $0x2  }
0xd6: {  	_ =	swait.ge @!p0 [sflag:s0], s1  }
0xd7: {  	s1 =	ssub.s32 @!p0 $0x0, s1;
	[sflag:s0] =	ssyncset.done @!p0 $0x0  }
0xd8: {  	[sflag:s0] =	ssyncadd.s32 @!p0 s1  }
0xd9: {  	[bflag:$0x3] =	sbarrier.arrive $0xFFFF  }
0xda: {  	_ =	shalt  }

</sc_bundles>
